<compile_context>
chip_gen: v7x
topology: tpu7x:2x2x1
jax: 0.10.2.dev20260603
libtpu: 0.0.44.dev20260713+nightly
codegen_flags: <defaults>
</compile_context>

<pallas_src>
import functools
import numpy as np
import jax
import jax.numpy as jnp
from jax.experimental import pallas as pl
from jax.experimental.pallas import tpu as pltpu

TOP_K = 30
KPAD = 32
NUM_RBF = 16
NUM_POS = 16
BIG = 1e30



def _knn_body(xr_x, xr_y, xr_z, xc_x, xc_y, xc_z,
              oidx, od, oxx, oxy, oxz):
    rx = xr_x[0]
    ry = xr_y[0]
    rz = xr_z[0]
    cx = xc_x[0]
    cy = xc_y[0]
    cz = xc_z[0]
    dx = rx - cx
    dy = ry - cy
    dz = rz - cz
    work = jnp.sqrt(dx * dx + dy * dy + dz * dz + 1e-6)
    tn, n = work.shape
    iota_n = jax.lax.broadcasted_iota(jnp.int32, (tn, n), 1).astype(jnp.float32)
    lane_k = jax.lax.broadcasted_iota(jnp.int32, (tn, KPAD), 1)
    acc_idx = jnp.zeros((tn, KPAD), jnp.float32)
    acc_d = jnp.zeros((tn, KPAD), jnp.float32)
    acc_x = jnp.zeros((tn, KPAD), jnp.float32)
    acc_y = jnp.zeros((tn, KPAD), jnp.float32)
    acc_z = jnp.zeros((tn, KPAD), jnp.float32)
    for k in range(TOP_K):
        m = jnp.min(work, axis=1, keepdims=True)
        idx = jnp.min(jnp.where(work == m, iota_n, float(n)), axis=1,
                      keepdims=True)
        chosen = iota_n == idx
        gx = jnp.sum(jnp.where(chosen, cx, 0.0), axis=1, keepdims=True)
        gy = jnp.sum(jnp.where(chosen, cy, 0.0), axis=1, keepdims=True)
        gz = jnp.sum(jnp.where(chosen, cz, 0.0), axis=1, keepdims=True)
        work = jnp.where(chosen, BIG, work)
        sel = lane_k == k
        acc_idx = jnp.where(sel, idx, acc_idx)
        acc_d = jnp.where(sel, m, acc_d)
        acc_x = jnp.where(sel, gx, acc_x)
        acc_y = jnp.where(sel, gy, acc_y)
        acc_z = jnp.where(sel, gz, acc_z)
    oidx[0] = acc_idx.astype(jnp.int32)
    od[0] = acc_d
    oxx[0] = acc_x
    oxy[0] = acc_y
    oxz[0] = acc_z


def _run_knn(xca, b, n, tn):
    col = lambda c: xca[:, :, c:c + 1]
    lane = lambda c: xca[:, :, c][:, None, :]
    row_spec = pl.BlockSpec((1, tn, 1), lambda i, t: (i, t, 0))
    lane_spec = pl.BlockSpec((1, 1, n), lambda i, t: (i, 0, 0))
    out_spec = pl.BlockSpec((1, tn, KPAD), lambda i, t: (i, t, 0))
    sd = jax.ShapeDtypeStruct
    outs = pl.pallas_call(
        _knn_body,
        grid=(b, n // tn),
        in_specs=[row_spec] * 3 + [lane_spec] * 3,
        out_specs=[out_spec] * 5,
        out_shape=[sd((b, n, KPAD), jnp.int32)] + [sd((b, n, KPAD), jnp.float32)] * 4,
    )(col(0), col(1), col(2), lane(0), lane(1), lane(2))
    return outs



def _edge_body(cols, whe, wsWe, wsbe, wve, ge, be, out):
    c = cols[...]
    idx_f = c[:, 0:1]
    n_i = c[:, 1:2]
    d = c[:, 2:3]
    dxx = c[:, 3:4] - c[:, 6:7]
    dxy = c[:, 4:5] - c[:, 7:8]
    dxz = c[:, 5:6] - c[:, 8:9]
    rt = c.shape[0]
    inv = 1.0 / jnp.sqrt(jnp.maximum(dxx * dxx + dxy * dxy + dxz * dxz, 1e-8))
    ux, uy, uz = dxx * inv, dxy * inv, dxz * inv
    mu = jax.lax.broadcasted_iota(jnp.int32, (rt, NUM_RBF), 1).astype(jnp.float32) * (20.0 / (NUM_RBF - 1))
    sig = 20.0 / NUM_RBF
    rbf = jnp.exp(-jnp.square((d - mu) / sig))
    j = jax.lax.broadcasted_iota(jnp.int32, (rt, NUM_POS // 2), 1).astype(jnp.float32)
    freq = jnp.exp(j * (-np.log(10000.0) / (NUM_POS // 2)))
    ang = (idx_f - n_i) * freq
    cosA = jnp.cos(ang)
    sinA = jnp.sin(ang)
    wh = whe[0:1, 0:1]
    wv = wve[0:1, 0:1]
    vhx, vhy, vhz = ux * wh, uy * wh, uz * wh
    vn = jnp.sqrt(jnp.maximum(vhx * vhx + vhy * vhy + vhz * vhz, 1e-8))
    s_cat = jnp.concatenate([rbf, cosA, sinA, vn], axis=1)
    s = jnp.dot(s_cat, wsWe[...], preferred_element_type=jnp.float32) + wsbe[...]
    mean = jnp.mean(s, axis=1, keepdims=True)
    var = jnp.mean(jnp.square(s - mean), axis=1, keepdims=True)
    s_ln = ge[...] * (s - mean) / jnp.sqrt(var + 1e-3) + be[...]
    out[...] = jnp.concatenate([vhx * wv, vhy * wv, vhz * wv, s_ln], axis=1)


def _run_edge(cols, whe, wsWe, wsbe, wve, ge, be, rows, rt):
    w_spec = lambda a: pl.BlockSpec(a.shape, lambda t: (0,) * a.ndim)
    out = pl.pallas_call(
        _edge_body,
        grid=(rows // rt,),
        in_specs=[pl.BlockSpec((rt, 9), lambda t: (t, 0))] +
                 [w_spec(a) for a in (whe, wsWe, wsbe, wve, ge, be)],
        out_specs=pl.BlockSpec((rt, 35), lambda t: (t, 0)),
        out_shape=jax.ShapeDtypeStruct((rows, 35), jnp.float32),
    )(cols, whe, wsWe, wsbe, wve, ge, be)
    return out



def _unit3(x, y, z):
    inv = 1.0 / jnp.sqrt(jnp.maximum(x * x + y * y + z * z, 1e-8))
    return x * inv, y * inv, z * inv


def _cross(ax, ay, az, bx, by, bz):
    return ay * bz - az * by, az * bx - ax * bz, ax * by - ay * bx


def _node_body(cols, whn, wsWn, wsbn, wvn, gn, bn, out):
    c = cols[...]
    v3 = lambda o: (c[:, o:o + 1], c[:, o + 1:o + 2], c[:, o + 2:o + 3])
    cam1, cm1, nn = v3(0), v3(3), v3(6)
    can, cn, np1, cap1 = v3(9), v3(12), v3(15), v3(18)
    m_first = c[:, 21:22]
    m_last = c[:, 22:23]
    sub = lambda a, b: (a[0] - b[0], a[1] - b[1], a[2] - b[2])
    u1 = _unit3(*sub(nn, cm1))
    u2 = _unit3(*sub(can, nn))
    u3 = _unit3(*sub(cn, can))
    u4 = _unit3(*sub(np1, cn))
    u5 = _unit3(*sub(cap1, np1))

    def dihed(a, bb, cc):
        n2 = _unit3(*_cross(*a, *bb))
        n1 = _unit3(*_cross(*bb, *cc))
        cosD = n2[0] * n1[0] + n2[1] * n1[1] + n2[2] * n1[2]
        cosD = jnp.clip(cosD, -1.0 + 1e-7, 1.0 - 1e-7)
        sgn = jnp.sign(a[0] * n1[0] + a[1] * n1[1] + a[2] * n1[2])
        return cosD, sgn * jnp.sqrt(1.0 - cosD * cosD)

    c0, s0 = dihed(u1, u2, u3)
    c1, s1 = dihed(u2, u3, u4)
    c2, s2 = dihed(u3, u4, u5)
    c0 = jnp.where(m_first > 0.5, 1.0, c0)
    s0 = jnp.where(m_first > 0.5, 0.0, s0)
    c1 = jnp.where(m_last > 0.5, 1.0, c1)
    s1 = jnp.where(m_last > 0.5, 0.0, s1)
    c2 = jnp.where(m_last > 0.5, 1.0, c2)
    s2 = jnp.where(m_last > 0.5, 0.0, s2)
    fw = _unit3(*sub(cap1, can))
    bw = _unit3(*sub(cam1, can))
    keep_l = 1.0 - m_last
    keep_f = 1.0 - m_first
    fw = (fw[0] * keep_l, fw[1] * keep_l, fw[2] * keep_l)
    bw = (bw[0] * keep_f, bw[1] * keep_f, bw[2] * keep_f)
    cv = _unit3(*sub(cn, can))
    nv = _unit3(*sub(nn, can))
    bis = _unit3(cv[0] + nv[0], cv[1] + nv[1], cv[2] + nv[2])
    perp = _unit3(*_cross(*cv, *nv))
    ca_, cb_ = -np.sqrt(1.0 / 3.0), -np.sqrt(2.0 / 3.0)
    vec = (bis[0] * ca_ + perp[0] * cb_,
           bis[1] * ca_ + perp[1] * cb_,
           bis[2] * ca_ + perp[2] * cb_)
    rt = c.shape[0]
    vh = []
    for sp in range(3):
        vh.append(vec[sp] * whn[0:1, :] + fw[sp] * whn[1:2, :] + bw[sp] * whn[2:3, :])
    vn = jnp.sqrt(jnp.maximum(vh[0] * vh[0] + vh[1] * vh[1] + vh[2] * vh[2], 1e-8))
    s_cat = jnp.concatenate([c0, c1, c2, s0, s1, s2, vn], axis=1)
    s = jnp.dot(s_cat, wsWn[...], preferred_element_type=jnp.float32) + wsbn[...]
    mean = jnp.mean(s, axis=1, keepdims=True)
    var = jnp.mean(jnp.square(s - mean), axis=1, keepdims=True)
    s_ln = gn[...] * (s - mean) / jnp.sqrt(var + 1e-3) + bn[...]
    vouts = [jnp.dot(vh[sp], wvn[...], preferred_element_type=jnp.float32)
             for sp in range(3)]
    out[...] = jnp.concatenate(vouts + [s_ln], axis=1)


def _run_node(cols, whn, wsWn, wsbn, wvn, gn, bn, rows, rt):
    w_spec = lambda a: pl.BlockSpec(a.shape, lambda t: (0,) * a.ndim)
    out = pl.pallas_call(
        _node_body,
        grid=(rows // rt,),
        in_specs=[pl.BlockSpec((rt, 23), lambda t: (t, 0))] +
                 [w_spec(a) for a in (whn, wsWn, wsbn, wvn, gn, bn)],
        out_specs=pl.BlockSpec((rt, 148), lambda t: (t, 0)),
        out_shape=jax.ShapeDtypeStruct((rows, 148), jnp.float32),
    )(cols, whn, wsWn, wsbn, wvn, gn, bn)
    return out



@jax.jit
def kernel(X, mask, wh_n, wsW_n, wsb_n, wv_n, wh_e, wsW_e, wsb_e, wv_e,
           gamma_n, beta_n, gamma_e, beta_e):
    b, n = X.shape[0], X.shape[1]
    xca = X[:, :, 1, :]
    idx32, d32, xx, xy, xz = _run_knn(xca, b, n, 256)
    E_idx = idx32[:, :, :TOP_K]

    rows_e = b * n * TOP_K
    flat = lambda a: a[:, :, :TOP_K].reshape(rows_e, 1)
    rep = lambda a: jnp.broadcast_to(a[:, :, None], (b, n, TOP_K)).reshape(rows_e, 1)
    n_i = jnp.broadcast_to(jnp.arange(n, dtype=jnp.float32)[None, :, None],
                           (b, n, TOP_K)).reshape(rows_e, 1)
    cols_e = jnp.concatenate([
        E_idx.astype(jnp.float32).reshape(rows_e, 1), n_i, flat(d32),
        flat(xx), flat(xy), flat(xz),
        rep(xca[:, :, 0]), rep(xca[:, :, 1]), rep(xca[:, :, 2]),
    ], axis=1)
    r2 = lambda a: a.reshape(1, -1)
    Eflat = _run_edge(cols_e, wh_e, wsW_e, r2(wsb_e), wv_e,
                      r2(gamma_e), r2(beta_e), rows_e, 2048)
    E_out = Eflat.reshape(b, n, TOP_K, 35)

    rows_n = b * n
    Na, CA, Cc = X[:, :, 0, :], X[:, :, 1, :], X[:, :, 2, :]
    prev = lambda a: jnp.pad(a[:, :-1, :], ((0, 0), (1, 0), (0, 0)))
    nxt = lambda a: jnp.pad(a[:, 1:, :], ((0, 0), (0, 1), (0, 0)))
    ar = jnp.arange(n)
    m_first = jnp.broadcast_to((ar == 0).astype(jnp.float32)[None, :, None], (b, n, 1))
    m_last = jnp.broadcast_to((ar == n - 1).astype(jnp.float32)[None, :, None], (b, n, 1))
    cols_n = jnp.concatenate([
        prev(CA), prev(Cc), Na, CA, Cc, nxt(Na), nxt(CA), m_first, m_last,
    ], axis=2).reshape(rows_n, 23)
    Vflat = _run_node(cols_n, wh_n, wsW_n, r2(wsb_n), wv_n,
                      r2(gamma_n), r2(beta_n), rows_n, 1024)
    V_out = Vflat.reshape(b, n, 148)
    return V_out, E_out, E_idx

# --- scband reference (transcript-rebuilt; emitter-appended) ---
"""Pipeline reference for scband-structural-features-34505767256483 (READ-ONLY COPY).

The authoritative reference and input builder live on the scoring server;
editing this copy changes nothing except your own understanding.
"""

import jax, jax.numpy as jnp
import numpy as np

TOP_K = 30
NUM_RBF = 16
NUM_POS = 16
NODE_VO, NODE_SO = 16, 100
EDGE_VO, EDGE_SO = 1, 32
VI_NODE, VI_EDGE = 3, 1
B, N = 8, 1024


def _normalize(x, axis=-1, eps=1e-8):
    return x / jnp.sqrt(jnp.maximum(jnp.sum(x * x, axis=axis, keepdims=True), eps))


def _norm_no_nan(x, axis=-2, eps=1e-8):
    return jnp.sqrt(jnp.maximum(jnp.sum(x * x, axis=axis), eps))


def _gather_nodes(nodes, idx):
    b, n, k = idx.shape
    flat = idx.reshape(b, n * k)
    out = jnp.take_along_axis(nodes, flat[:, :, None], axis=1)
    return out.reshape(b, n, k, nodes.shape[-1])


def _merge(v, s):
    shp = v.shape[:-2] + (v.shape[-2] * v.shape[-1],)
    return jnp.concatenate([v.reshape(shp), s], axis=-1)


def _gvp(x, vi, wh, wsW, wsb, wv):
    v = x[..., :3 * vi].reshape(x.shape[:-1] + (3, vi))
    s = x[..., 3 * vi:]
    vh = jnp.einsum('...ij,jk->...ik', v, wh)
    vn = _norm_no_nan(vh, axis=-2)
    s_out = jnp.concatenate([s, vn], axis=-1) @ wsW + wsb
    v_out = jnp.einsum('...ij,jk->...ik', vh, wv)
    return v_out, s_out


def _layer_norm(x, g, b, eps=1e-3):
    m = jnp.mean(x, axis=-1, keepdims=True)
    var = jnp.mean((x - m) ** 2, axis=-1, keepdims=True)
    return g * (x - m) / jnp.sqrt(var + eps) + b


def _forward(X, mask, wh_n, wsW_n, wsb_n, wv_n, wh_e, wsW_e, wsb_e, wv_e, gamma_n, beta_n, gamma_e, beta_e):
    b, n = X.shape[0], X.shape[1]
    X_ca = X[:, :, 1, :]
    # _dist: pairwise euclidean + kNN via top_k
    mask_2D = mask[:, None, :] * mask[:, :, None]
    dX = X_ca[:, None, :, :] - X_ca[:, :, None, :]
    D = mask_2D * jnp.sqrt(jnp.sum(dX ** 2, axis=3) + 1e-6)
    D_max = jnp.max(D, axis=-1, keepdims=True)
    D_adjust = D + (1.0 - mask_2D) * D_max
    neg_vals, E_idx = jax.lax.top_k(-D_adjust, min(TOP_K, n))
    D_neighbors = -neg_vals
    # _directions
    Xn = _gather_nodes(X_ca, E_idx)
    E_directions = _normalize(Xn - X_ca[:, :, None, :], axis=-1)
    # _rbf
    D_mu = jnp.linspace(0.0, 20.0, NUM_RBF).reshape(1, 1, 1, -1)
    D_sigma = (20.0 - 0.0) / NUM_RBF
    RBF = jnp.exp(-((D_neighbors[..., None] - D_mu) / D_sigma) ** 2)
    # positional encodings of index offsets
    ii = jnp.arange(n, dtype=jnp.float32).reshape(1, -1, 1)
    d = E_idx.astype(jnp.float32) - ii
    freq = jnp.exp(jnp.arange(0, NUM_POS, 2, dtype=jnp.float32) * (-np.log(10000.0) / NUM_POS))
    angles = d[..., None] * freq.reshape(1, 1, 1, -1)
    E_positional = jnp.concatenate([jnp.cos(angles), jnp.sin(angles)], axis=-1)
    # _dihedrals
    Xb = X[:, :, :3, :].reshape(b, 3 * n, 3)
    dXb = Xb[:, 1:, :] - Xb[:, :-1, :]
    U = _normalize(dXb, axis=-1)
    u_2, u_1, u_0 = U[:, :-2, :], U[:, 1:-1, :], U[:, 2:, :]
    n_2 = _normalize(jnp.cross(u_2, u_1), axis=-1)
    n_1 = _normalize(jnp.cross(u_1, u_0), axis=-1)
    eps = 1e-7
    cosD = jnp.clip(jnp.sum(n_2 * n_1, axis=-1), -1 + eps, 1 - eps)
    Dh = jnp.sign(jnp.sum(u_2 * n_1, axis=-1)) * jnp.arccos(cosD)
    Dh = jnp.pad(Dh, ((0, 0), (1, 2)))
    Dh = Dh.reshape(b, n, 3)
    V_dihedrals = jnp.concatenate([jnp.cos(Dh), jnp.sin(Dh)], axis=2)
    # _orientations
    fw = _normalize(X_ca[:, 1:] - X_ca[:, :-1], axis=-1)
    bw = _normalize(X_ca[:, :-1] - X_ca[:, 1:], axis=-1)
    fw = jnp.pad(fw, ((0, 0), (0, 1), (0, 0)))
    bw = jnp.pad(bw, ((0, 0), (1, 0), (0, 0)))
    V_orient = jnp.concatenate([fw[..., None], bw[..., None]], axis=-1)
    # _sidechains
    n_at, origin, c_at = X[:, :, 0, :], X[:, :, 1, :], X[:, :, 2, :]
    c_v = _normalize(c_at - origin, axis=-1)
    n_v = _normalize(n_at - origin, axis=-1)
    bis = _normalize(c_v + n_v, axis=-1)
    perp = _normalize(jnp.cross(c_v, n_v), axis=-1)
    vec = -bis * np.sqrt(1.0 / 3.0) - perp * np.sqrt(2.0 / 3.0)
    V_vec = jnp.concatenate([vec[..., None], V_orient], axis=-1)
    V = _merge(V_vec, V_dihedrals)
    E = jnp.concatenate([E_directions, RBF, E_positional], axis=-1)
    Vv, Vs = _gvp(V, VI_NODE, wh_n, wsW_n, wsb_n, wv_n)
    V_out = _merge(Vv, _layer_norm(Vs, gamma_n, beta_n))
    Ev, Es = _gvp(E, VI_EDGE, wh_e, wsW_e, wsb_e, wv_e)
    E_out = _merge(Ev, _layer_norm(Es, gamma_e, beta_e))
    return V_out, E_out, E_idx


def setup_inputs(seed: int = 0):
    key = jax.random.key(seed)
    ks = jax.random.split(key, 8)
    X = jax.random.normal(ks[0], (B, N, 5, 3), dtype=jnp.float32)
    mask = jnp.ones((B, N), dtype=jnp.float32)
    h_n = max(VI_NODE, NODE_VO)
    h_e = max(VI_EDGE, EDGE_VO)
    si_n = 6
    si_e = NUM_RBF + NUM_POS

    def gl(k, shape):
        return (jax.random.normal(k, shape, dtype=jnp.float32) / np.sqrt(shape[0])).astype(jnp.float32)

    return {
        'X': X, 'mask': mask,
        'wh_n': gl(ks[1], (VI_NODE, h_n)),
        'wsW_n': gl(ks[2], (si_n + h_n, NODE_SO)),
        'wsb_n': jnp.zeros((NODE_SO,), jnp.float32),
        'wv_n': gl(ks[3], (h_n, NODE_VO)),
        'wh_e': gl(ks[4], (VI_EDGE, h_e)),
        'wsW_e': gl(ks[5], (si_e + h_e, EDGE_SO)),
        'wsb_e': jnp.zeros((EDGE_SO,), jnp.float32),
        'wv_e': gl(ks[6], (h_e, EDGE_VO)),
        'gamma_n': jnp.ones((NODE_SO,), jnp.float32),
        'beta_n': jnp.zeros((NODE_SO,), jnp.float32),
        'gamma_e': jnp.ones((EDGE_SO,), jnp.float32),
        'beta_e': jnp.zeros((EDGE_SO,), jnp.float32),
    }


def reference(X, mask, wh_n, wsW_n, wsb_n, wv_n, wh_e, wsW_e, wsb_e, wv_e, gamma_n, beta_n, gamma_e, beta_e):
    return _forward(X, mask, wh_n, wsW_n, wsb_n, wv_n, wh_e, wsW_e, wsb_e, wv_e, gamma_n, beta_n, gamma_e, beta_e)

if __name__ == "__main__":
    import jax
    _d = setup_inputs()
    print(jax.jit(kernel)(*tuple(_d.values())))

</pallas_src>

<mosaic_0001>
module attributes {stable_mosaic.version = 14 : i64} {
  func.func @_knn_body(%arg0: i32, %arg1: i32, %arg2: memref<1x256x1xf32, #tpu.memory_space<vmem>>, %arg3: memref<1x256x1xf32, #tpu.memory_space<vmem>>, %arg4: memref<1x256x1xf32, #tpu.memory_space<vmem>>, %arg5: memref<1x1x1024xf32, #tpu.memory_space<vmem>>, %arg6: memref<1x1x1024xf32, #tpu.memory_space<vmem>>, %arg7: memref<1x1x1024xf32, #tpu.memory_space<vmem>>, %arg8: memref<1x256x32xi32, #tpu.memory_space<vmem>>, %arg9: memref<1x256x32xf32, #tpu.memory_space<vmem>>, %arg10: memref<1x256x32xf32, #tpu.memory_space<vmem>>, %arg11: memref<1x256x32xf32, #tpu.memory_space<vmem>>, %arg12: memref<1x256x32xf32, #tpu.memory_space<vmem>>) attributes {dimension_semantics = [#tpu.dimension_semantics<arbitrary>, #tpu.dimension_semantics<arbitrary>], iteration_bounds = array<i64: 8, 4>, scalar_prefetch = 0 : i64, scratch_operands = 0 : i64, tpu.core_type = #tpu.core_type<tc>, window_params = [{transform_indices = @transform_0, window_bounds = array<i64: 1, 256, 1>}, {transform_indices = @transform_1, window_bounds = array<i64: 1, 256, 1>}, {transform_indices = @transform_2, window_bounds = array<i64: 1, 256, 1>}, {transform_indices = @transform_3, window_bounds = array<i64: 1, 1, 1024>}, {transform_indices = @transform_4, window_bounds = array<i64: 1, 1, 1024>}, {transform_indices = @transform_5, window_bounds = array<i64: 1, 1, 1024>}, {transform_indices = @transform_6, window_bounds = array<i64: 1, 256, 32>}, {transform_indices = @transform_7, window_bounds = array<i64: 1, 256, 32>}, {transform_indices = @transform_8, window_bounds = array<i64: 1, 256, 32>}, {transform_indices = @transform_9, window_bounds = array<i64: 1, 256, 32>}, {transform_indices = @transform_10, window_bounds = array<i64: 1, 256, 32>}]} {
    %get3A = arith.constant 0 : index
    %get3A_0 = arith.constant 0 : index
    %get3A_1 = arith.constant 0 : index
    %get3A_2 = vector.load %arg2[%get3A, %get3A_0, %get3A_1] : memref<1x256x1xf32, #tpu.memory_space<vmem>>, vector<1x256x1xf32>
    %get3A_3 = vector.shape_cast %get3A_2 : vector<1x256x1xf32> to vector<256x1xf32>
    %get3A_4 = arith.constant 0 : index
    %get3A_5 = arith.constant 0 : index
    %get3A_6 = arith.constant 0 : index
    %get3A_7 = vector.load %arg3[%get3A_4, %get3A_5, %get3A_6] : memref<1x256x1xf32, #tpu.memory_space<vmem>>, vector<1x256x1xf32>
    %get3A_8 = vector.shape_cast %get3A_7 : vector<1x256x1xf32> to vector<256x1xf32>
    %get3A_9 = arith.constant 0 : index
    %get3A_10 = arith.constant 0 : index
    %get3A_11 = arith.constant 0 : index
    %get3A_12 = vector.load %arg4[%get3A_9, %get3A_10, %get3A_11] : memref<1x256x1xf32, #tpu.memory_space<vmem>>, vector<1x256x1xf32>
    %get3A_13 = vector.shape_cast %get3A_12 : vector<1x256x1xf32> to vector<256x1xf32>
    %get3A_14 = arith.constant 0 : index
    %get3A_15 = arith.constant 0 : index
    %get3A_16 = arith.constant 0 : index
    %get3A_17 = vector.load %arg5[%get3A_14, %get3A_15, %get3A_16] : memref<1x1x1024xf32, #tpu.memory_space<vmem>>, vector<1x1x1024xf32>
    %get3A_18 = vector.shape_cast %get3A_17 : vector<1x1x1024xf32> to vector<1x1024xf32>
    %get3A_19 = arith.constant 0 : index
    %get3A_20 = arith.constant 0 : index
    %get3A_21 = arith.constant 0 : index
    %get3A_22 = vector.load %arg6[%get3A_19, %get3A_20, %get3A_21] : memref<1x1x1024xf32, #tpu.memory_space<vmem>>, vector<1x1x1024xf32>
    %get3A_23 = vector.shape_cast %get3A_22 : vector<1x1x1024xf32> to vector<1x1024xf32>
    %get3A_24 = arith.constant 0 : index
    %get3A_25 = arith.constant 0 : index
    %get3A_26 = arith.constant 0 : index
    %get3A_27 = vector.load %arg7[%get3A_24, %get3A_25, %get3A_26] : memref<1x1x1024xf32, #tpu.memory_space<vmem>>, vector<1x1x1024xf32>
    %get3A_28 = vector.shape_cast %get3A_27 : vector<1x1x1024xf32> to vector<1x1024xf32>
    %sub3A = vector.broadcast %get3A_3 : vector<256x1xf32> to vector<256x1024xf32>
    %sub3A_29 = vector.broadcast %get3A_18 : vector<1x1024xf32> to vector<256x1024xf32>
    %sub3A_30 = arith.subf %sub3A, %sub3A_29 : vector<256x1024xf32>
    %sub3A_31 = vector.broadcast %get3A_8 : vector<256x1xf32> to vector<256x1024xf32>
    %sub3A_32 = vector.broadcast %get3A_23 : vector<1x1024xf32> to vector<256x1024xf32>
    %sub3A_33 = arith.subf %sub3A_31, %sub3A_32 : vector<256x1024xf32>
    %sub3A_34 = vector.broadcast %get3A_13 : vector<256x1xf32> to vector<256x1024xf32>
    %sub3A_35 = vector.broadcast %get3A_28 : vector<1x1024xf32> to vector<256x1024xf32>
    %sub3A_36 = arith.subf %sub3A_34, %sub3A_35 : vector<256x1024xf32>
    %mul3A = arith.mulf %sub3A_30, %sub3A_30 : vector<256x1024xf32>
    %mul3A_37 = arith.mulf %sub3A_33, %sub3A_33 : vector<256x1024xf32>
    %add3A = arith.addf %mul3A, %mul3A_37 : vector<256x1024xf32>
    %mul3A_38 = arith.mulf %sub3A_36, %sub3A_36 : vector<256x1024xf32>
    %add3A_39 = arith.addf %add3A, %mul3A_38 : vector<256x1024xf32>
    %add3A_40 = arith.constant 9.99999997E-7 : f32
    %add3A_41 = vector.broadcast %add3A_40 : f32 to vector<256x1024xf32>
    %add3A_42 = arith.addf %add3A_39, %add3A_41 : vector<256x1024xf32>
    %sqrt3A = math.sqrt %add3A_42 : vector<256x1024xf32>
    %iota3A = tpu.iota {dimensions = array<i32: 1>} : vector<256x1024xi32>
    %convert_element_type3A = arith.sitofp %iota3A : vector<256x1024xi32> to vector<256x1024xf32>
    %iota3A_43 = tpu.iota {dimensions = array<i32: 1>} : vector<256x32xi32>
    %broadcast_in_dim3A = arith.constant 0.000000e+00 : f32
    %broadcast_in_dim3A_44 = vector.broadcast %broadcast_in_dim3A : f32 to vector<256x32xf32>
    %broadcast_in_dim3A_45 = arith.constant 0.000000e+00 : f32
    %broadcast_in_dim3A_46 = vector.broadcast %broadcast_in_dim3A_45 : f32 to vector<256x32xf32>
    %broadcast_in_dim3A_47 = arith.constant 0.000000e+00 : f32
    %broadcast_in_dim3A_48 = vector.broadcast %broadcast_in_dim3A_47 : f32 to vector<256x32xf32>
    %broadcast_in_dim3A_49 = arith.constant 0.000000e+00 : f32
    %broadcast_in_dim3A_50 = vector.broadcast %broadcast_in_dim3A_49 : f32 to vector<256x32xf32>
    %broadcast_in_dim3A_51 = arith.constant 0.000000e+00 : f32
    %broadcast_in_dim3A_52 = vector.broadcast %broadcast_in_dim3A_51 : f32 to vector<256x32xf32>
    %reduce_min3A = arith.constant dense<0x7F800000> : vector<256xf32>
    %reduce_min3A_53 = vector.multi_reduction <minimumf>, %sqrt3A, %reduce_min3A [1] : vector<256x1024xf32> to vector<256xf32>
    %broadcast_in_dim3A_54 = vector.shape_cast %reduce_min3A_53 : vector<256xf32> to vector<256x1xf32>
    %eq3A = vector.broadcast %broadcast_in_dim3A_54 : vector<256x1xf32> to vector<256x1024xf32>
    %eq3A_55 = arith.cmpf oeq, %sqrt3A, %eq3A : vector<256x1024xf32>
    %jit3A = arith.constant 1.024000e+03 : f32
    %broadcast_in_dim3A_56 = vector.broadcast %jit3A : f32 to vector<256x1024xf32>
    %select_n3A = arith.select %eq3A_55, %convert_element_type3A, %broadcast_in_dim3A_56 : vector<256x1024xi1>, vector<256x1024xf32>
    %reduce_min3A_57 = arith.constant dense<0x7F800000> : vector<256xf32>
    %reduce_min3A_58 = vector.multi_reduction <minimumf>, %select_n3A, %reduce_min3A_57 [1] : vector<256x1024xf32> to vector<256xf32>
    %broadcast_in_dim3A_59 = vector.shape_cast %reduce_min3A_58 : vector<256xf32> to vector<256x1xf32>
    %eq3A_60 = vector.broadcast %broadcast_in_dim3A_59 : vector<256x1xf32> to vector<256x1024xf32>
    %eq3A_61 = arith.cmpf oeq, %convert_element_type3A, %eq3A_60 : vector<256x1024xf32>
    %jit3A_62 = arith.constant 0.000000e+00 : f32
    %broadcast_in_dim3A_63 = vector.shape_cast %get3A_18 : vector<1x1024xf32> to vector<1x1024xf32>
    %broadcast_in_dim3A_64 = vector.broadcast %broadcast_in_dim3A_63 : vector<1x1024xf32> to vector<256x1024xf32>
    %broadcast_in_dim3A_65 = vector.broadcast %jit3A_62 : f32 to vector<256x1024xf32>
    %select_n3A_66 = arith.select %eq3A_61, %broadcast_in_dim3A_64, %broadcast_in_dim3A_65 : vector<256x1024xi1>, vector<256x1024xf32>
    %reduce_sum3A = arith.constant dense<0.000000e+00> : vector<256xf32>
    %reduce_sum3A_67 = vector.multi_reduction <add>, %select_n3A_66, %reduce_sum3A [1] : vector<256x1024xf32> to vector<256xf32>
    %broadcast_in_dim3A_68 = vector.shape_cast %reduce_sum3A_67 : vector<256xf32> to vector<256x1xf32>
    %jit3A_69 = arith.constant 0.000000e+00 : f32
    %broadcast_in_dim3A_70 = vector.shape_cast %get3A_23 : vector<1x1024xf32> to vector<1x1024xf32>
    %broadcast_in_dim3A_71 = vector.broadcast %broadcast_in_dim3A_70 : vector<1x1024xf32> to vector<256x1024xf32>
    %broadcast_in_dim3A_72 = vector.broadcast %jit3A_69 : f32 to vector<256x1024xf32>
    %select_n3A_73 = arith.select %eq3A_61, %broadcast_in_dim3A_71, %broadcast_in_dim3A_72 : vector<256x1024xi1>, vector<256x1024xf32>
    %reduce_sum3A_74 = arith.constant dense<0.000000e+00> : vector<256xf32>
    %reduce_sum3A_75 = vector.multi_reduction <add>, %select_n3A_73, %reduce_sum3A_74 [1] : vector<256x1024xf32> to vector<256xf32>
    %broadcast_in_dim3A_76 = vector.shape_cast %reduce_sum3A_75 : vector<256xf32> to vector<256x1xf32>
    %jit3A_77 = arith.constant 0.000000e+00 : f32
    %broadcast_in_dim3A_78 = vector.shape_cast %get3A_28 : vector<1x1024xf32> to vector<1x1024xf32>
    %broadcast_in_dim3A_79 = vector.broadcast %broadcast_in_dim3A_78 : vector<1x1024xf32> to vector<256x1024xf32>
    %broadcast_in_dim3A_80 = vector.broadcast %jit3A_77 : f32 to vector<256x1024xf32>
    %select_n3A_81 = arith.select %eq3A_61, %broadcast_in_dim3A_79, %broadcast_in_dim3A_80 : vector<256x1024xi1>, vector<256x1024xf32>
    %reduce_sum3A_82 = arith.constant dense<0.000000e+00> : vector<256xf32>
    %reduce_sum3A_83 = vector.multi_reduction <add>, %select_n3A_81, %reduce_sum3A_82 [1] : vector<256x1024xf32> to vector<256xf32>
    %broadcast_in_dim3A_84 = vector.shape_cast %reduce_sum3A_83 : vector<256xf32> to vector<256x1xf32>
    %jit3A_85 = arith.constant 1.000000e+30 : f32
    %broadcast_in_dim3A_86 = vector.broadcast %jit3A_85 : f32 to vector<256x1024xf32>
    %select_n3A_87 = arith.select %eq3A_61, %broadcast_in_dim3A_86, %sqrt3A : vector<256x1024xi1>, vector<256x1024xf32>
    %eq3A_88 = arith.constant 0 : i32
    %eq3A_89 = vector.broadcast %eq3A_88 : i32 to vector<256x32xi32>
    %eq3A_90 = arith.cmpi eq, %iota3A_43, %eq3A_89 : vector<256x32xi32>
    %broadcast_in_dim3A_91 = vector.shape_cast %broadcast_in_dim3A_59 : vector<256x1xf32> to vector<256x1xf32>
    %broadcast_in_dim3A_92 = vector.broadcast %broadcast_in_dim3A_91 : vector<256x1xf32> to vector<256x32xf32>
    %select_n3A_93 = arith.select %eq3A_90, %broadcast_in_dim3A_92, %broadcast_in_dim3A_44 : vector<256x32xi1>, vector<256x32xf32>
    %broadcast_in_dim3A_94 = vector.shape_cast %broadcast_in_dim3A_54 : vector<256x1xf32> to vector<256x1xf32>
    %broadcast_in_dim3A_95 = vector.broadcast %broadcast_in_dim3A_94 : vector<256x1xf32> to vector<256x32xf32>
    %select_n3A_96 = arith.select %eq3A_90, %broadcast_in_dim3A_95, %broadcast_in_dim3A_46 : vector<256x32xi1>, vector<256x32xf32>
    %broadcast_in_dim3A_97 = vector.shape_cast %broadcast_in_dim3A_68 : vector<256x1xf32> to vector<256x1xf32>
    %broadcast_in_dim3A_98 = vector.broadcast %broadcast_in_dim3A_97 : vector<256x1xf32> to vector<256x32xf32>
    %select_n3A_99 = arith.select %eq3A_90, %broadcast_in_dim3A_98, %broadcast_in_dim3A_48 : vector<256x32xi1>, vector<256x32xf32>
    %broadcast_in_dim3A_100 = vector.shape_cast %broadcast_in_dim3A_76 : vector<256x1xf32> to vector<256x1xf32>
    %broadcast_in_dim3A_101 = vector.broadcast %broadcast_in_dim3A_100 : vector<256x1xf32> to vector<256x32xf32>
    %select_n3A_102 = arith.select %eq3A_90, %broadcast_in_dim3A_101, %broadcast_in_dim3A_50 : vector<256x32xi1>, vector<256x32xf32>
    %broadcast_in_dim3A_103 = vector.shape_cast %broadcast_in_dim3A_84 : vector<256x1xf32> to vector<256x1xf32>
    %broadcast_in_dim3A_104 = vector.broadcast %broadcast_in_dim3A_103 : vector<256x1xf32> to vector<256x32xf32>
    %select_n3A_105 = arith.select %eq3A_90, %broadcast_in_dim3A_104, %broadcast_in_dim3A_52 : vector<256x32xi1>, vector<256x32xf32>
    %reduce_min3A_106 = arith.constant dense<0x7F800000> : vector<256xf32>
    %reduce_min3A_107 = vector.multi_reduction <minimumf>, %select_n3A_87, %reduce_min3A_106 [1] : vector<256x1024xf32> to vector<256xf32>
    %broadcast_in_dim3A_108 = vector.shape_cast %reduce_min3A_107 : vector<256xf32> to vector<256x1xf32>
    %eq3A_109 = vector.broadcast %broadcast_in_dim3A_108 : vector<256x1xf32> to vector<256x1024xf32>
    %eq3A_110 = arith.cmpf oeq, %select_n3A_87, %eq3A_109 : vector<256x1024xf32>
    %jit3A_111 = arith.constant 1.024000e+03 : f32
    %broadcast_in_dim3A_112 = vector.broadcast %jit3A_111 : f32 to vector<256x1024xf32>
    %select_n3A_113 = arith.select %eq3A_110, %convert_element_type3A, %broadcast_in_dim3A_112 : vector<256x1024xi1>, vector<256x1024xf32>
    %reduce_min3A_114 = arith.constant dense<0x7F800000> : vector<256xf32>
    %reduce_min3A_115 = vector.multi_reduction <minimumf>, %select_n3A_113, %reduce_min3A_114 [1] : vector<256x1024xf32> to vector<256xf32>
    %broadcast_in_dim3A_116 = vector.shape_cast %reduce_min3A_115 : vector<256xf32> to vector<256x1xf32>
    %eq3A_117 = vector.broadcast %broadcast_in_dim3A_116 : vector<256x1xf32> to vector<256x1024xf32>
    %eq3A_118 = arith.cmpf oeq, %convert_element_type3A, %eq3A_117 : vector<256x1024xf32>
    %jit3A_119 = arith.constant 0.000000e+00 : f32
    %broadcast_in_dim3A_120 = vector.shape_cast %get3A_18 : vector<1x1024xf32> to vector<1x1024xf32>
    %broadcast_in_dim3A_121 = vector.broadcast %broadcast_in_dim3A_120 : vector<1x1024xf32> to vector<256x1024xf32>
    %broadcast_in_dim3A_122 = vector.broadcast %jit3A_119 : f32 to vector<256x1024xf32>
    %select_n3A_123 = arith.select %eq3A_118, %broadcast_in_dim3A_121, %broadcast_in_dim3A_122 : vector<256x1024xi1>, vector<256x1024xf32>
    %reduce_sum3A_124 = arith.constant dense<0.000000e+00> : vector<256xf32>
    %reduce_sum3A_125 = vector.multi_reduction <add>, %select_n3A_123, %reduce_sum3A_124 [1] : vector<256x1024xf32> to vector<256xf32>
    %broadcast_in_dim3A_126 = vector.shape_cast %reduce_sum3A_125 : vector<256xf32> to vector<256x1xf32>
    %jit3A_127 = arith.constant 0.000000e+00 : f32
    %broadcast_in_dim3A_128 = vector.shape_cast %get3A_23 : vector<1x1024xf32> to vector<1x1024xf32>
    %broadcast_in_dim3A_129 = vector.broadcast %broadcast_in_dim3A_128 : vector<1x1024xf32> to vector<256x1024xf32>
    %broadcast_in_dim3A_130 = vector.broadcast %jit3A_127 : f32 to vector<256x1024xf32>
    %select_n3A_131 = arith.select %eq3A_118, %broadcast_in_dim3A_129, %broadcast_in_dim3A_130 : vector<256x1024xi1>, vector<256x1024xf32>
    %reduce_sum3A_132 = arith.constant dense<0.000000e+00> : vector<256xf32>
    %reduce_sum3A_133 = vector.multi_reduction <add>, %select_n3A_131, %reduce_sum3A_132 [1] : vector<256x1024xf32> to vector<256xf32>
    %broadcast_in_dim3A_134 = vector.shape_cast %reduce_sum3A_133 : vector<256xf32> to vector<256x1xf32>
    %jit3A_135 = arith.constant 0.000000e+00 : f32
    %broadcast_in_dim3A_136 = vector.shape_cast %get3A_28 : vector<1x1024xf32> to vector<1x1024xf32>
    %broadcast_in_dim3A_137 = vector.broadcast %broadcast_in_dim3A_136 : vector<1x1024xf32> to vector<256x1024xf32>
    %broadcast_in_dim3A_138 = vector.broadcast %jit3A_135 : f32 to vector<256x1024xf32>
    %select_n3A_139 = arith.select %eq3A_118, %broadcast_in_dim3A_137, %broadcast_in_dim3A_138 : vector<256x1024xi1>, vector<256x1024xf32>
    %reduce_sum3A_140 = arith.constant dense<0.000000e+00> : vector<256xf32>
    %reduce_sum3A_141 = vector.multi_reduction <add>, %select_n3A_139, %reduce_sum3A_140 [1] : vector<256x1024xf32> to vector<256xf32>
    %broadcast_in_dim3A_142 = vector.shape_cast %reduce_sum3A_141 : vector<256xf32> to vector<256x1xf32>
    %jit3A_143 = arith.constant 1.000000e+30 : f32
    %broadcast_in_dim3A_144 = vector.broadcast %jit3A_143 : f32 to vector<256x1024xf32>
    %select_n3A_145 = arith.select %eq3A_118, %broadcast_in_dim3A_144, %select_n3A_87 : vector<256x1024xi1>, vector<256x1024xf32>
    %eq3A_146 = arith.constant 1 : i32
    %eq3A_147 = vector.broadcast %eq3A_146 : i32 to vector<256x32xi32>
    %eq3A_148 = arith.cmpi eq, %iota3A_43, %eq3A_147 : vector<256x32xi32>
    %broadcast_in_dim3A_149 = vector.shape_cast %broadcast_in_dim3A_116 : vector<256x1xf32> to vector<256x1xf32>
    %broadcast_in_dim3A_150 = vector.broadcast %broadcast_in_dim3A_149 : vector<256x1xf32> to vector<256x32xf32>
    %select_n3A_151 = arith.select %eq3A_148, %broadcast_in_dim3A_150, %select_n3A_93 : vector<256x32xi1>, vector<256x32xf32>
    %broadcast_in_dim3A_152 = vector.shape_cast %broadcast_in_dim3A_108 : vector<256x1xf32> to vector<256x1xf32>
    %broadcast_in_dim3A_153 = vector.broadcast %broadcast_in_dim3A_152 : vector<256x1xf32> to vector<256x32xf32>
    %select_n3A_154 = arith.select %eq3A_148, %broadcast_in_dim3A_153, %select_n3A_96 : vector<256x32xi1>, vector<256x32xf32>
    %broadcast_in_dim3A_155 = vector.shape_cast %broadcast_in_dim3A_126 : vector<256x1xf32> to vector<256x1xf32>
    %broadcast_in_dim3A_156 = vector.broadcast %broadcast_in_dim3A_155 : vector<256x1xf32> to vector<256x32xf32>
    %select_n3A_157 = arith.select %eq3A_148, %broadcast_in_dim3A_156, %select_n3A_99 : vector<256x32xi1>, vector<256x32xf32>
    %broadcast_in_dim3A_158 = vector.shape_cast %broadcast_in_dim3A_134 : vector<256x1xf32> to vector<256x1xf32>
    %broadcast_in_dim3A_159 = vector.broadcast %broadcast_in_dim3A_158 : vector<256x1xf32> to vector<256x32xf32>
    %select_n3A_160 = arith.select %eq3A_148, %broadcast_in_dim3A_159, %select_n3A_102 : vector<256x32xi1>, vector<256x32xf32>
    %broadcast_in_dim3A_161 = vector.shape_cast %broadcast_in_dim3A_142 : vector<256x1xf32> to vector<256x1xf32>
    %broadcast_in_dim3A_162 = vector.broadcast %broadcast_in_dim3A_161 : vector<256x1xf32> to vector<256x32xf32>
    %select_n3A_163 = arith.select %eq3A_148, %broadcast_in_dim3A_162, %select_n3A_105 : vector<256x32xi1>, vector<256x32xf32>
    %reduce_min3A_164 = arith.constant dense<0x7F800000> : vector<256xf32>
    %reduce_min3A_165 = vector.multi_reduction <minimumf>, %select_n3A_145, %reduce_min3A_164 [1] : vector<256x1024xf32> to vector<256xf32>
    %broadcast_in_dim3A_166 = vector.shape_cast %reduce_min3A_165 : vector<256xf32> to vector<256x1xf32>
    %eq3A_167 = vector.broadcast %broadcast_in_dim3A_166 : vector<256x1xf32> to vector<256x1024xf32>
    %eq3A_168 = arith.cmpf oeq, %select_n3A_145, %eq3A_167 : vector<256x1024xf32>
    %jit3A_169 = arith.constant 1.024000e+03 : f32
    %broadcast_in_dim3A_170 = vector.broadcast %jit3A_169 : f32 to vector<256x1024xf32>
    %select_n3A_171 = arith.select %eq3A_168, %convert_element_type3A, %broadcast_in_dim3A_170 : vector<256x1024xi1>, vector<256x1024xf32>
    %reduce_min3A_172 = arith.constant dense<0x7F800000> : vector<256xf32>
    %reduce_min3A_173 = vector.multi_reduction <minimumf>, %select_n3A_171, %reduce_min3A_172 [1] : vector<256x1024xf32> to vector<256xf32>
    %broadcast_in_dim3A_174 = vector.shape_cast %reduce_min3A_173 : vector<256xf32> to vector<256x1xf32>
    %eq3A_175 = vector.broadcast %broadcast_in_dim3A_174 : vector<256x1xf32> to vector<256x1024xf32>
    %eq3A_176 = arith.cmpf oeq, %convert_element_type3A, %eq3A_175 : vector<256x1024xf32>
    %jit3A_177 = arith.constant 0.000000e+00 : f32
    %broadcast_in_dim3A_178 = vector.shape_cast %get3A_18 : vector<1x1024xf32> to vector<1x1024xf32>
    %broadcast_in_dim3A_179 = vector.broadcast %broadcast_in_dim3A_178 : vector<1x1024xf32> to vector<256x1024xf32>
    %broadcast_in_dim3A_180 = vector.broadcast %jit3A_177 : f32 to vector<256x1024xf32>
    %select_n3A_181 = arith.select %eq3A_176, %broadcast_in_dim3A_179, %broadcast_in_dim3A_180 : vector<256x1024xi1>, vector<256x1024xf32>
    %reduce_sum3A_182 = arith.constant dense<0.000000e+00> : vector<256xf32>
    %reduce_sum3A_183 = vector.multi_reduction <add>, %select_n3A_181, %reduce_sum3A_182 [1] : vector<256x1024xf32> to vector<256xf32>
    %broadcast_in_dim3A_184 = vector.shape_cast %reduce_sum3A_183 : vector<256xf32> to vector<256x1xf32>
    %jit3A_185 = arith.constant 0.000000e+00 : f32
    %broadcast_in_dim3A_186 = vector.shape_cast %get3A_23 : vector<1x1024xf32> to vector<1x1024xf32>
    %broadcast_in_dim3A_187 = vector.broadcast %broadcast_in_dim3A_186 : vector<1x1024xf32> to vector<256x1024xf32>
    %broadcast_in_dim3A_188 = vector.broadcast %jit3A_185 : f32 to vector<256x1024xf32>
    %select_n3A_189 = arith.select %eq3A_176, %broadcast_in_dim3A_187, %broadcast_in_dim3A_188 : vector<256x1024xi1>, vector<256x1024xf32>
    %reduce_sum3A_190 = arith.constant dense<0.000000e+00> : vector<256xf32>
    %reduce_sum3A_191 = vector.multi_reduction <add>, %select_n3A_189, %reduce_sum3A_190 [1] : vector<256x1024xf32> to vector<256xf32>
    %broadcast_in_dim3A_192 = vector.shape_cast %reduce_sum3A_191 : vector<256xf32> to vector<256x1xf32>
    %jit3A_193 = arith.constant 0.000000e+00 : f32
    %broadcast_in_dim3A_194 = vector.shape_cast %get3A_28 : vector<1x1024xf32> to vector<1x1024xf32>
    %broadcast_in_dim3A_195 = vector.broadcast %broadcast_in_dim3A_194 : vector<1x1024xf32> to vector<256x1024xf32>
    %broadcast_in_dim3A_196 = vector.broadcast %jit3A_193 : f32 to vector<256x1024xf32>
    %select_n3A_197 = arith.select %eq3A_176, %broadcast_in_dim3A_195, %broadcast_in_dim3A_196 : vector<256x1024xi1>, vector<256x1024xf32>
    %reduce_sum3A_198 = arith.constant dense<0.000000e+00> : vector<256xf32>
    %reduce_sum3A_199 = vector.multi_reduction <add>, %select_n3A_197, %reduce_sum3A_198 [1] : vector<256x1024xf32> to vector<256xf32>
    %broadcast_in_dim3A_200 = vector.shape_cast %reduce_sum3A_199 : vector<256xf32> to vector<256x1xf32>
    %jit3A_201 = arith.constant 1.000000e+30 : f32
    %broadcast_in_dim3A_202 = vector.broadcast %jit3A_201 : f32 to vector<256x1024xf32>
    %select_n3A_203 = arith.select %eq3A_176, %broadcast_in_dim3A_202, %select_n3A_145 : vector<256x1024xi1>, vector<256x1024xf32>
    %eq3A_204 = arith.constant 2 : i32
    %eq3A_205 = vector.broadcast %eq3A_204 : i32 to vector<256x32xi32>
    %eq3A_206 = arith.cmpi eq, %iota3A_43, %eq3A_205 : vector<256x32xi32>
    %broadcast_in_dim3A_207 = vector.shape_cast %broadcast_in_dim3A_174 : vector<256x1xf32> to vector<256x1xf32>
    %broadcast_in_dim3A_208 = vector.broadcast %broadcast_in_dim3A_207 : vector<256x1xf32> to vector<256x32xf32>
    %select_n3A_209 = arith.select %eq3A_206, %broadcast_in_dim3A_208, %select_n3A_151 : vector<256x32xi1>, vector<256x32xf32>
    %broadcast_in_dim3A_210 = vector.shape_cast %broadcast_in_dim3A_166 : vector<256x1xf32> to vector<256x1xf32>
    %broadcast_in_dim3A_211 = vector.broadcast %broadcast_in_dim3A_210 : vector<256x1xf32> to vector<256x32xf32>
    %select_n3A_212 = arith.select %eq3A_206, %broadcast_in_dim3A_211, %select_n3A_154 : vector<256x32xi1>, vector<256x32xf32>
    %broadcast_in_dim3A_213 = vector.shape_cast %broadcast_in_dim3A_184 : vector<256x1xf32> to vector<256x1xf32>
    %broadcast_in_dim3A_214 = vector.broadcast %broadcast_in_dim3A_213 : vector<256x1xf32> to vector<256x32xf32>
    %select_n3A_215 = arith.select %eq3A_206, %broadcast_in_dim3A_214, %select_n3A_157 : vector<256x32xi1>, vector<256x32xf32>
    %broadcast_in_dim3A_216 = vector.shape_cast %broadcast_in_dim3A_192 : vector<256x1xf32> to vector<256x1xf32>
    %broadcast_in_dim3A_217 = vector.broadcast %broadcast_in_dim3A_216 : vector<256x1xf32> to vector<256x32xf32>
    %select_n3A_218 = arith.select %eq3A_206, %broadcast_in_dim3A_217, %select_n3A_160 : vector<256x32xi1>, vector<256x32xf32>
    %broadcast_in_dim3A_219 = vector.shape_cast %broadcast_in_dim3A_200 : vector<256x1xf32> to vector<256x1xf32>
    %broadcast_in_dim3A_220 = vector.broadcast %broadcast_in_dim3A_219 : vector<256x1xf32> to vector<256x32xf32>
    %select_n3A_221 = arith.select %eq3A_206, %broadcast_in_dim3A_220, %select_n3A_163 : vector<256x32xi1>, vector<256x32xf32>
    %reduce_min3A_222 = arith.constant dense<0x7F800000> : vector<256xf32>
    %reduce_min3A_223 = vector.multi_reduction <minimumf>, %select_n3A_203, %reduce_min3A_222 [1] : vector<256x1024xf32> to vector<256xf32>
    %broadcast_in_dim3A_224 = vector.shape_cast %reduce_min3A_223 : vector<256xf32> to vector<256x1xf32>
    %eq3A_225 = vector.broadcast %broadcast_in_dim3A_224 : vector<256x1xf32> to vector<256x1024xf32>
    %eq3A_226 = arith.cmpf oeq, %select_n3A_203, %eq3A_225 : vector<256x1024xf32>
    %jit3A_227 = arith.constant 1.024000e+03 : f32
    %broadcast_in_dim3A_228 = vector.broadcast %jit3A_227 : f32 to vector<256x1024xf32>
    %select_n3A_229 = arith.select %eq3A_226, %convert_element_type3A, %broadcast_in_dim3A_228 : vector<256x1024xi1>, vector<256x1024xf32>
    %reduce_min3A_230 = arith.constant dense<0x7F800000> : vector<256xf32>
    %reduce_min3A_231 = vector.multi_reduction <minimumf>, %select_n3A_229, %reduce_min3A_230 [1] : vector<256x1024xf32> to vector<256xf32>
    %broadcast_in_dim3A_232 = vector.shape_cast %reduce_min3A_231 : vector<256xf32> to vector<256x1xf32>
    %eq3A_233 = vector.broadcast %broadcast_in_dim3A_232 : vector<256x1xf32> to vector<256x1024xf32>
    %eq3A_234 = arith.cmpf oeq, %convert_element_type3A, %eq3A_233 : vector<256x1024xf32>
    %jit3A_235 = arith.constant 0.000000e+00 : f32
    %broadcast_in_dim3A_236 = vector.shape_cast %get3A_18 : vector<1x1024xf32> to vector<1x1024xf32>
    %broadcast_in_dim3A_237 = vector.broadcast %broadcast_in_dim3A_236 : vector<1x1024xf32> to vector<256x1024xf32>
    %broadcast_in_dim3A_238 = vector.broadcast %jit3A_235 : f32 to vector<256x1024xf32>
    %select_n3A_239 = arith.select %eq3A_234, %broadcast_in_dim3A_237, %broadcast_in_dim3A_238 : vector<256x1024xi1>, vector<256x1024xf32>
    %reduce_sum3A_240 = arith.constant dense<0.000000e+00> : vector<256xf32>
    %reduce_sum3A_241 = vector.multi_reduction <add>, %select_n3A_239, %reduce_sum3A_240 [1] : vector<256x1024xf32> to vector<256xf32>
    %broadcast_in_dim3A_242 = vector.shape_cast %reduce_sum3A_241 : vector<256xf32> to vector<256x1xf32>
    %jit3A_243 = arith.constant 0.000000e+00 : f32
    %broadcast_in_dim3A_244 = vector.shape_cast %get3A_23 : vector<1x1024xf32> to vector<1x1024xf32>
    %broadcast_in_dim3A_245 = vector.broadcast %broadcast_in_dim3A_244 : vector<1x1024xf32> to vector<256x1024xf32>
    %broadcast_in_dim3A_246 = vector.broadcast %jit3A_243 : f32 to vector<256x1024xf32>
    %select_n3A_247 = arith.select %eq3A_234, %broadcast_in_dim3A_245, %broadcast_in_dim3A_246 : vector<256x1024xi1>, vector<256x1024xf32>
    %reduce_sum3A_248 = arith.constant dense<0.000000e+00> : vector<256xf32>
    %reduce_sum3A_249 = vector.multi_reduction <add>, %select_n3A_247, %reduce_sum3A_248 [1] : vector<256x1024xf32> to vector<256xf32>
    %broadcast_in_dim3A_250 = vector.shape_cast %reduce_sum3A_249 : vector<256xf32> to vector<256x1xf32>
    %jit3A_251 = arith.constant 0.000000e+00 : f32
    %broadcast_in_dim3A_252 = vector.shape_cast %get3A_28 : vector<1x1024xf32> to vector<1x1024xf32>
    %broadcast_in_dim3A_253 = vector.broadcast %broadcast_in_dim3A_252 : vector<1x1024xf32> to vector<256x1024xf32>
    %broadcast_in_dim3A_254 = vector.broadcast %jit3A_251 : f32 to vector<256x1024xf32>
    %select_n3A_255 = arith.select %eq3A_234, %broadcast_in_dim3A_253, %broadcast_in_dim3A_254 : vector<256x1024xi1>, vector<256x1024xf32>
    %reduce_sum3A_256 = arith.constant dense<0.000000e+00> : vector<256xf32>
    %reduce_sum3A_257 = vector.multi_reduction <add>, %select_n3A_255, %reduce_sum3A_256 [1] : vector<256x1024xf32> to vector<256xf32>
    %broadcast_in_dim3A_258 = vector.shape_cast %reduce_sum3A_257 : vector<256xf32> to vector<256x1xf32>
    %jit3A_259 = arith.constant 1.000000e+30 : f32
    %broadcast_in_dim3A_260 = vector.broadcast %jit3A_259 : f32 to vector<256x1024xf32>
    %select_n3A_261 = arith.select %eq3A_234, %broadcast_in_dim3A_260, %select_n3A_203 : vector<256x1024xi1>, vector<256x1024xf32>
    %eq3A_262 = arith.constant 3 : i32
    %eq3A_263 = vector.broadcast %eq3A_262 : i32 to vector<256x32xi32>
    %eq3A_264 = arith.cmpi eq, %iota3A_43, %eq3A_263 : vector<256x32xi32>
    %broadcast_in_dim3A_265 = vector.shape_cast %broadcast_in_dim3A_232 : vector<256x1xf32> to vector<256x1xf32>
    %broadcast_in_dim3A_266 = vector.broadcast %broadcast_in_dim3A_265 : vector<256x1xf32> to vector<256x32xf32>
    %select_n3A_267 = arith.select %eq3A_264, %broadcast_in_dim3A_266, %select_n3A_209 : vector<256x32xi1>, vector<256x32xf32>
    %broadcast_in_dim3A_268 = vector.shape_cast %broadcast_in_dim3A_224 : vector<256x1xf32> to vector<256x1xf32>
    %broadcast_in_dim3A_269 = vector.broadcast %broadcast_in_dim3A_268 : vector<256x1xf32> to vector<256x32xf32>
    %select_n3A_270 = arith.select %eq3A_264, %broadcast_in_dim3A_269, %select_n3A_212 : vector<256x32xi1>, vector<256x32xf32>
    %broadcast_in_dim3A_271 = vector.shape_cast %broadcast_in_dim3A_242 : vector<256x1xf32> to vector<256x1xf32>
    %broadcast_in_dim3A_272 = vector.broadcast %broadcast_in_dim3A_271 : vector<256x1xf32> to vector<256x32xf32>
    %select_n3A_273 = arith.select %eq3A_264, %broadcast_in_dim3A_272, %select_n3A_215 : vector<256x32xi1>, vector<256x32xf32>
    %broadcast_in_dim3A_274 = vector.shape_cast %broadcast_in_dim3A_250 : vector<256x1xf32> to vector<256x1xf32>
    %broadcast_in_dim3A_275 = vector.broadcast %broadcast_in_dim3A_274 : vector<256x1xf32> to vector<256x32xf32>
    %select_n3A_276 = arith.select %eq3A_264, %broadcast_in_dim3A_275, %select_n3A_218 : vector<256x32xi1>, vector<256x32xf32>
    %broadcast_in_dim3A_277 = vector.shape_cast %broadcast_in_dim3A_258 : vector<256x1xf32> to vector<256x1xf32>
    %broadcast_in_dim3A_278 = vector.broadcast %broadcast_in_dim3A_277 : vector<256x1xf32> to vector<256x32xf32>
    %select_n3A_279 = arith.select %eq3A_264, %broadcast_in_dim3A_278, %select_n3A_221 : vector<256x32xi1>, vector<256x32xf32>
    %reduce_min3A_280 = arith.constant dense<0x7F800000> : vector<256xf32>
    %reduce_min3A_281 = vector.multi_reduction <minimumf>, %select_n3A_261, %reduce_min3A_280 [1] : vector<256x1024xf32> to vector<256xf32>
    %broadcast_in_dim3A_282 = vector.shape_cast %reduce_min3A_281 : vector<256xf32> to vector<256x1xf32>
    %eq3A_283 = vector.broadcast %broadcast_in_dim3A_282 : vector<256x1xf32> to vector<256x1024xf32>
    %eq3A_284 = arith.cmpf oeq, %select_n3A_261, %eq3A_283 : vector<256x1024xf32>
    %jit3A_285 = arith.constant 1.024000e+03 : f32
    %broadcast_in_dim3A_286 = vector.broadcast %jit3A_285 : f32 to vector<256x1024xf32>
    %select_n3A_287 = arith.select %eq3A_284, %convert_element_type3A, %broadcast_in_dim3A_286 : vector<256x1024xi1>, vector<256x1024xf32>
    %reduce_min3A_288 = arith.constant dense<0x7F800000> : vector<256xf32>
    %reduce_min3A_289 = vector.multi_reduction <minimumf>, %select_n3A_287, %reduce_min3A_288 [1] : vector<256x1024xf32> to vector<256xf32>
    %broadcast_in_dim3A_290 = vector.shape_cast %reduce_min3A_289 : vector<256xf32> to vector<256x1xf32>
    %eq3A_291 = vector.broadcast %broadcast_in_dim3A_290 : vector<256x1xf32> to vector<256x1024xf32>
    %eq3A_292 = arith.cmpf oeq, %convert_element_type3A, %eq3A_291 : vector<256x1024xf32>
    %jit3A_293 = arith.constant 0.000000e+00 : f32
    %broadcast_in_dim3A_294 = vector.shape_cast %get3A_18 : vector<1x1024xf32> to vector<1x1024xf32>
    %broadcast_in_dim3A_295 = vector.broadcast %broadcast_in_dim3A_294 : vector<1x1024xf32> to vector<256x1024xf32>
    %broadcast_in_dim3A_296 = vector.broadcast %jit3A_293 : f32 to vector<256x1024xf32>
    %select_n3A_297 = arith.select %eq3A_292, %broadcast_in_dim3A_295, %broadcast_in_dim3A_296 : vector<256x1024xi1>, vector<256x1024xf32>
    %reduce_sum3A_298 = arith.constant dense<0.000000e+00> : vector<256xf32>
    %reduce_sum3A_299 = vector.multi_reduction <add>, %select_n3A_297, %reduce_sum3A_298 [1] : vector<256x1024xf32> to vector<256xf32>
    %broadcast_in_dim3A_300 = vector.shape_cast %reduce_sum3A_299 : vector<256xf32> to vector<256x1xf32>
    %jit3A_301 = arith.constant 0.000000e+00 : f32
    %broadcast_in_dim3A_302 = vector.shape_cast %get3A_23 : vector<1x1024xf32> to vector<1x1024xf32>
    %broadcast_in_dim3A_303 = vector.broadcast %broadcast_in_dim3A_302 : vector<1x1024xf32> to vector<256x1024xf32>
    %broadcast_in_dim3A_304 = vector.broadcast %jit3A_301 : f32 to vector<256x1024xf32>
    %select_n3A_305 = arith.select %eq3A_292, %broadcast_in_dim3A_303, %broadcast_in_dim3A_304 : vector<256x1024xi1>, vector<256x1024xf32>
    %reduce_sum3A_306 = arith.constant dense<0.000000e+00> : vector<256xf32>
    %reduce_sum3A_307 = vector.multi_reduction <add>, %select_n3A_305, %reduce_sum3A_306 [1] : vector<256x1024xf32> to vector<256xf32>
    %broadcast_in_dim3A_308 = vector.shape_cast %reduce_sum3A_307 : vector<256xf32> to vector<256x1xf32>
    %jit3A_309 = arith.constant 0.000000e+00 : f32
    %broadcast_in_dim3A_310 = vector.shape_cast %get3A_28 : vector<1x1024xf32> to vector<1x1024xf32>
    %broadcast_in_dim3A_311 = vector.broadcast %broadcast_in_dim3A_310 : vector<1x1024xf32> to vector<256x1024xf32>
    %broadcast_in_dim3A_312 = vector.broadcast %jit3A_309 : f32 to vector<256x1024xf32>
    %select_n3A_313 = arith.select %eq3A_292, %broadcast_in_dim3A_311, %broadcast_in_dim3A_312 : vector<256x1024xi1>, vector<256x1024xf32>
    %reduce_sum3A_314 = arith.constant dense<0.000000e+00> : vector<256xf32>
    %reduce_sum3A_315 = vector.multi_reduction <add>, %select_n3A_313, %reduce_sum3A_314 [1] : vector<256x1024xf32> to vector<256xf32>
    %broadcast_in_dim3A_316 = vector.shape_cast %reduce_sum3A_315 : vector<256xf32> to vector<256x1xf32>
    %jit3A_317 = arith.constant 1.000000e+30 : f32
    %broadcast_in_dim3A_318 = vector.broadcast %jit3A_317 : f32 to vector<256x1024xf32>
    %select_n3A_319 = arith.select %eq3A_292, %broadcast_in_dim3A_318, %select_n3A_261 : vector<256x1024xi1>, vector<256x1024xf32>
    %eq3A_320 = arith.constant 4 : i32
    %eq3A_321 = vector.broadcast %eq3A_320 : i32 to vector<256x32xi32>
    %eq3A_322 = arith.cmpi eq, %iota3A_43, %eq3A_321 : vector<256x32xi32>
    %broadcast_in_dim3A_323 = vector.shape_cast %broadcast_in_dim3A_290 : vector<256x1xf32> to vector<256x1xf32>
    %broadcast_in_dim3A_324 = vector.broadcast %broadcast_in_dim3A_323 : vector<256x1xf32> to vector<256x32xf32>
    %select_n3A_325 = arith.select %eq3A_322, %broadcast_in_dim3A_324, %select_n3A_267 : vector<256x32xi1>, vector<256x32xf32>
    %broadcast_in_dim3A_326 = vector.shape_cast %broadcast_in_dim3A_282 : vector<256x1xf32> to vector<256x1xf32>
    %broadcast_in_dim3A_327 = vector.broadcast %broadcast_in_dim3A_326 : vector<256x1xf32> to vector<256x32xf32>
    %select_n3A_328 = arith.select %eq3A_322, %broadcast_in_dim3A_327, %select_n3A_270 : vector<256x32xi1>, vector<256x32xf32>
    %broadcast_in_dim3A_329 = vector.shape_cast %broadcast_in_dim3A_300 : vector<256x1xf32> to vector<256x1xf32>
    %broadcast_in_dim3A_330 = vector.broadcast %broadcast_in_dim3A_329 : vector<256x1xf32> to vector<256x32xf32>
    %select_n3A_331 = arith.select %eq3A_322, %broadcast_in_dim3A_330, %select_n3A_273 : vector<256x32xi1>, vector<256x32xf32>
    %broadcast_in_dim3A_332 = vector.shape_cast %broadcast_in_dim3A_308 : vector<256x1xf32> to vector<256x1xf32>
    %broadcast_in_dim3A_333 = vector.broadcast %broadcast_in_dim3A_332 : vector<256x1xf32> to vector<256x32xf32>
    %select_n3A_334 = arith.select %eq3A_322, %broadcast_in_dim3A_333, %select_n3A_276 : vector<256x32xi1>, vector<256x32xf32>
    %broadcast_in_dim3A_335 = vector.shape_cast %broadcast_in_dim3A_316 : vector<256x1xf32> to vector<256x1xf32>
    %broadcast_in_dim3A_336 = vector.broadcast %broadcast_in_dim3A_335 : vector<256x1xf32> to vector<256x32xf32>
    %select_n3A_337 = arith.select %eq3A_322, %broadcast_in_dim3A_336, %select_n3A_279 : vector<256x32xi1>, vector<256x32xf32>
    %reduce_min3A_338 = arith.constant dense<0x7F800000> : vector<256xf32>
    %reduce_min3A_339 = vector.multi_reduction <minimumf>, %select_n3A_319, %reduce_min3A_338 [1] : vector<256x1024xf32> to vector<256xf32>
    %broadcast_in_dim3A_340 = vector.shape_cast %reduce_min3A_339 : vector<256xf32> to vector<256x1xf32>
    %eq3A_341 = vector.broadcast %broadcast_in_dim3A_340 : vector<256x1xf32> to vector<256x1024xf32>
    %eq3A_342 = arith.cmpf oeq, %select_n3A_319, %eq3A_341 : vector<256x1024xf32>
    %jit3A_343 = arith.constant 1.024000e+03 : f32
    %broadcast_in_dim3A_344 = vector.broadcast %jit3A_343 : f32 to vector<256x1024xf32>
    %select_n3A_345 = arith.select %eq3A_342, %convert_element_type3A, %broadcast_in_dim3A_344 : vector<256x1024xi1>, vector<256x1024xf32>
    %reduce_min3A_346 = arith.constant dense<0x7F800000> : vector<256xf32>
    %reduce_min3A_347 = vector.multi_reduction <minimumf>, %select_n3A_345, %reduce_min3A_346 [1] : vector<256x1024xf32> to vector<256xf32>
    %broadcast_in_dim3A_348 = vector.shape_cast %reduce_min3A_347 : vector<256xf32> to vector<256x1xf32>
    %eq3A_349 = vector.broadcast %broadcast_in_dim3A_348 : vector<256x1xf32> to vector<256x1024xf32>
    %eq3A_350 = arith.cmpf oeq, %convert_element_type3A, %eq3A_349 : vector<256x1024xf32>
    %jit3A_351 = arith.constant 0.000000e+00 : f32
    %broadcast_in_dim3A_352 = vector.shape_cast %get3A_18 : vector<1x1024xf32> to vector<1x1024xf32>
    %broadcast_in_dim3A_353 = vector.broadcast %broadcast_in_dim3A_352 : vector<1x1024xf32> to vector<256x1024xf32>
    %broadcast_in_dim3A_354 = vector.broadcast %jit3A_351 : f32 to vector<256x1024xf32>
    %select_n3A_355 = arith.select %eq3A_350, %broadcast_in_dim3A_353, %broadcast_in_dim3A_354 : vector<256x1024xi1>, vector<256x1024xf32>
    %reduce_sum3A_356 = arith.constant dense<0.000000e+00> : vector<256xf32>
    %reduce_sum3A_357 = vector.multi_reduction <add>, %select_n3A_355, %reduce_sum3A_356 [1] : vector<256x1024xf32> to vector<256xf32>
    %broadcast_in_dim3A_358 = vector.shape_cast %reduce_sum3A_357 : vector<256xf32> to vector<256x1xf32>
    %jit3A_359 = arith.constant 0.000000e+00 : f32
    %broadcast_in_dim3A_360 = vector.shape_cast %get3A_23 : vector<1x1024xf32> to vector<1x1024xf32>
    %broadcast_in_dim3A_361 = vector.broadcast %broadcast_in_dim3A_360 : vector<1x1024xf32> to vector<256x1024xf32>
    %broadcast_in_dim3A_362 = vector.broadcast %jit3A_359 : f32 to vector<256x1024xf32>
    %select_n3A_363 = arith.select %eq3A_350, %broadcast_in_dim3A_361, %broadcast_in_dim3A_362 : vector<256x1024xi1>, vector<256x1024xf32>
    %reduce_sum3A_364 = arith.constant dense<0.000000e+00> : vector<256xf32>
    %reduce_sum3A_365 = vector.multi_reduction <add>, %select_n3A_363, %reduce_sum3A_364 [1] : vector<256x1024xf32> to vector<256xf32>
    %broadcast_in_dim3A_366 = vector.shape_cast %reduce_sum3A_365 : vector<256xf32> to vector<256x1xf32>
    %jit3A_367 = arith.constant 0.000000e+00 : f32
    %broadcast_in_dim3A_368 = vector.shape_cast %get3A_28 : vector<1x1024xf32> to vector<1x1024xf32>
    %broadcast_in_dim3A_369 = vector.broadcast %broadcast_in_dim3A_368 : vector<1x1024xf32> to vector<256x1024xf32>
    %broadcast_in_dim3A_370 = vector.broadcast %jit3A_367 : f32 to vector<256x1024xf32>
    %select_n3A_371 = arith.select %eq3A_350, %broadcast_in_dim3A_369, %broadcast_in_dim3A_370 : vector<256x1024xi1>, vector<256x1024xf32>
    %reduce_sum3A_372 = arith.constant dense<0.000000e+00> : vector<256xf32>
    %reduce_sum3A_373 = vector.multi_reduction <add>, %select_n3A_371, %reduce_sum3A_372 [1] : vector<256x1024xf32> to vector<256xf32>
    %broadcast_in_dim3A_374 = vector.shape_cast %reduce_sum3A_373 : vector<256xf32> to vector<256x1xf32>
    %jit3A_375 = arith.constant 1.000000e+30 : f32
    %broadcast_in_dim3A_376 = vector.broadcast %jit3A_375 : f32 to vector<256x1024xf32>
    %select_n3A_377 = arith.select %eq3A_350, %broadcast_in_dim3A_376, %select_n3A_319 : vector<256x1024xi1>, vector<256x1024xf32>
    %eq3A_378 = arith.constant 5 : i32
    %eq3A_379 = vector.broadcast %eq3A_378 : i32 to vector<256x32xi32>
    %eq3A_380 = arith.cmpi eq, %iota3A_43, %eq3A_379 : vector<256x32xi32>
    %broadcast_in_dim3A_381 = vector.shape_cast %broadcast_in_dim3A_348 : vector<256x1xf32> to vector<256x1xf32>
    %broadcast_in_dim3A_382 = vector.broadcast %broadcast_in_dim3A_381 : vector<256x1xf32> to vector<256x32xf32>
    %select_n3A_383 = arith.select %eq3A_380, %broadcast_in_dim3A_382, %select_n3A_325 : vector<256x32xi1>, vector<256x32xf32>
    %broadcast_in_dim3A_384 = vector.shape_cast %broadcast_in_dim3A_340 : vector<256x1xf32> to vector<256x1xf32>
    %broadcast_in_dim3A_385 = vector.broadcast %broadcast_in_dim3A_384 : vector<256x1xf32> to vector<256x32xf32>
    %select_n3A_386 = arith.select %eq3A_380, %broadcast_in_dim3A_385, %select_n3A_328 : vector<256x32xi1>, vector<256x32xf32>
    %broadcast_in_dim3A_387 = vector.shape_cast %broadcast_in_dim3A_358 : vector<256x1xf32> to vector<256x1xf32>
    %broadcast_in_dim3A_388 = vector.broadcast %broadcast_in_dim3A_387 : vector<256x1xf32> to vector<256x32xf32>
    %select_n3A_389 = arith.select %eq3A_380, %broadcast_in_dim3A_388, %select_n3A_331 : vector<256x32xi1>, vector<256x32xf32>
    %broadcast_in_dim3A_390 = vector.shape_cast %broadcast_in_dim3A_366 : vector<256x1xf32> to vector<256x1xf32>
    %broadcast_in_dim3A_391 = vector.broadcast %broadcast_in_dim3A_390 : vector<256x1xf32> to vector<256x32xf32>
    %select_n3A_392 = arith.select %eq3A_380, %broadcast_in_dim3A_391, %select_n3A_334 : vector<256x32xi1>, vector<256x32xf32>
    %broadcast_in_dim3A_393 = vector.shape_cast %broadcast_in_dim3A_374 : vector<256x1xf32> to vector<256x1xf32>
    %broadcast_in_dim3A_394 = vector.broadcast %broadcast_in_dim3A_393 : vector<256x1xf32> to vector<256x32xf32>
    %select_n3A_395 = arith.select %eq3A_380, %broadcast_in_dim3A_394, %select_n3A_337 : vector<256x32xi1>, vector<256x32xf32>
    %reduce_min3A_396 = arith.constant dense<0x7F800000> : vector<256xf32>
    %reduce_min3A_397 = vector.multi_reduction <minimumf>, %select_n3A_377, %reduce_min3A_396 [1] : vector<256x1024xf32> to vector<256xf32>
    %broadcast_in_dim3A_398 = vector.shape_cast %reduce_min3A_397 : vector<256xf32> to vector<256x1xf32>
    %eq3A_399 = vector.broadcast %broadcast_in_dim3A_398 : vector<256x1xf32> to vector<256x1024xf32>
    %eq3A_400 = arith.cmpf oeq, %select_n3A_377, %eq3A_399 : vector<256x1024xf32>
    %jit3A_401 = arith.constant 1.024000e+03 : f32
    %broadcast_in_dim3A_402 = vector.broadcast %jit3A_401 : f32 to vector<256x1024xf32>
    %select_n3A_403 = arith.select %eq3A_400, %convert_element_type3A, %broadcast_in_dim3A_402 : vector<256x1024xi1>, vector<256x1024xf32>
    %reduce_min3A_404 = arith.constant dense<0x7F800000> : vector<256xf32>
    %reduce_min3A_405 = vector.multi_reduction <minimumf>, %select_n3A_403, %reduce_min3A_404 [1] : vector<256x1024xf32> to vector<256xf32>
    %broadcast_in_dim3A_406 = vector.shape_cast %reduce_min3A_405 : vector<256xf32> to vector<256x1xf32>
    %eq3A_407 = vector.broadcast %broadcast_in_dim3A_406 : vector<256x1xf32> to vector<256x1024xf32>
    %eq3A_408 = arith.cmpf oeq, %convert_element_type3A, %eq3A_407 : vector<256x1024xf32>
    %jit3A_409 = arith.constant 0.000000e+00 : f32
    %broadcast_in_dim3A_410 = vector.shape_cast %get3A_18 : vector<1x1024xf32> to vector<1x1024xf32>
    %broadcast_in_dim3A_411 = vector.broadcast %broadcast_in_dim3A_410 : vector<1x1024xf32> to vector<256x1024xf32>
    %broadcast_in_dim3A_412 = vector.broadcast %jit3A_409 : f32 to vector<256x1024xf32>
    %select_n3A_413 = arith.select %eq3A_408, %broadcast_in_dim3A_411, %broadcast_in_dim3A_412 : vector<256x1024xi1>, vector<256x1024xf32>
    %reduce_sum3A_414 = arith.constant dense<0.000000e+00> : vector<256xf32>
    %reduce_sum3A_415 = vector.multi_reduction <add>, %select_n3A_413, %reduce_sum3A_414 [1] : vector<256x1024xf32> to vector<256xf32>
    %broadcast_in_dim3A_416 = vector.shape_cast %reduce_sum3A_415 : vector<256xf32> to vector<256x1xf32>
    %jit3A_417 = arith.constant 0.000000e+00 : f32
    %broadcast_in_dim3A_418 = vector.shape_cast %get3A_23 : vector<1x1024xf32> to vector<1x1024xf32>
    %broadcast_in_dim3A_419 = vector.broadcast %broadcast_in_dim3A_418 : vector<1x1024xf32> to vector<256x1024xf32>
    %broadcast_in_dim3A_420 = vector.broadcast %jit3A_417 : f32 to vector<256x1024xf32>
    %select_n3A_421 = arith.select %eq3A_408, %broadcast_in_dim3A_419, %broadcast_in_dim3A_420 : vector<256x1024xi1>, vector<256x1024xf32>
    %reduce_sum3A_422 = arith.constant dense<0.000000e+00> : vector<256xf32>
    %reduce_sum3A_423 = vector.multi_reduction <add>, %select_n3A_421, %reduce_sum3A_422 [1] : vector<256x1024xf32> to vector<256xf32>
    %broadcast_in_dim3A_424 = vector.shape_cast %reduce_sum3A_423 : vector<256xf32> to vector<256x1xf32>
    %jit3A_425 = arith.constant 0.000000e+00 : f32
    %broadcast_in_dim3A_426 = vector.shape_cast %get3A_28 : vector<1x1024xf32> to vector<1x1024xf32>
    %broadcast_in_dim3A_427 = vector.broadcast %broadcast_in_dim3A_426 : vector<1x1024xf32> to vector<256x1024xf32>
    %broadcast_in_dim3A_428 = vector.broadcast %jit3A_425 : f32 to vector<256x1024xf32>
    %select_n3A_429 = arith.select %eq3A_408, %broadcast_in_dim3A_427, %broadcast_in_dim3A_428 : vector<256x1024xi1>, vector<256x1024xf32>
    %reduce_sum3A_430 = arith.constant dense<0.000000e+00> : vector<256xf32>
    %reduce_sum3A_431 = vector.multi_reduction <add>, %select_n3A_429, %reduce_sum3A_430 [1] : vector<256x1024xf32> to vector<256xf32>
    %broadcast_in_dim3A_432 = vector.shape_cast %reduce_sum3A_431 : vector<256xf32> to vector<256x1xf32>
    %jit3A_433 = arith.constant 1.000000e+30 : f32
    %broadcast_in_dim3A_434 = vector.broadcast %jit3A_433 : f32 to vector<256x1024xf32>
    %select_n3A_435 = arith.select %eq3A_408, %broadcast_in_dim3A_434, %select_n3A_377 : vector<256x1024xi1>, vector<256x1024xf32>
    %eq3A_436 = arith.constant 6 : i32
    %eq3A_437 = vector.broadcast %eq3A_436 : i32 to vector<256x32xi32>
    %eq3A_438 = arith.cmpi eq, %iota3A_43, %eq3A_437 : vector<256x32xi32>
    %broadcast_in_dim3A_439 = vector.shape_cast %broadcast_in_dim3A_406 : vector<256x1xf32> to vector<256x1xf32>
    %broadcast_in_dim3A_440 = vector.broadcast %broadcast_in_dim3A_439 : vector<256x1xf32> to vector<256x32xf32>
    %select_n3A_441 = arith.select %eq3A_438, %broadcast_in_dim3A_440, %select_n3A_383 : vector<256x32xi1>, vector<256x32xf32>
    %broadcast_in_dim3A_442 = vector.shape_cast %broadcast_in_dim3A_398 : vector<256x1xf32> to vector<256x1xf32>
    %broadcast_in_dim3A_443 = vector.broadcast %broadcast_in_dim3A_442 : vector<256x1xf32> to vector<256x32xf32>
    %select_n3A_444 = arith.select %eq3A_438, %broadcast_in_dim3A_443, %select_n3A_386 : vector<256x32xi1>, vector<256x32xf32>
    %broadcast_in_dim3A_445 = vector.shape_cast %broadcast_in_dim3A_416 : vector<256x1xf32> to vector<256x1xf32>
    %broadcast_in_dim3A_446 = vector.broadcast %broadcast_in_dim3A_445 : vector<256x1xf32> to vector<256x32xf32>
    %select_n3A_447 = arith.select %eq3A_438, %broadcast_in_dim3A_446, %select_n3A_389 : vector<256x32xi1>, vector<256x32xf32>
    %broadcast_in_dim3A_448 = vector.shape_cast %broadcast_in_dim3A_424 : vector<256x1xf32> to vector<256x1xf32>
    %broadcast_in_dim3A_449 = vector.broadcast %broadcast_in_dim3A_448 : vector<256x1xf32> to vector<256x32xf32>
    %select_n3A_450 = arith.select %eq3A_438, %broadcast_in_dim3A_449, %select_n3A_392 : vector<256x32xi1>, vector<256x32xf32>
    %broadcast_in_dim3A_451 = vector.shape_cast %broadcast_in_dim3A_432 : vector<256x1xf32> to vector<256x1xf32>
    %broadcast_in_dim3A_452 = vector.broadcast %broadcast_in_dim3A_451 : vector<256x1xf32> to vector<256x32xf32>
    %select_n3A_453 = arith.select %eq3A_438, %broadcast_in_dim3A_452, %select_n3A_395 : vector<256x32xi1>, vector<256x32xf32>
    %reduce_min3A_454 = arith.constant dense<0x7F800000> : vector<256xf32>
    %reduce_min3A_455 = vector.multi_reduction <minimumf>, %select_n3A_435, %reduce_min3A_454 [1] : vector<256x1024xf32> to vector<256xf32>
    %broadcast_in_dim3A_456 = vector.shape_cast %reduce_min3A_455 : vector<256xf32> to vector<256x1xf32>
    %eq3A_457 = vector.broadcast %broadcast_in_dim3A_456 : vector<256x1xf32> to vector<256x1024xf32>
    %eq3A_458 = arith.cmpf oeq, %select_n3A_435, %eq3A_457 : vector<256x1024xf32>
    %jit3A_459 = arith.constant 1.024000e+03 : f32
    %broadcast_in_dim3A_460 = vector.broadcast %jit3A_459 : f32 to vector<256x1024xf32>
    %select_n3A_461 = arith.select %eq3A_458, %convert_element_type3A, %broadcast_in_dim3A_460 : vector<256x1024xi1>, vector<256x1024xf32>
    %reduce_min3A_462 = arith.constant dense<0x7F800000> : vector<256xf32>
    %reduce_min3A_463 = vector.multi_reduction <minimumf>, %select_n3A_461, %reduce_min3A_462 [1] : vector<256x1024xf32> to vector<256xf32>
    %broadcast_in_dim3A_464 = vector.shape_cast %reduce_min3A_463 : vector<256xf32> to vector<256x1xf32>
    %eq3A_465 = vector.broadcast %broadcast_in_dim3A_464 : vector<256x1xf32> to vector<256x1024xf32>
    %eq3A_466 = arith.cmpf oeq, %convert_element_type3A, %eq3A_465 : vector<256x1024xf32>
    %jit3A_467 = arith.constant 0.000000e+00 : f32
    %broadcast_in_dim3A_468 = vector.shape_cast %get3A_18 : vector<1x1024xf32> to vector<1x1024xf32>
    %broadcast_in_dim3A_469 = vector.broadcast %broadcast_in_dim3A_468 : vector<1x1024xf32> to vector<256x1024xf32>
    %broadcast_in_dim3A_470 = vector.broadcast %jit3A_467 : f32 to vector<256x1024xf32>
    %select_n3A_471 = arith.select %eq3A_466, %broadcast_in_dim3A_469, %broadcast_in_dim3A_470 : vector<256x1024xi1>, vector<256x1024xf32>
    %reduce_sum3A_472 = arith.constant dense<0.000000e+00> : vector<256xf32>
    %reduce_sum3A_473 = vector.multi_reduction <add>, %select_n3A_471, %reduce_sum3A_472 [1] : vector<256x1024xf32> to vector<256xf32>
    %broadcast_in_dim3A_474 = vector.shape_cast %reduce_sum3A_473 : vector<256xf32> to vector<256x1xf32>
    %jit3A_475 = arith.constant 0.000000e+00 : f32
    %broadcast_in_dim3A_476 = vector.shape_cast %get3A_23 : vector<1x1024xf32> to vector<1x1024xf32>
    %broadcast_in_dim3A_477 = vector.broadcast %broadcast_in_dim3A_476 : vector<1x1024xf32> to vector<256x1024xf32>
    %broadcast_in_dim3A_478 = vector.broadcast %jit3A_475 : f32 to vector<256x1024xf32>
    %select_n3A_479 = arith.select %eq3A_466, %broadcast_in_dim3A_477, %broadcast_in_dim3A_478 : vector<256x1024xi1>, vector<256x1024xf32>
    %reduce_sum3A_480 = arith.constant dense<0.000000e+00> : vector<256xf32>
    %reduce_sum3A_481 = vector.multi_reduction <add>, %select_n3A_479, %reduce_sum3A_480 [1] : vector<256x1024xf32> to vector<256xf32>
    %broadcast_in_dim3A_482 = vector.shape_cast %reduce_sum3A_481 : vector<256xf32> to vector<256x1xf32>
    %jit3A_483 = arith.constant 0.000000e+00 : f32
    %broadcast_in_dim3A_484 = vector.shape_cast %get3A_28 : vector<1x1024xf32> to vector<1x1024xf32>
    %broadcast_in_dim3A_485 = vector.broadcast %broadcast_in_dim3A_484 : vector<1x1024xf32> to vector<256x1024xf32>
    %broadcast_in_dim3A_486 = vector.broadcast %jit3A_483 : f32 to vector<256x1024xf32>
    %select_n3A_487 = arith.select %eq3A_466, %broadcast_in_dim3A_485, %broadcast_in_dim3A_486 : vector<256x1024xi1>, vector<256x1024xf32>
    %reduce_sum3A_488 = arith.constant dense<0.000000e+00> : vector<256xf32>
    %reduce_sum3A_489 = vector.multi_reduction <add>, %select_n3A_487, %reduce_sum3A_488 [1] : vector<256x1024xf32> to vector<256xf32>
    %broadcast_in_dim3A_490 = vector.shape_cast %reduce_sum3A_489 : vector<256xf32> to vector<256x1xf32>
    %jit3A_491 = arith.constant 1.000000e+30 : f32
    %broadcast_in_dim3A_492 = vector.broadcast %jit3A_491 : f32 to vector<256x1024xf32>
    %select_n3A_493 = arith.select %eq3A_466, %broadcast_in_dim3A_492, %select_n3A_435 : vector<256x1024xi1>, vector<256x1024xf32>
    %eq3A_494 = arith.constant 7 : i32
    %eq3A_495 = vector.broadcast %eq3A_494 : i32 to vector<256x32xi32>
    %eq3A_496 = arith.cmpi eq, %iota3A_43, %eq3A_495 : vector<256x32xi32>
    %broadcast_in_dim3A_497 = vector.shape_cast %broadcast_in_dim3A_464 : vector<256x1xf32> to vector<256x1xf32>
    %broadcast_in_dim3A_498 = vector.broadcast %broadcast_in_dim3A_497 : vector<256x1xf32> to vector<256x32xf32>
    %select_n3A_499 = arith.select %eq3A_496, %broadcast_in_dim3A_498, %select_n3A_441 : vector<256x32xi1>, vector<256x32xf32>
    %broadcast_in_dim3A_500 = vector.shape_cast %broadcast_in_dim3A_456 : vector<256x1xf32> to vector<256x1xf32>
    %broadcast_in_dim3A_501 = vector.broadcast %broadcast_in_dim3A_500 : vector<256x1xf32> to vector<256x32xf32>
    %select_n3A_502 = arith.select %eq3A_496, %broadcast_in_dim3A_501, %select_n3A_444 : vector<256x32xi1>, vector<256x32xf32>
    %broadcast_in_dim3A_503 = vector.shape_cast %broadcast_in_dim3A_474 : vector<256x1xf32> to vector<256x1xf32>
    %broadcast_in_dim3A_504 = vector.broadcast %broadcast_in_dim3A_503 : vector<256x1xf32> to vector<256x32xf32>
    %select_n3A_505 = arith.select %eq3A_496, %broadcast_in_dim3A_504, %select_n3A_447 : vector<256x32xi1>, vector<256x32xf32>
    %broadcast_in_dim3A_506 = vector.shape_cast %broadcast_in_dim3A_482 : vector<256x1xf32> to vector<256x1xf32>
    %broadcast_in_dim3A_507 = vector.broadcast %broadcast_in_dim3A_506 : vector<256x1xf32> to vector<256x32xf32>
    %select_n3A_508 = arith.select %eq3A_496, %broadcast_in_dim3A_507, %select_n3A_450 : vector<256x32xi1>, vector<256x32xf32>
    %broadcast_in_dim3A_509 = vector.shape_cast %broadcast_in_dim3A_490 : vector<256x1xf32> to vector<256x1xf32>
    %broadcast_in_dim3A_510 = vector.broadcast %broadcast_in_dim3A_509 : vector<256x1xf32> to vector<256x32xf32>
    %select_n3A_511 = arith.select %eq3A_496, %broadcast_in_dim3A_510, %select_n3A_453 : vector<256x32xi1>, vector<256x32xf32>
    %reduce_min3A_512 = arith.constant dense<0x7F800000> : vector<256xf32>
    %reduce_min3A_513 = vector.multi_reduction <minimumf>, %select_n3A_493, %reduce_min3A_512 [1] : vector<256x1024xf32> to vector<256xf32>
    %broadcast_in_dim3A_514 = vector.shape_cast %reduce_min3A_513 : vector<256xf32> to vector<256x1xf32>
    %eq3A_515 = vector.broadcast %broadcast_in_dim3A_514 : vector<256x1xf32> to vector<256x1024xf32>
    %eq3A_516 = arith.cmpf oeq, %select_n3A_493, %eq3A_515 : vector<256x1024xf32>
    %jit3A_517 = arith.constant 1.024000e+03 : f32
    %broadcast_in_dim3A_518 = vector.broadcast %jit3A_517 : f32 to vector<256x1024xf32>
    %select_n3A_519 = arith.select %eq3A_516, %convert_element_type3A, %broadcast_in_dim3A_518 : vector<256x1024xi1>, vector<256x1024xf32>
    %reduce_min3A_520 = arith.constant dense<0x7F800000> : vector<256xf32>
    %reduce_min3A_521 = vector.multi_reduction <minimumf>, %select_n3A_519, %reduce_min3A_520 [1] : vector<256x1024xf32> to vector<256xf32>
    %broadcast_in_dim3A_522 = vector.shape_cast %reduce_min3A_521 : vector<256xf32> to vector<256x1xf32>
    %eq3A_523 = vector.broadcast %broadcast_in_dim3A_522 : vector<256x1xf32> to vector<256x1024xf32>
    %eq3A_524 = arith.cmpf oeq, %convert_element_type3A, %eq3A_523 : vector<256x1024xf32>
    %jit3A_525 = arith.constant 0.000000e+00 : f32
    %broadcast_in_dim3A_526 = vector.shape_cast %get3A_18 : vector<1x1024xf32> to vector<1x1024xf32>
    %broadcast_in_dim3A_527 = vector.broadcast %broadcast_in_dim3A_526 : vector<1x1024xf32> to vector<256x1024xf32>
    %broadcast_in_dim3A_528 = vector.broadcast %jit3A_525 : f32 to vector<256x1024xf32>
    %select_n3A_529 = arith.select %eq3A_524, %broadcast_in_dim3A_527, %broadcast_in_dim3A_528 : vector<256x1024xi1>, vector<256x1024xf32>
    %reduce_sum3A_530 = arith.constant dense<0.000000e+00> : vector<256xf32>
    %reduce_sum3A_531 = vector.multi_reduction <add>, %select_n3A_529, %reduce_sum3A_530 [1] : vector<256x1024xf32> to vector<256xf32>
    %broadcast_in_dim3A_532 = vector.shape_cast %reduce_sum3A_531 : vector<256xf32> to vector<256x1xf32>
    %jit3A_533 = arith.constant 0.000000e+00 : f32
    %broadcast_in_dim3A_534 = vector.shape_cast %get3A_23 : vector<1x1024xf32> to vector<1x1024xf32>
    %broadcast_in_dim3A_535 = vector.broadcast %broadcast_in_dim3A_534 : vector<1x1024xf32> to vector<256x1024xf32>
    %broadcast_in_dim3A_536 = vector.broadcast %jit3A_533 : f32 to vector<256x1024xf32>
    %select_n3A_537 = arith.select %eq3A_524, %broadcast_in_dim3A_535, %broadcast_in_dim3A_536 : vector<256x1024xi1>, vector<256x1024xf32>
    %reduce_sum3A_538 = arith.constant dense<0.000000e+00> : vector<256xf32>
    %reduce_sum3A_539 = vector.multi_reduction <add>, %select_n3A_537, %reduce_sum3A_538 [1] : vector<256x1024xf32> to vector<256xf32>
    %broadcast_in_dim3A_540 = vector.shape_cast %reduce_sum3A_539 : vector<256xf32> to vector<256x1xf32>
    %jit3A_541 = arith.constant 0.000000e+00 : f32
    %broadcast_in_dim3A_542 = vector.shape_cast %get3A_28 : vector<1x1024xf32> to vector<1x1024xf32>
    %broadcast_in_dim3A_543 = vector.broadcast %broadcast_in_dim3A_542 : vector<1x1024xf32> to vector<256x1024xf32>
    %broadcast_in_dim3A_544 = vector.broadcast %jit3A_541 : f32 to vector<256x1024xf32>
    %select_n3A_545 = arith.select %eq3A_524, %broadcast_in_dim3A_543, %broadcast_in_dim3A_544 : vector<256x1024xi1>, vector<256x1024xf32>
    %reduce_sum3A_546 = arith.constant dense<0.000000e+00> : vector<256xf32>
    %reduce_sum3A_547 = vector.multi_reduction <add>, %select_n3A_545, %reduce_sum3A_546 [1] : vector<256x1024xf32> to vector<256xf32>
    %broadcast_in_dim3A_548 = vector.shape_cast %reduce_sum3A_547 : vector<256xf32> to vector<256x1xf32>
    %jit3A_549 = arith.constant 1.000000e+30 : f32
    %broadcast_in_dim3A_550 = vector.broadcast %jit3A_549 : f32 to vector<256x1024xf32>
    %select_n3A_551 = arith.select %eq3A_524, %broadcast_in_dim3A_550, %select_n3A_493 : vector<256x1024xi1>, vector<256x1024xf32>
    %eq3A_552 = arith.constant 8 : i32
    %eq3A_553 = vector.broadcast %eq3A_552 : i32 to vector<256x32xi32>
    %eq3A_554 = arith.cmpi eq, %iota3A_43, %eq3A_553 : vector<256x32xi32>
    %broadcast_in_dim3A_555 = vector.shape_cast %broadcast_in_dim3A_522 : vector<256x1xf32> to vector<256x1xf32>
    %broadcast_in_dim3A_556 = vector.broadcast %broadcast_in_dim3A_555 : vector<256x1xf32> to vector<256x32xf32>
    %select_n3A_557 = arith.select %eq3A_554, %broadcast_in_dim3A_556, %select_n3A_499 : vector<256x32xi1>, vector<256x32xf32>
    %broadcast_in_dim3A_558 = vector.shape_cast %broadcast_in_dim3A_514 : vector<256x1xf32> to vector<256x1xf32>
    %broadcast_in_dim3A_559 = vector.broadcast %broadcast_in_dim3A_558 : vector<256x1xf32> to vector<256x32xf32>
    %select_n3A_560 = arith.select %eq3A_554, %broadcast_in_dim3A_559, %select_n3A_502 : vector<256x32xi1>, vector<256x32xf32>
    %broadcast_in_dim3A_561 = vector.shape_cast %broadcast_in_dim3A_532 : vector<256x1xf32> to vector<256x1xf32>
    %broadcast_in_dim3A_562 = vector.broadcast %broadcast_in_dim3A_561 : vector<256x1xf32> to vector<256x32xf32>
    %select_n3A_563 = arith.select %eq3A_554, %broadcast_in_dim3A_562, %select_n3A_505 : vector<256x32xi1>, vector<256x32xf32>
    %broadcast_in_dim3A_564 = vector.shape_cast %broadcast_in_dim3A_540 : vector<256x1xf32> to vector<256x1xf32>
    %broadcast_in_dim3A_565 = vector.broadcast %broadcast_in_dim3A_564 : vector<256x1xf32> to vector<256x32xf32>
    %select_n3A_566 = arith.select %eq3A_554, %broadcast_in_dim3A_565, %select_n3A_508 : vector<256x32xi1>, vector<256x32xf32>
    %broadcast_in_dim3A_567 = vector.shape_cast %broadcast_in_dim3A_548 : vector<256x1xf32> to vector<256x1xf32>
    %broadcast_in_dim3A_568 = vector.broadcast %broadcast_in_dim3A_567 : vector<256x1xf32> to vector<256x32xf32>
    %select_n3A_569 = arith.select %eq3A_554, %broadcast_in_dim3A_568, %select_n3A_511 : vector<256x32xi1>, vector<256x32xf32>
    %reduce_min3A_570 = arith.constant dense<0x7F800000> : vector<256xf32>
    %reduce_min3A_571 = vector.multi_reduction <minimumf>, %select_n3A_551, %reduce_min3A_570 [1] : vector<256x1024xf32> to vector<256xf32>
    %broadcast_in_dim3A_572 = vector.shape_cast %reduce_min3A_571 : vector<256xf32> to vector<256x1xf32>
    %eq3A_573 = vector.broadcast %broadcast_in_dim3A_572 : vector<256x1xf32> to vector<256x1024xf32>
    %eq3A_574 = arith.cmpf oeq, %select_n3A_551, %eq3A_573 : vector<256x1024xf32>
    %jit3A_575 = arith.constant 1.024000e+03 : f32
    %broadcast_in_dim3A_576 = vector.broadcast %jit3A_575 : f32 to vector<256x1024xf32>
    %select_n3A_577 = arith.select %eq3A_574, %convert_element_type3A, %broadcast_in_dim3A_576 : vector<256x1024xi1>, vector<256x1024xf32>
    %reduce_min3A_578 = arith.constant dense<0x7F800000> : vector<256xf32>
    %reduce_min3A_579 = vector.multi_reduction <minimumf>, %select_n3A_577, %reduce_min3A_578 [1] : vector<256x1024xf32> to vector<256xf32>
    %broadcast_in_dim3A_580 = vector.shape_cast %reduce_min3A_579 : vector<256xf32> to vector<256x1xf32>
    %eq3A_581 = vector.broadcast %broadcast_in_dim3A_580 : vector<256x1xf32> to vector<256x1024xf32>
    %eq3A_582 = arith.cmpf oeq, %convert_element_type3A, %eq3A_581 : vector<256x1024xf32>
    %jit3A_583 = arith.constant 0.000000e+00 : f32
    %broadcast_in_dim3A_584 = vector.shape_cast %get3A_18 : vector<1x1024xf32> to vector<1x1024xf32>
    %broadcast_in_dim3A_585 = vector.broadcast %broadcast_in_dim3A_584 : vector<1x1024xf32> to vector<256x1024xf32>
    %broadcast_in_dim3A_586 = vector.broadcast %jit3A_583 : f32 to vector<256x1024xf32>
    %select_n3A_587 = arith.select %eq3A_582, %broadcast_in_dim3A_585, %broadcast_in_dim3A_586 : vector<256x1024xi1>, vector<256x1024xf32>
    %reduce_sum3A_588 = arith.constant dense<0.000000e+00> : vector<256xf32>
    %reduce_sum3A_589 = vector.multi_reduction <add>, %select_n3A_587, %reduce_sum3A_588 [1] : vector<256x1024xf32> to vector<256xf32>
    %broadcast_in_dim3A_590 = vector.shape_cast %reduce_sum3A_589 : vector<256xf32> to vector<256x1xf32>
    %jit3A_591 = arith.constant 0.000000e+00 : f32
    %broadcast_in_dim3A_592 = vector.shape_cast %get3A_23 : vector<1x1024xf32> to vector<1x1024xf32>
    %broadcast_in_dim3A_593 = vector.broadcast %broadcast_in_dim3A_592 : vector<1x1024xf32> to vector<256x1024xf32>
    %broadcast_in_dim3A_594 = vector.broadcast %jit3A_591 : f32 to vector<256x1024xf32>
    %select_n3A_595 = arith.select %eq3A_582, %broadcast_in_dim3A_593, %broadcast_in_dim3A_594 : vector<256x1024xi1>, vector<256x1024xf32>
    %reduce_sum3A_596 = arith.constant dense<0.000000e+00> : vector<256xf32>
    %reduce_sum3A_597 = vector.multi_reduction <add>, %select_n3A_595, %reduce_sum3A_596 [1] : vector<256x1024xf32> to vector<256xf32>
    %broadcast_in_dim3A_598 = vector.shape_cast %reduce_sum3A_597 : vector<256xf32> to vector<256x1xf32>
    %jit3A_599 = arith.constant 0.000000e+00 : f32
    %broadcast_in_dim3A_600 = vector.shape_cast %get3A_28 : vector<1x1024xf32> to vector<1x1024xf32>
    %broadcast_in_dim3A_601 = vector.broadcast %broadcast_in_dim3A_600 : vector<1x1024xf32> to vector<256x1024xf32>
    %broadcast_in_dim3A_602 = vector.broadcast %jit3A_599 : f32 to vector<256x1024xf32>
    %select_n3A_603 = arith.select %eq3A_582, %broadcast_in_dim3A_601, %broadcast_in_dim3A_602 : vector<256x1024xi1>, vector<256x1024xf32>
    %reduce_sum3A_604 = arith.constant dense<0.000000e+00> : vector<256xf32>
    %reduce_sum3A_605 = vector.multi_reduction <add>, %select_n3A_603, %reduce_sum3A_604 [1] : vector<256x1024xf32> to vector<256xf32>
    %broadcast_in_dim3A_606 = vector.shape_cast %reduce_sum3A_605 : vector<256xf32> to vector<256x1xf32>
    %jit3A_607 = arith.constant 1.000000e+30 : f32
    %broadcast_in_dim3A_608 = vector.broadcast %jit3A_607 : f32 to vector<256x1024xf32>
    %select_n3A_609 = arith.select %eq3A_582, %broadcast_in_dim3A_608, %select_n3A_551 : vector<256x1024xi1>, vector<256x1024xf32>
    %eq3A_610 = arith.constant 9 : i32
    %eq3A_611 = vector.broadcast %eq3A_610 : i32 to vector<256x32xi32>
    %eq3A_612 = arith.cmpi eq, %iota3A_43, %eq3A_611 : vector<256x32xi32>
    %broadcast_in_dim3A_613 = vector.shape_cast %broadcast_in_dim3A_580 : vector<256x1xf32> to vector<256x1xf32>
    %broadcast_in_dim3A_614 = vector.broadcast %broadcast_in_dim3A_613 : vector<256x1xf32> to vector<256x32xf32>
    %select_n3A_615 = arith.select %eq3A_612, %broadcast_in_dim3A_614, %select_n3A_557 : vector<256x32xi1>, vector<256x32xf32>
    %broadcast_in_dim3A_616 = vector.shape_cast %broadcast_in_dim3A_572 : vector<256x1xf32> to vector<256x1xf32>
    %broadcast_in_dim3A_617 = vector.broadcast %broadcast_in_dim3A_616 : vector<256x1xf32> to vector<256x32xf32>
    %select_n3A_618 = arith.select %eq3A_612, %broadcast_in_dim3A_617, %select_n3A_560 : vector<256x32xi1>, vector<256x32xf32>
    %broadcast_in_dim3A_619 = vector.shape_cast %broadcast_in_dim3A_590 : vector<256x1xf32> to vector<256x1xf32>
    %broadcast_in_dim3A_620 = vector.broadcast %broadcast_in_dim3A_619 : vector<256x1xf32> to vector<256x32xf32>
    %select_n3A_621 = arith.select %eq3A_612, %broadcast_in_dim3A_620, %select_n3A_563 : vector<256x32xi1>, vector<256x32xf32>
    %broadcast_in_dim3A_622 = vector.shape_cast %broadcast_in_dim3A_598 : vector<256x1xf32> to vector<256x1xf32>
    %broadcast_in_dim3A_623 = vector.broadcast %broadcast_in_dim3A_622 : vector<256x1xf32> to vector<256x32xf32>
    %select_n3A_624 = arith.select %eq3A_612, %broadcast_in_dim3A_623, %select_n3A_566 : vector<256x32xi1>, vector<256x32xf32>
    %broadcast_in_dim3A_625 = vector.shape_cast %broadcast_in_dim3A_606 : vector<256x1xf32> to vector<256x1xf32>
    %broadcast_in_dim3A_626 = vector.broadcast %broadcast_in_dim3A_625 : vector<256x1xf32> to vector<256x32xf32>
    %select_n3A_627 = arith.select %eq3A_612, %broadcast_in_dim3A_626, %select_n3A_569 : vector<256x32xi1>, vector<256x32xf32>
    %reduce_min3A_628 = arith.constant dense<0x7F800000> : vector<256xf32>
    %reduce_min3A_629 = vector.multi_reduction <minimumf>, %select_n3A_609, %reduce_min3A_628 [1] : vector<256x1024xf32> to vector<256xf32>
    %broadcast_in_dim3A_630 = vector.shape_cast %reduce_min3A_629 : vector<256xf32> to vector<256x1xf32>
    %eq3A_631 = vector.broadcast %broadcast_in_dim3A_630 : vector<256x1xf32> to vector<256x1024xf32>
    %eq3A_632 = arith.cmpf oeq, %select_n3A_609, %eq3A_631 : vector<256x1024xf32>
    %jit3A_633 = arith.constant 1.024000e+03 : f32
    %broadcast_in_dim3A_634 = vector.broadcast %jit3A_633 : f32 to vector<256x1024xf32>
    %select_n3A_635 = arith.select %eq3A_632, %convert_element_type3A, %broadcast_in_dim3A_634 : vector<256x1024xi1>, vector<256x1024xf32>
    %reduce_min3A_636 = arith.constant dense<0x7F800000> : vector<256xf32>
    %reduce_min3A_637 = vector.multi_reduction <minimumf>, %select_n3A_635, %reduce_min3A_636 [1] : vector<256x1024xf32> to vector<256xf32>
    %broadcast_in_dim3A_638 = vector.shape_cast %reduce_min3A_637 : vector<256xf32> to vector<256x1xf32>
    %eq3A_639 = vector.broadcast %broadcast_in_dim3A_638 : vector<256x1xf32> to vector<256x1024xf32>
    %eq3A_640 = arith.cmpf oeq, %convert_element_type3A, %eq3A_639 : vector<256x1024xf32>
    %jit3A_641 = arith.constant 0.000000e+00 : f32
    %broadcast_in_dim3A_642 = vector.shape_cast %get3A_18 : vector<1x1024xf32> to vector<1x1024xf32>
    %broadcast_in_dim3A_643 = vector.broadcast %broadcast_in_dim3A_642 : vector<1x1024xf32> to vector<256x1024xf32>
    %broadcast_in_dim3A_644 = vector.broadcast %jit3A_641 : f32 to vector<256x1024xf32>
    %select_n3A_645 = arith.select %eq3A_640, %broadcast_in_dim3A_643, %broadcast_in_dim3A_644 : vector<256x1024xi1>, vector<256x1024xf32>
    %reduce_sum3A_646 = arith.constant dense<0.000000e+00> : vector<256xf32>
    %reduce_sum3A_647 = vector.multi_reduction <add>, %select_n3A_645, %reduce_sum3A_646 [1] : vector<256x1024xf32> to vector<256xf32>
    %broadcast_in_dim3A_648 = vector.shape_cast %reduce_sum3A_647 : vector<256xf32> to vector<256x1xf32>
    %jit3A_649 = arith.constant 0.000000e+00 : f32
    %broadcast_in_dim3A_650 = vector.shape_cast %get3A_23 : vector<1x1024xf32> to vector<1x1024xf32>
    %broadcast_in_dim3A_651 = vector.broadcast %broadcast_in_dim3A_650 : vector<1x1024xf32> to vector<256x1024xf32>
    %broadcast_in_dim3A_652 = vector.broadcast %jit3A_649 : f32 to vector<256x1024xf32>
    %select_n3A_653 = arith.select %eq3A_640, %broadcast_in_dim3A_651, %broadcast_in_dim3A_652 : vector<256x1024xi1>, vector<256x1024xf32>
    %reduce_sum3A_654 = arith.constant dense<0.000000e+00> : vector<256xf32>
    %reduce_sum3A_655 = vector.multi_reduction <add>, %select_n3A_653, %reduce_sum3A_654 [1] : vector<256x1024xf32> to vector<256xf32>
    %broadcast_in_dim3A_656 = vector.shape_cast %reduce_sum3A_655 : vector<256xf32> to vector<256x1xf32>
    %jit3A_657 = arith.constant 0.000000e+00 : f32
    %broadcast_in_dim3A_658 = vector.shape_cast %get3A_28 : vector<1x1024xf32> to vector<1x1024xf32>
    %broadcast_in_dim3A_659 = vector.broadcast %broadcast_in_dim3A_658 : vector<1x1024xf32> to vector<256x1024xf32>
    %broadcast_in_dim3A_660 = vector.broadcast %jit3A_657 : f32 to vector<256x1024xf32>
    %select_n3A_661 = arith.select %eq3A_640, %broadcast_in_dim3A_659, %broadcast_in_dim3A_660 : vector<256x1024xi1>, vector<256x1024xf32>
    %reduce_sum3A_662 = arith.constant dense<0.000000e+00> : vector<256xf32>
    %reduce_sum3A_663 = vector.multi_reduction <add>, %select_n3A_661, %reduce_sum3A_662 [1] : vector<256x1024xf32> to vector<256xf32>
    %broadcast_in_dim3A_664 = vector.shape_cast %reduce_sum3A_663 : vector<256xf32> to vector<256x1xf32>
    %jit3A_665 = arith.constant 1.000000e+30 : f32
    %broadcast_in_dim3A_666 = vector.broadcast %jit3A_665 : f32 to vector<256x1024xf32>
    %select_n3A_667 = arith.select %eq3A_640, %broadcast_in_dim3A_666, %select_n3A_609 : vector<256x1024xi1>, vector<256x1024xf32>
    %eq3A_668 = arith.constant 10 : i32
    %eq3A_669 = vector.broadcast %eq3A_668 : i32 to vector<256x32xi32>
    %eq3A_670 = arith.cmpi eq, %iota3A_43, %eq3A_669 : vector<256x32xi32>
    %broadcast_in_dim3A_671 = vector.shape_cast %broadcast_in_dim3A_638 : vector<256x1xf32> to vector<256x1xf32>
    %broadcast_in_dim3A_672 = vector.broadcast %broadcast_in_dim3A_671 : vector<256x1xf32> to vector<256x32xf32>
    %select_n3A_673 = arith.select %eq3A_670, %broadcast_in_dim3A_672, %select_n3A_615 : vector<256x32xi1>, vector<256x32xf32>
    %broadcast_in_dim3A_674 = vector.shape_cast %broadcast_in_dim3A_630 : vector<256x1xf32> to vector<256x1xf32>
    %broadcast_in_dim3A_675 = vector.broadcast %broadcast_in_dim3A_674 : vector<256x1xf32> to vector<256x32xf32>
    %select_n3A_676 = arith.select %eq3A_670, %broadcast_in_dim3A_675, %select_n3A_618 : vector<256x32xi1>, vector<256x32xf32>
    %broadcast_in_dim3A_677 = vector.shape_cast %broadcast_in_dim3A_648 : vector<256x1xf32> to vector<256x1xf32>
    %broadcast_in_dim3A_678 = vector.broadcast %broadcast_in_dim3A_677 : vector<256x1xf32> to vector<256x32xf32>
    %select_n3A_679 = arith.select %eq3A_670, %broadcast_in_dim3A_678, %select_n3A_621 : vector<256x32xi1>, vector<256x32xf32>
    %broadcast_in_dim3A_680 = vector.shape_cast %broadcast_in_dim3A_656 : vector<256x1xf32> to vector<256x1xf32>
    %broadcast_in_dim3A_681 = vector.broadcast %broadcast_in_dim3A_680 : vector<256x1xf32> to vector<256x32xf32>
    %select_n3A_682 = arith.select %eq3A_670, %broadcast_in_dim3A_681, %select_n3A_624 : vector<256x32xi1>, vector<256x32xf32>
    %broadcast_in_dim3A_683 = vector.shape_cast %broadcast_in_dim3A_664 : vector<256x1xf32> to vector<256x1xf32>
    %broadcast_in_dim3A_684 = vector.broadcast %broadcast_in_dim3A_683 : vector<256x1xf32> to vector<256x32xf32>
    %select_n3A_685 = arith.select %eq3A_670, %broadcast_in_dim3A_684, %select_n3A_627 : vector<256x32xi1>, vector<256x32xf32>
    %reduce_min3A_686 = arith.constant dense<0x7F800000> : vector<256xf32>
    %reduce_min3A_687 = vector.multi_reduction <minimumf>, %select_n3A_667, %reduce_min3A_686 [1] : vector<256x1024xf32> to vector<256xf32>
    %broadcast_in_dim3A_688 = vector.shape_cast %reduce_min3A_687 : vector<256xf32> to vector<256x1xf32>
    %eq3A_689 = vector.broadcast %broadcast_in_dim3A_688 : vector<256x1xf32> to vector<256x1024xf32>
    %eq3A_690 = arith.cmpf oeq, %select_n3A_667, %eq3A_689 : vector<256x1024xf32>
    %jit3A_691 = arith.constant 1.024000e+03 : f32
    %broadcast_in_dim3A_692 = vector.broadcast %jit3A_691 : f32 to vector<256x1024xf32>
    %select_n3A_693 = arith.select %eq3A_690, %convert_element_type3A, %broadcast_in_dim3A_692 : vector<256x1024xi1>, vector<256x1024xf32>
    %reduce_min3A_694 = arith.constant dense<0x7F800000> : vector<256xf32>
    %reduce_min3A_695 = vector.multi_reduction <minimumf>, %select_n3A_693, %reduce_min3A_694 [1] : vector<256x1024xf32> to vector<256xf32>
    %broadcast_in_dim3A_696 = vector.shape_cast %reduce_min3A_695 : vector<256xf32> to vector<256x1xf32>
    %eq3A_697 = vector.broadcast %broadcast_in_dim3A_696 : vector<256x1xf32> to vector<256x1024xf32>
    %eq3A_698 = arith.cmpf oeq, %convert_element_type3A, %eq3A_697 : vector<256x1024xf32>
    %jit3A_699 = arith.constant 0.000000e+00 : f32
    %broadcast_in_dim3A_700 = vector.shape_cast %get3A_18 : vector<1x1024xf32> to vector<1x1024xf32>
    %broadcast_in_dim3A_701 = vector.broadcast %broadcast_in_dim3A_700 : vector<1x1024xf32> to vector<256x1024xf32>
    %broadcast_in_dim3A_702 = vector.broadcast %jit3A_699 : f32 to vector<256x1024xf32>
    %select_n3A_703 = arith.select %eq3A_698, %broadcast_in_dim3A_701, %broadcast_in_dim3A_702 : vector<256x1024xi1>, vector<256x1024xf32>
    %reduce_sum3A_704 = arith.constant dense<0.000000e+00> : vector<256xf32>
    %reduce_sum3A_705 = vector.multi_reduction <add>, %select_n3A_703, %reduce_sum3A_704 [1] : vector<256x1024xf32> to vector<256xf32>
    %broadcast_in_dim3A_706 = vector.shape_cast %reduce_sum3A_705 : vector<256xf32> to vector<256x1xf32>
    %jit3A_707 = arith.constant 0.000000e+00 : f32
    %broadcast_in_dim3A_708 = vector.shape_cast %get3A_23 : vector<1x1024xf32> to vector<1x1024xf32>
    %broadcast_in_dim3A_709 = vector.broadcast %broadcast_in_dim3A_708 : vector<1x1024xf32> to vector<256x1024xf32>
    %broadcast_in_dim3A_710 = vector.broadcast %jit3A_707 : f32 to vector<256x1024xf32>
    %select_n3A_711 = arith.select %eq3A_698, %broadcast_in_dim3A_709, %broadcast_in_dim3A_710 : vector<256x1024xi1>, vector<256x1024xf32>
    %reduce_sum3A_712 = arith.constant dense<0.000000e+00> : vector<256xf32>
    %reduce_sum3A_713 = vector.multi_reduction <add>, %select_n3A_711, %reduce_sum3A_712 [1] : vector<256x1024xf32> to vector<256xf32>
    %broadcast_in_dim3A_714 = vector.shape_cast %reduce_sum3A_713 : vector<256xf32> to vector<256x1xf32>
    %jit3A_715 = arith.constant 0.000000e+00 : f32
    %broadcast_in_dim3A_716 = vector.shape_cast %get3A_28 : vector<1x1024xf32> to vector<1x1024xf32>
    %broadcast_in_dim3A_717 = vector.broadcast %broadcast_in_dim3A_716 : vector<1x1024xf32> to vector<256x1024xf32>
    %broadcast_in_dim3A_718 = vector.broadcast %jit3A_715 : f32 to vector<256x1024xf32>
    %select_n3A_719 = arith.select %eq3A_698, %broadcast_in_dim3A_717, %broadcast_in_dim3A_718 : vector<256x1024xi1>, vector<256x1024xf32>
    %reduce_sum3A_720 = arith.constant dense<0.000000e+00> : vector<256xf32>
    %reduce_sum3A_721 = vector.multi_reduction <add>, %select_n3A_719, %reduce_sum3A_720 [1] : vector<256x1024xf32> to vector<256xf32>
    %broadcast_in_dim3A_722 = vector.shape_cast %reduce_sum3A_721 : vector<256xf32> to vector<256x1xf32>
    %jit3A_723 = arith.constant 1.000000e+30 : f32
    %broadcast_in_dim3A_724 = vector.broadcast %jit3A_723 : f32 to vector<256x1024xf32>
    %select_n3A_725 = arith.select %eq3A_698, %broadcast_in_dim3A_724, %select_n3A_667 : vector<256x1024xi1>, vector<256x1024xf32>
    %eq3A_726 = arith.constant 11 : i32
    %eq3A_727 = vector.broadcast %eq3A_726 : i32 to vector<256x32xi32>
    %eq3A_728 = arith.cmpi eq, %iota3A_43, %eq3A_727 : vector<256x32xi32>
    %broadcast_in_dim3A_729 = vector.shape_cast %broadcast_in_dim3A_696 : vector<256x1xf32> to vector<256x1xf32>
    %broadcast_in_dim3A_730 = vector.broadcast %broadcast_in_dim3A_729 : vector<256x1xf32> to vector<256x32xf32>
    %select_n3A_731 = arith.select %eq3A_728, %broadcast_in_dim3A_730, %select_n3A_673 : vector<256x32xi1>, vector<256x32xf32>
    %broadcast_in_dim3A_732 = vector.shape_cast %broadcast_in_dim3A_688 : vector<256x1xf32> to vector<256x1xf32>
    %broadcast_in_dim3A_733 = vector.broadcast %broadcast_in_dim3A_732 : vector<256x1xf32> to vector<256x32xf32>
    %select_n3A_734 = arith.select %eq3A_728, %broadcast_in_dim3A_733, %select_n3A_676 : vector<256x32xi1>, vector<256x32xf32>
    %broadcast_in_dim3A_735 = vector.shape_cast %broadcast_in_dim3A_706 : vector<256x1xf32> to vector<256x1xf32>
    %broadcast_in_dim3A_736 = vector.broadcast %broadcast_in_dim3A_735 : vector<256x1xf32> to vector<256x32xf32>
    %select_n3A_737 = arith.select %eq3A_728, %broadcast_in_dim3A_736, %select_n3A_679 : vector<256x32xi1>, vector<256x32xf32>
    %broadcast_in_dim3A_738 = vector.shape_cast %broadcast_in_dim3A_714 : vector<256x1xf32> to vector<256x1xf32>
    %broadcast_in_dim3A_739 = vector.broadcast %broadcast_in_dim3A_738 : vector<256x1xf32> to vector<256x32xf32>
    %select_n3A_740 = arith.select %eq3A_728, %broadcast_in_dim3A_739, %select_n3A_682 : vector<256x32xi1>, vector<256x32xf32>
    %broadcast_in_dim3A_741 = vector.shape_cast %broadcast_in_dim3A_722 : vector<256x1xf32> to vector<256x1xf32>
    %broadcast_in_dim3A_742 = vector.broadcast %broadcast_in_dim3A_741 : vector<256x1xf32> to vector<256x32xf32>
    %select_n3A_743 = arith.select %eq3A_728, %broadcast_in_dim3A_742, %select_n3A_685 : vector<256x32xi1>, vector<256x32xf32>
    %reduce_min3A_744 = arith.constant dense<0x7F800000> : vector<256xf32>
    %reduce_min3A_745 = vector.multi_reduction <minimumf>, %select_n3A_725, %reduce_min3A_744 [1] : vector<256x1024xf32> to vector<256xf32>
    %broadcast_in_dim3A_746 = vector.shape_cast %reduce_min3A_745 : vector<256xf32> to vector<256x1xf32>
    %eq3A_747 = vector.broadcast %broadcast_in_dim3A_746 : vector<256x1xf32> to vector<256x1024xf32>
    %eq3A_748 = arith.cmpf oeq, %select_n3A_725, %eq3A_747 : vector<256x1024xf32>
    %jit3A_749 = arith.constant 1.024000e+03 : f32
    %broadcast_in_dim3A_750 = vector.broadcast %jit3A_749 : f32 to vector<256x1024xf32>
    %select_n3A_751 = arith.select %eq3A_748, %convert_element_type3A, %broadcast_in_dim3A_750 : vector<256x1024xi1>, vector<256x1024xf32>
    %reduce_min3A_752 = arith.constant dense<0x7F800000> : vector<256xf32>
    %reduce_min3A_753 = vector.multi_reduction <minimumf>, %select_n3A_751, %reduce_min3A_752 [1] : vector<256x1024xf32> to vector<256xf32>
    %broadcast_in_dim3A_754 = vector.shape_cast %reduce_min3A_753 : vector<256xf32> to vector<256x1xf32>
    %eq3A_755 = vector.broadcast %broadcast_in_dim3A_754 : vector<256x1xf32> to vector<256x1024xf32>
    %eq3A_756 = arith.cmpf oeq, %convert_element_type3A, %eq3A_755 : vector<256x1024xf32>
    %jit3A_757 = arith.constant 0.000000e+00 : f32
    %broadcast_in_dim3A_758 = vector.shape_cast %get3A_18 : vector<1x1024xf32> to vector<1x1024xf32>
    %broadcast_in_dim3A_759 = vector.broadcast %broadcast_in_dim3A_758 : vector<1x1024xf32> to vector<256x1024xf32>
    %broadcast_in_dim3A_760 = vector.broadcast %jit3A_757 : f32 to vector<256x1024xf32>
    %select_n3A_761 = arith.select %eq3A_756, %broadcast_in_dim3A_759, %broadcast_in_dim3A_760 : vector<256x1024xi1>, vector<256x1024xf32>
    %reduce_sum3A_762 = arith.constant dense<0.000000e+00> : vector<256xf32>
    %reduce_sum3A_763 = vector.multi_reduction <add>, %select_n3A_761, %reduce_sum3A_762 [1] : vector<256x1024xf32> to vector<256xf32>
    %broadcast_in_dim3A_764 = vector.shape_cast %reduce_sum3A_763 : vector<256xf32> to vector<256x1xf32>
    %jit3A_765 = arith.constant 0.000000e+00 : f32
    %broadcast_in_dim3A_766 = vector.shape_cast %get3A_23 : vector<1x1024xf32> to vector<1x1024xf32>
    %broadcast_in_dim3A_767 = vector.broadcast %broadcast_in_dim3A_766 : vector<1x1024xf32> to vector<256x1024xf32>
    %broadcast_in_dim3A_768 = vector.broadcast %jit3A_765 : f32 to vector<256x1024xf32>
    %select_n3A_769 = arith.select %eq3A_756, %broadcast_in_dim3A_767, %broadcast_in_dim3A_768 : vector<256x1024xi1>, vector<256x1024xf32>
    %reduce_sum3A_770 = arith.constant dense<0.000000e+00> : vector<256xf32>
    %reduce_sum3A_771 = vector.multi_reduction <add>, %select_n3A_769, %reduce_sum3A_770 [1] : vector<256x1024xf32> to vector<256xf32>
    %broadcast_in_dim3A_772 = vector.shape_cast %reduce_sum3A_771 : vector<256xf32> to vector<256x1xf32>
    %jit3A_773 = arith.constant 0.000000e+00 : f32
    %broadcast_in_dim3A_774 = vector.shape_cast %get3A_28 : vector<1x1024xf32> to vector<1x1024xf32>
    %broadcast_in_dim3A_775 = vector.broadcast %broadcast_in_dim3A_774 : vector<1x1024xf32> to vector<256x1024xf32>
    %broadcast_in_dim3A_776 = vector.broadcast %jit3A_773 : f32 to vector<256x1024xf32>
    %select_n3A_777 = arith.select %eq3A_756, %broadcast_in_dim3A_775, %broadcast_in_dim3A_776 : vector<256x1024xi1>, vector<256x1024xf32>
    %reduce_sum3A_778 = arith.constant dense<0.000000e+00> : vector<256xf32>
    %reduce_sum3A_779 = vector.multi_reduction <add>, %select_n3A_777, %reduce_sum3A_778 [1] : vector<256x1024xf32> to vector<256xf32>
    %broadcast_in_dim3A_780 = vector.shape_cast %reduce_sum3A_779 : vector<256xf32> to vector<256x1xf32>
    %jit3A_781 = arith.constant 1.000000e+30 : f32
    %broadcast_in_dim3A_782 = vector.broadcast %jit3A_781 : f32 to vector<256x1024xf32>
    %select_n3A_783 = arith.select %eq3A_756, %broadcast_in_dim3A_782, %select_n3A_725 : vector<256x1024xi1>, vector<256x1024xf32>
    %eq3A_784 = arith.constant 12 : i32
    %eq3A_785 = vector.broadcast %eq3A_784 : i32 to vector<256x32xi32>
    %eq3A_786 = arith.cmpi eq, %iota3A_43, %eq3A_785 : vector<256x32xi32>
    %broadcast_in_dim3A_787 = vector.shape_cast %broadcast_in_dim3A_754 : vector<256x1xf32> to vector<256x1xf32>
    %broadcast_in_dim3A_788 = vector.broadcast %broadcast_in_dim3A_787 : vector<256x1xf32> to vector<256x32xf32>
    %select_n3A_789 = arith.select %eq3A_786, %broadcast_in_dim3A_788, %select_n3A_731 : vector<256x32xi1>, vector<256x32xf32>
    %broadcast_in_dim3A_790 = vector.shape_cast %broadcast_in_dim3A_746 : vector<256x1xf32> to vector<256x1xf32>
    %broadcast_in_dim3A_791 = vector.broadcast %broadcast_in_dim3A_790 : vector<256x1xf32> to vector<256x32xf32>
    %select_n3A_792 = arith.select %eq3A_786, %broadcast_in_dim3A_791, %select_n3A_734 : vector<256x32xi1>, vector<256x32xf32>
    %broadcast_in_dim3A_793 = vector.shape_cast %broadcast_in_dim3A_764 : vector<256x1xf32> to vector<256x1xf32>
    %broadcast_in_dim3A_794 = vector.broadcast %broadcast_in_dim3A_793 : vector<256x1xf32> to vector<256x32xf32>
    %select_n3A_795 = arith.select %eq3A_786, %broadcast_in_dim3A_794, %select_n3A_737 : vector<256x32xi1>, vector<256x32xf32>
    %broadcast_in_dim3A_796 = vector.shape_cast %broadcast_in_dim3A_772 : vector<256x1xf32> to vector<256x1xf32>
    %broadcast_in_dim3A_797 = vector.broadcast %broadcast_in_dim3A_796 : vector<256x1xf32> to vector<256x32xf32>
    %select_n3A_798 = arith.select %eq3A_786, %broadcast_in_dim3A_797, %select_n3A_740 : vector<256x32xi1>, vector<256x32xf32>
    %broadcast_in_dim3A_799 = vector.shape_cast %broadcast_in_dim3A_780 : vector<256x1xf32> to vector<256x1xf32>
    %broadcast_in_dim3A_800 = vector.broadcast %broadcast_in_dim3A_799 : vector<256x1xf32> to vector<256x32xf32>
    %select_n3A_801 = arith.select %eq3A_786, %broadcast_in_dim3A_800, %select_n3A_743 : vector<256x32xi1>, vector<256x32xf32>
    %reduce_min3A_802 = arith.constant dense<0x7F800000> : vector<256xf32>
    %reduce_min3A_803 = vector.multi_reduction <minimumf>, %select_n3A_783, %reduce_min3A_802 [1] : vector<256x1024xf32> to vector<256xf32>
    %broadcast_in_dim3A_804 = vector.shape_cast %reduce_min3A_803 : vector<256xf32> to vector<256x1xf32>
    %eq3A_805 = vector.broadcast %broadcast_in_dim3A_804 : vector<256x1xf32> to vector<256x1024xf32>
    %eq3A_806 = arith.cmpf oeq, %select_n3A_783, %eq3A_805 : vector<256x1024xf32>
    %jit3A_807 = arith.constant 1.024000e+03 : f32
    %broadcast_in_dim3A_808 = vector.broadcast %jit3A_807 : f32 to vector<256x1024xf32>
    %select_n3A_809 = arith.select %eq3A_806, %convert_element_type3A, %broadcast_in_dim3A_808 : vector<256x1024xi1>, vector<256x1024xf32>
    %reduce_min3A_810 = arith.constant dense<0x7F800000> : vector<256xf32>
    %reduce_min3A_811 = vector.multi_reduction <minimumf>, %select_n3A_809, %reduce_min3A_810 [1] : vector<256x1024xf32> to vector<256xf32>
    %broadcast_in_dim3A_812 = vector.shape_cast %reduce_min3A_811 : vector<256xf32> to vector<256x1xf32>
    %eq3A_813 = vector.broadcast %broadcast_in_dim3A_812 : vector<256x1xf32> to vector<256x1024xf32>
    %eq3A_814 = arith.cmpf oeq, %convert_element_type3A, %eq3A_813 : vector<256x1024xf32>
    %jit3A_815 = arith.constant 0.000000e+00 : f32
    %broadcast_in_dim3A_816 = vector.shape_cast %get3A_18 : vector<1x1024xf32> to vector<1x1024xf32>
    %broadcast_in_dim3A_817 = vector.broadcast %broadcast_in_dim3A_816 : vector<1x1024xf32> to vector<256x1024xf32>
    %broadcast_in_dim3A_818 = vector.broadcast %jit3A_815 : f32 to vector<256x1024xf32>
    %select_n3A_819 = arith.select %eq3A_814, %broadcast_in_dim3A_817, %broadcast_in_dim3A_818 : vector<256x1024xi1>, vector<256x1024xf32>
    %reduce_sum3A_820 = arith.constant dense<0.000000e+00> : vector<256xf32>
    %reduce_sum3A_821 = vector.multi_reduction <add>, %select_n3A_819, %reduce_sum3A_820 [1] : vector<256x1024xf32> to vector<256xf32>
    %broadcast_in_dim3A_822 = vector.shape_cast %reduce_sum3A_821 : vector<256xf32> to vector<256x1xf32>
    %jit3A_823 = arith.constant 0.000000e+00 : f32
    %broadcast_in_dim3A_824 = vector.shape_cast %get3A_23 : vector<1x1024xf32> to vector<1x1024xf32>
    %broadcast_in_dim3A_825 = vector.broadcast %broadcast_in_dim3A_824 : vector<1x1024xf32> to vector<256x1024xf32>
    %broadcast_in_dim3A_826 = vector.broadcast %jit3A_823 : f32 to vector<256x1024xf32>
    %select_n3A_827 = arith.select %eq3A_814, %broadcast_in_dim3A_825, %broadcast_in_dim3A_826 : vector<256x1024xi1>, vector<256x1024xf32>
    %reduce_sum3A_828 = arith.constant dense<0.000000e+00> : vector<256xf32>
    %reduce_sum3A_829 = vector.multi_reduction <add>, %select_n3A_827, %reduce_sum3A_828 [1] : vector<256x1024xf32> to vector<256xf32>
    %broadcast_in_dim3A_830 = vector.shape_cast %reduce_sum3A_829 : vector<256xf32> to vector<256x1xf32>
    %jit3A_831 = arith.constant 0.000000e+00 : f32
    %broadcast_in_dim3A_832 = vector.shape_cast %get3A_28 : vector<1x1024xf32> to vector<1x1024xf32>
    %broadcast_in_dim3A_833 = vector.broadcast %broadcast_in_dim3A_832 : vector<1x1024xf32> to vector<256x1024xf32>
    %broadcast_in_dim3A_834 = vector.broadcast %jit3A_831 : f32 to vector<256x1024xf32>
    %select_n3A_835 = arith.select %eq3A_814, %broadcast_in_dim3A_833, %broadcast_in_dim3A_834 : vector<256x1024xi1>, vector<256x1024xf32>
    %reduce_sum3A_836 = arith.constant dense<0.000000e+00> : vector<256xf32>
    %reduce_sum3A_837 = vector.multi_reduction <add>, %select_n3A_835, %reduce_sum3A_836 [1] : vector<256x1024xf32> to vector<256xf32>
    %broadcast_in_dim3A_838 = vector.shape_cast %reduce_sum3A_837 : vector<256xf32> to vector<256x1xf32>
    %jit3A_839 = arith.constant 1.000000e+30 : f32
    %broadcast_in_dim3A_840 = vector.broadcast %jit3A_839 : f32 to vector<256x1024xf32>
    %select_n3A_841 = arith.select %eq3A_814, %broadcast_in_dim3A_840, %select_n3A_783 : vector<256x1024xi1>, vector<256x1024xf32>
    %eq3A_842 = arith.constant 13 : i32
    %eq3A_843 = vector.broadcast %eq3A_842 : i32 to vector<256x32xi32>
    %eq3A_844 = arith.cmpi eq, %iota3A_43, %eq3A_843 : vector<256x32xi32>
    %broadcast_in_dim3A_845 = vector.shape_cast %broadcast_in_dim3A_812 : vector<256x1xf32> to vector<256x1xf32>
    %broadcast_in_dim3A_846 = vector.broadcast %broadcast_in_dim3A_845 : vector<256x1xf32> to vector<256x32xf32>
    %select_n3A_847 = arith.select %eq3A_844, %broadcast_in_dim3A_846, %select_n3A_789 : vector<256x32xi1>, vector<256x32xf32>
    %broadcast_in_dim3A_848 = vector.shape_cast %broadcast_in_dim3A_804 : vector<256x1xf32> to vector<256x1xf32>
    %broadcast_in_dim3A_849 = vector.broadcast %broadcast_in_dim3A_848 : vector<256x1xf32> to vector<256x32xf32>
    %select_n3A_850 = arith.select %eq3A_844, %broadcast_in_dim3A_849, %select_n3A_792 : vector<256x32xi1>, vector<256x32xf32>
    %broadcast_in_dim3A_851 = vector.shape_cast %broadcast_in_dim3A_822 : vector<256x1xf32> to vector<256x1xf32>
    %broadcast_in_dim3A_852 = vector.broadcast %broadcast_in_dim3A_851 : vector<256x1xf32> to vector<256x32xf32>
    %select_n3A_853 = arith.select %eq3A_844, %broadcast_in_dim3A_852, %select_n3A_795 : vector<256x32xi1>, vector<256x32xf32>
    %broadcast_in_dim3A_854 = vector.shape_cast %broadcast_in_dim3A_830 : vector<256x1xf32> to vector<256x1xf32>
    %broadcast_in_dim3A_855 = vector.broadcast %broadcast_in_dim3A_854 : vector<256x1xf32> to vector<256x32xf32>
    %select_n3A_856 = arith.select %eq3A_844, %broadcast_in_dim3A_855, %select_n3A_798 : vector<256x32xi1>, vector<256x32xf32>
    %broadcast_in_dim3A_857 = vector.shape_cast %broadcast_in_dim3A_838 : vector<256x1xf32> to vector<256x1xf32>
    %broadcast_in_dim3A_858 = vector.broadcast %broadcast_in_dim3A_857 : vector<256x1xf32> to vector<256x32xf32>
    %select_n3A_859 = arith.select %eq3A_844, %broadcast_in_dim3A_858, %select_n3A_801 : vector<256x32xi1>, vector<256x32xf32>
    %reduce_min3A_860 = arith.constant dense<0x7F800000> : vector<256xf32>
    %reduce_min3A_861 = vector.multi_reduction <minimumf>, %select_n3A_841, %reduce_min3A_860 [1] : vector<256x1024xf32> to vector<256xf32>
    %broadcast_in_dim3A_862 = vector.shape_cast %reduce_min3A_861 : vector<256xf32> to vector<256x1xf32>
    %eq3A_863 = vector.broadcast %broadcast_in_dim3A_862 : vector<256x1xf32> to vector<256x1024xf32>
    %eq3A_864 = arith.cmpf oeq, %select_n3A_841, %eq3A_863 : vector<256x1024xf32>
    %jit3A_865 = arith.constant 1.024000e+03 : f32
    %broadcast_in_dim3A_866 = vector.broadcast %jit3A_865 : f32 to vector<256x1024xf32>
    %select_n3A_867 = arith.select %eq3A_864, %convert_element_type3A, %broadcast_in_dim3A_866 : vector<256x1024xi1>, vector<256x1024xf32>
    %reduce_min3A_868 = arith.constant dense<0x7F800000> : vector<256xf32>
    %reduce_min3A_869 = vector.multi_reduction <minimumf>, %select_n3A_867, %reduce_min3A_868 [1] : vector<256x1024xf32> to vector<256xf32>
    %broadcast_in_dim3A_870 = vector.shape_cast %reduce_min3A_869 : vector<256xf32> to vector<256x1xf32>
    %eq3A_871 = vector.broadcast %broadcast_in_dim3A_870 : vector<256x1xf32> to vector<256x1024xf32>
    %eq3A_872 = arith.cmpf oeq, %convert_element_type3A, %eq3A_871 : vector<256x1024xf32>
    %jit3A_873 = arith.constant 0.000000e+00 : f32
    %broadcast_in_dim3A_874 = vector.shape_cast %get3A_18 : vector<1x1024xf32> to vector<1x1024xf32>
    %broadcast_in_dim3A_875 = vector.broadcast %broadcast_in_dim3A_874 : vector<1x1024xf32> to vector<256x1024xf32>
    %broadcast_in_dim3A_876 = vector.broadcast %jit3A_873 : f32 to vector<256x1024xf32>
    %select_n3A_877 = arith.select %eq3A_872, %broadcast_in_dim3A_875, %broadcast_in_dim3A_876 : vector<256x1024xi1>, vector<256x1024xf32>
    %reduce_sum3A_878 = arith.constant dense<0.000000e+00> : vector<256xf32>
    %reduce_sum3A_879 = vector.multi_reduction <add>, %select_n3A_877, %reduce_sum3A_878 [1] : vector<256x1024xf32> to vector<256xf32>
    %broadcast_in_dim3A_880 = vector.shape_cast %reduce_sum3A_879 : vector<256xf32> to vector<256x1xf32>
    %jit3A_881 = arith.constant 0.000000e+00 : f32
    %broadcast_in_dim3A_882 = vector.shape_cast %get3A_23 : vector<1x1024xf32> to vector<1x1024xf32>
    %broadcast_in_dim3A_883 = vector.broadcast %broadcast_in_dim3A_882 : vector<1x1024xf32> to vector<256x1024xf32>
    %broadcast_in_dim3A_884 = vector.broadcast %jit3A_881 : f32 to vector<256x1024xf32>
    %select_n3A_885 = arith.select %eq3A_872, %broadcast_in_dim3A_883, %broadcast_in_dim3A_884 : vector<256x1024xi1>, vector<256x1024xf32>
    %reduce_sum3A_886 = arith.constant dense<0.000000e+00> : vector<256xf32>
    %reduce_sum3A_887 = vector.multi_reduction <add>, %select_n3A_885, %reduce_sum3A_886 [1] : vector<256x1024xf32> to vector<256xf32>
    %broadcast_in_dim3A_888 = vector.shape_cast %reduce_sum3A_887 : vector<256xf32> to vector<256x1xf32>
    %jit3A_889 = arith.constant 0.000000e+00 : f32
    %broadcast_in_dim3A_890 = vector.shape_cast %get3A_28 : vector<1x1024xf32> to vector<1x1024xf32>
    %broadcast_in_dim3A_891 = vector.broadcast %broadcast_in_dim3A_890 : vector<1x1024xf32> to vector<256x1024xf32>
    %broadcast_in_dim3A_892 = vector.broadcast %jit3A_889 : f32 to vector<256x1024xf32>
    %select_n3A_893 = arith.select %eq3A_872, %broadcast_in_dim3A_891, %broadcast_in_dim3A_892 : vector<256x1024xi1>, vector<256x1024xf32>
    %reduce_sum3A_894 = arith.constant dense<0.000000e+00> : vector<256xf32>
    %reduce_sum3A_895 = vector.multi_reduction <add>, %select_n3A_893, %reduce_sum3A_894 [1] : vector<256x1024xf32> to vector<256xf32>
    %broadcast_in_dim3A_896 = vector.shape_cast %reduce_sum3A_895 : vector<256xf32> to vector<256x1xf32>
    %jit3A_897 = arith.constant 1.000000e+30 : f32
    %broadcast_in_dim3A_898 = vector.broadcast %jit3A_897 : f32 to vector<256x1024xf32>
    %select_n3A_899 = arith.select %eq3A_872, %broadcast_in_dim3A_898, %select_n3A_841 : vector<256x1024xi1>, vector<256x1024xf32>
    %eq3A_900 = arith.constant 14 : i32
    %eq3A_901 = vector.broadcast %eq3A_900 : i32 to vector<256x32xi32>
    %eq3A_902 = arith.cmpi eq, %iota3A_43, %eq3A_901 : vector<256x32xi32>
    %broadcast_in_dim3A_903 = vector.shape_cast %broadcast_in_dim3A_870 : vector<256x1xf32> to vector<256x1xf32>
    %broadcast_in_dim3A_904 = vector.broadcast %broadcast_in_dim3A_903 : vector<256x1xf32> to vector<256x32xf32>
    %select_n3A_905 = arith.select %eq3A_902, %broadcast_in_dim3A_904, %select_n3A_847 : vector<256x32xi1>, vector<256x32xf32>
    %broadcast_in_dim3A_906 = vector.shape_cast %broadcast_in_dim3A_862 : vector<256x1xf32> to vector<256x1xf32>
    %broadcast_in_dim3A_907 = vector.broadcast %broadcast_in_dim3A_906 : vector<256x1xf32> to vector<256x32xf32>
    %select_n3A_908 = arith.select %eq3A_902, %broadcast_in_dim3A_907, %select_n3A_850 : vector<256x32xi1>, vector<256x32xf32>
    %broadcast_in_dim3A_909 = vector.shape_cast %broadcast_in_dim3A_880 : vector<256x1xf32> to vector<256x1xf32>
    %broadcast_in_dim3A_910 = vector.broadcast %broadcast_in_dim3A_909 : vector<256x1xf32> to vector<256x32xf32>
    %select_n3A_911 = arith.select %eq3A_902, %broadcast_in_dim3A_910, %select_n3A_853 : vector<256x32xi1>, vector<256x32xf32>
    %broadcast_in_dim3A_912 = vector.shape_cast %broadcast_in_dim3A_888 : vector<256x1xf32> to vector<256x1xf32>
    %broadcast_in_dim3A_913 = vector.broadcast %broadcast_in_dim3A_912 : vector<256x1xf32> to vector<256x32xf32>
    %select_n3A_914 = arith.select %eq3A_902, %broadcast_in_dim3A_913, %select_n3A_856 : vector<256x32xi1>, vector<256x32xf32>
    %broadcast_in_dim3A_915 = vector.shape_cast %broadcast_in_dim3A_896 : vector<256x1xf32> to vector<256x1xf32>
    %broadcast_in_dim3A_916 = vector.broadcast %broadcast_in_dim3A_915 : vector<256x1xf32> to vector<256x32xf32>
    %select_n3A_917 = arith.select %eq3A_902, %broadcast_in_dim3A_916, %select_n3A_859 : vector<256x32xi1>, vector<256x32xf32>
    %reduce_min3A_918 = arith.constant dense<0x7F800000> : vector<256xf32>
    %reduce_min3A_919 = vector.multi_reduction <minimumf>, %select_n3A_899, %reduce_min3A_918 [1] : vector<256x1024xf32> to vector<256xf32>
    %broadcast_in_dim3A_920 = vector.shape_cast %reduce_min3A_919 : vector<256xf32> to vector<256x1xf32>
    %eq3A_921 = vector.broadcast %broadcast_in_dim3A_920 : vector<256x1xf32> to vector<256x1024xf32>
    %eq3A_922 = arith.cmpf oeq, %select_n3A_899, %eq3A_921 : vector<256x1024xf32>
    %jit3A_923 = arith.constant 1.024000e+03 : f32
    %broadcast_in_dim3A_924 = vector.broadcast %jit3A_923 : f32 to vector<256x1024xf32>
    %select_n3A_925 = arith.select %eq3A_922, %convert_element_type3A, %broadcast_in_dim3A_924 : vector<256x1024xi1>, vector<256x1024xf32>
    %reduce_min3A_926 = arith.constant dense<0x7F800000> : vector<256xf32>
    %reduce_min3A_927 = vector.multi_reduction <minimumf>, %select_n3A_925, %reduce_min3A_926 [1] : vector<256x1024xf32> to vector<256xf32>
    %broadcast_in_dim3A_928 = vector.shape_cast %reduce_min3A_927 : vector<256xf32> to vector<256x1xf32>
    %eq3A_929 = vector.broadcast %broadcast_in_dim3A_928 : vector<256x1xf32> to vector<256x1024xf32>
    %eq3A_930 = arith.cmpf oeq, %convert_element_type3A, %eq3A_929 : vector<256x1024xf32>
    %jit3A_931 = arith.constant 0.000000e+00 : f32
    %broadcast_in_dim3A_932 = vector.shape_cast %get3A_18 : vector<1x1024xf32> to vector<1x1024xf32>
    %broadcast_in_dim3A_933 = vector.broadcast %broadcast_in_dim3A_932 : vector<1x1024xf32> to vector<256x1024xf32>
    %broadcast_in_dim3A_934 = vector.broadcast %jit3A_931 : f32 to vector<256x1024xf32>
    %select_n3A_935 = arith.select %eq3A_930, %broadcast_in_dim3A_933, %broadcast_in_dim3A_934 : vector<256x1024xi1>, vector<256x1024xf32>
    %reduce_sum3A_936 = arith.constant dense<0.000000e+00> : vector<256xf32>
    %reduce_sum3A_937 = vector.multi_reduction <add>, %select_n3A_935, %reduce_sum3A_936 [1] : vector<256x1024xf32> to vector<256xf32>
    %broadcast_in_dim3A_938 = vector.shape_cast %reduce_sum3A_937 : vector<256xf32> to vector<256x1xf32>
    %jit3A_939 = arith.constant 0.000000e+00 : f32
    %broadcast_in_dim3A_940 = vector.shape_cast %get3A_23 : vector<1x1024xf32> to vector<1x1024xf32>
    %broadcast_in_dim3A_941 = vector.broadcast %broadcast_in_dim3A_940 : vector<1x1024xf32> to vector<256x1024xf32>
    %broadcast_in_dim3A_942 = vector.broadcast %jit3A_939 : f32 to vector<256x1024xf32>
    %select_n3A_943 = arith.select %eq3A_930, %broadcast_in_dim3A_941, %broadcast_in_dim3A_942 : vector<256x1024xi1>, vector<256x1024xf32>
    %reduce_sum3A_944 = arith.constant dense<0.000000e+00> : vector<256xf32>
    %reduce_sum3A_945 = vector.multi_reduction <add>, %select_n3A_943, %reduce_sum3A_944 [1] : vector<256x1024xf32> to vector<256xf32>
    %broadcast_in_dim3A_946 = vector.shape_cast %reduce_sum3A_945 : vector<256xf32> to vector<256x1xf32>
    %jit3A_947 = arith.constant 0.000000e+00 : f32
    %broadcast_in_dim3A_948 = vector.shape_cast %get3A_28 : vector<1x1024xf32> to vector<1x1024xf32>
    %broadcast_in_dim3A_949 = vector.broadcast %broadcast_in_dim3A_948 : vector<1x1024xf32> to vector<256x1024xf32>
    %broadcast_in_dim3A_950 = vector.broadcast %jit3A_947 : f32 to vector<256x1024xf32>
    %select_n3A_951 = arith.select %eq3A_930, %broadcast_in_dim3A_949, %broadcast_in_dim3A_950 : vector<256x1024xi1>, vector<256x1024xf32>
    %reduce_sum3A_952 = arith.constant dense<0.000000e+00> : vector<256xf32>
    %reduce_sum3A_953 = vector.multi_reduction <add>, %select_n3A_951, %reduce_sum3A_952 [1] : vector<256x1024xf32> to vector<256xf32>
    %broadcast_in_dim3A_954 = vector.shape_cast %reduce_sum3A_953 : vector<256xf32> to vector<256x1xf32>
    %jit3A_955 = arith.constant 1.000000e+30 : f32
    %broadcast_in_dim3A_956 = vector.broadcast %jit3A_955 : f32 to vector<256x1024xf32>
    %select_n3A_957 = arith.select %eq3A_930, %broadcast_in_dim3A_956, %select_n3A_899 : vector<256x1024xi1>, vector<256x1024xf32>
    %eq3A_958 = arith.constant 15 : i32
    %eq3A_959 = vector.broadcast %eq3A_958 : i32 to vector<256x32xi32>
    %eq3A_960 = arith.cmpi eq, %iota3A_43, %eq3A_959 : vector<256x32xi32>
    %broadcast_in_dim3A_961 = vector.shape_cast %broadcast_in_dim3A_928 : vector<256x1xf32> to vector<256x1xf32>
    %broadcast_in_dim3A_962 = vector.broadcast %broadcast_in_dim3A_961 : vector<256x1xf32> to vector<256x32xf32>
    %select_n3A_963 = arith.select %eq3A_960, %broadcast_in_dim3A_962, %select_n3A_905 : vector<256x32xi1>, vector<256x32xf32>
    %broadcast_in_dim3A_964 = vector.shape_cast %broadcast_in_dim3A_920 : vector<256x1xf32> to vector<256x1xf32>
    %broadcast_in_dim3A_965 = vector.broadcast %broadcast_in_dim3A_964 : vector<256x1xf32> to vector<256x32xf32>
    %select_n3A_966 = arith.select %eq3A_960, %broadcast_in_dim3A_965, %select_n3A_908 : vector<256x32xi1>, vector<256x32xf32>
    %broadcast_in_dim3A_967 = vector.shape_cast %broadcast_in_dim3A_938 : vector<256x1xf32> to vector<256x1xf32>
    %broadcast_in_dim3A_968 = vector.broadcast %broadcast_in_dim3A_967 : vector<256x1xf32> to vector<256x32xf32>
    %select_n3A_969 = arith.select %eq3A_960, %broadcast_in_dim3A_968, %select_n3A_911 : vector<256x32xi1>, vector<256x32xf32>
    %broadcast_in_dim3A_970 = vector.shape_cast %broadcast_in_dim3A_946 : vector<256x1xf32> to vector<256x1xf32>
    %broadcast_in_dim3A_971 = vector.broadcast %broadcast_in_dim3A_970 : vector<256x1xf32> to vector<256x32xf32>
    %select_n3A_972 = arith.select %eq3A_960, %broadcast_in_dim3A_971, %select_n3A_914 : vector<256x32xi1>, vector<256x32xf32>
    %broadcast_in_dim3A_973 = vector.shape_cast %broadcast_in_dim3A_954 : vector<256x1xf32> to vector<256x1xf32>
    %broadcast_in_dim3A_974 = vector.broadcast %broadcast_in_dim3A_973 : vector<256x1xf32> to vector<256x32xf32>
    %select_n3A_975 = arith.select %eq3A_960, %broadcast_in_dim3A_974, %select_n3A_917 : vector<256x32xi1>, vector<256x32xf32>
    %reduce_min3A_976 = arith.constant dense<0x7F800000> : vector<256xf32>
    %reduce_min3A_977 = vector.multi_reduction <minimumf>, %select_n3A_957, %reduce_min3A_976 [1] : vector<256x1024xf32> to vector<256xf32>
    %broadcast_in_dim3A_978 = vector.shape_cast %reduce_min3A_977 : vector<256xf32> to vector<256x1xf32>
    %eq3A_979 = vector.broadcast %broadcast_in_dim3A_978 : vector<256x1xf32> to vector<256x1024xf32>
    %eq3A_980 = arith.cmpf oeq, %select_n3A_957, %eq3A_979 : vector<256x1024xf32>
    %jit3A_981 = arith.constant 1.024000e+03 : f32
    %broadcast_in_dim3A_982 = vector.broadcast %jit3A_981 : f32 to vector<256x1024xf32>
    %select_n3A_983 = arith.select %eq3A_980, %convert_element_type3A, %broadcast_in_dim3A_982 : vector<256x1024xi1>, vector<256x1024xf32>
    %reduce_min3A_984 = arith.constant dense<0x7F800000> : vector<256xf32>
    %reduce_min3A_985 = vector.multi_reduction <minimumf>, %select_n3A_983, %reduce_min3A_984 [1] : vector<256x1024xf32> to vector<256xf32>
    %broadcast_in_dim3A_986 = vector.shape_cast %reduce_min3A_985 : vector<256xf32> to vector<256x1xf32>
    %eq3A_987 = vector.broadcast %broadcast_in_dim3A_986 : vector<256x1xf32> to vector<256x1024xf32>
    %eq3A_988 = arith.cmpf oeq, %convert_element_type3A, %eq3A_987 : vector<256x1024xf32>
    %jit3A_989 = arith.constant 0.000000e+00 : f32
    %broadcast_in_dim3A_990 = vector.shape_cast %get3A_18 : vector<1x1024xf32> to vector<1x1024xf32>
    %broadcast_in_dim3A_991 = vector.broadcast %broadcast_in_dim3A_990 : vector<1x1024xf32> to vector<256x1024xf32>
    %broadcast_in_dim3A_992 = vector.broadcast %jit3A_989 : f32 to vector<256x1024xf32>
    %select_n3A_993 = arith.select %eq3A_988, %broadcast_in_dim3A_991, %broadcast_in_dim3A_992 : vector<256x1024xi1>, vector<256x1024xf32>
    %reduce_sum3A_994 = arith.constant dense<0.000000e+00> : vector<256xf32>
    %reduce_sum3A_995 = vector.multi_reduction <add>, %select_n3A_993, %reduce_sum3A_994 [1] : vector<256x1024xf32> to vector<256xf32>
    %broadcast_in_dim3A_996 = vector.shape_cast %reduce_sum3A_995 : vector<256xf32> to vector<256x1xf32>
    %jit3A_997 = arith.constant 0.000000e+00 : f32
    %broadcast_in_dim3A_998 = vector.shape_cast %get3A_23 : vector<1x1024xf32> to vector<1x1024xf32>
    %broadcast_in_dim3A_999 = vector.broadcast %broadcast_in_dim3A_998 : vector<1x1024xf32> to vector<256x1024xf32>
    %broadcast_in_dim3A_1000 = vector.broadcast %jit3A_997 : f32 to vector<256x1024xf32>
    %select_n3A_1001 = arith.select %eq3A_988, %broadcast_in_dim3A_999, %broadcast_in_dim3A_1000 : vector<256x1024xi1>, vector<256x1024xf32>
    %reduce_sum3A_1002 = arith.constant dense<0.000000e+00> : vector<256xf32>
    %reduce_sum3A_1003 = vector.multi_reduction <add>, %select_n3A_1001, %reduce_sum3A_1002 [1] : vector<256x1024xf32> to vector<256xf32>
    %broadcast_in_dim3A_1004 = vector.shape_cast %reduce_sum3A_1003 : vector<256xf32> to vector<256x1xf32>
    %jit3A_1005 = arith.constant 0.000000e+00 : f32
    %broadcast_in_dim3A_1006 = vector.shape_cast %get3A_28 : vector<1x1024xf32> to vector<1x1024xf32>
    %broadcast_in_dim3A_1007 = vector.broadcast %broadcast_in_dim3A_1006 : vector<1x1024xf32> to vector<256x1024xf32>
    %broadcast_in_dim3A_1008 = vector.broadcast %jit3A_1005 : f32 to vector<256x1024xf32>
    %select_n3A_1009 = arith.select %eq3A_988, %broadcast_in_dim3A_1007, %broadcast_in_dim3A_1008 : vector<256x1024xi1>, vector<256x1024xf32>
    %reduce_sum3A_1010 = arith.constant dense<0.000000e+00> : vector<256xf32>
    %reduce_sum3A_1011 = vector.multi_reduction <add>, %select_n3A_1009, %reduce_sum3A_1010 [1] : vector<256x1024xf32> to vector<256xf32>
    %broadcast_in_dim3A_1012 = vector.shape_cast %reduce_sum3A_1011 : vector<256xf32> to vector<256x1xf32>
    %jit3A_1013 = arith.constant 1.000000e+30 : f32
    %broadcast_in_dim3A_1014 = vector.broadcast %jit3A_1013 : f32 to vector<256x1024xf32>
    %select_n3A_1015 = arith.select %eq3A_988, %broadcast_in_dim3A_1014, %select_n3A_957 : vector<256x1024xi1>, vector<256x1024xf32>
    %eq3A_1016 = arith.constant 16 : i32
    %eq3A_1017 = vector.broadcast %eq3A_1016 : i32 to vector<256x32xi32>
    %eq3A_1018 = arith.cmpi eq, %iota3A_43, %eq3A_1017 : vector<256x32xi32>
    %broadcast_in_dim3A_1019 = vector.shape_cast %broadcast_in_dim3A_986 : vector<256x1xf32> to vector<256x1xf32>
    %broadcast_in_dim3A_1020 = vector.broadcast %broadcast_in_dim3A_1019 : vector<256x1xf32> to vector<256x32xf32>
    %select_n3A_1021 = arith.select %eq3A_1018, %broadcast_in_dim3A_1020, %select_n3A_963 : vector<256x32xi1>, vector<256x32xf32>
    %broadcast_in_dim3A_1022 = vector.shape_cast %broadcast_in_dim3A_978 : vector<256x1xf32> to vector<256x1xf32>
    %broadcast_in_dim3A_1023 = vector.broadcast %broadcast_in_dim3A_1022 : vector<256x1xf32> to vector<256x32xf32>
    %select_n3A_1024 = arith.select %eq3A_1018, %broadcast_in_dim3A_1023, %select_n3A_966 : vector<256x32xi1>, vector<256x32xf32>
    %broadcast_in_dim3A_1025 = vector.shape_cast %broadcast_in_dim3A_996 : vector<256x1xf32> to vector<256x1xf32>
    %broadcast_in_dim3A_1026 = vector.broadcast %broadcast_in_dim3A_1025 : vector<256x1xf32> to vector<256x32xf32>
    %select_n3A_1027 = arith.select %eq3A_1018, %broadcast_in_dim3A_1026, %select_n3A_969 : vector<256x32xi1>, vector<256x32xf32>
    %broadcast_in_dim3A_1028 = vector.shape_cast %broadcast_in_dim3A_1004 : vector<256x1xf32> to vector<256x1xf32>
    %broadcast_in_dim3A_1029 = vector.broadcast %broadcast_in_dim3A_1028 : vector<256x1xf32> to vector<256x32xf32>
    %select_n3A_1030 = arith.select %eq3A_1018, %broadcast_in_dim3A_1029, %select_n3A_972 : vector<256x32xi1>, vector<256x32xf32>
    %broadcast_in_dim3A_1031 = vector.shape_cast %broadcast_in_dim3A_1012 : vector<256x1xf32> to vector<256x1xf32>
    %broadcast_in_dim3A_1032 = vector.broadcast %broadcast_in_dim3A_1031 : vector<256x1xf32> to vector<256x32xf32>
    %select_n3A_1033 = arith.select %eq3A_1018, %broadcast_in_dim3A_1032, %select_n3A_975 : vector<256x32xi1>, vector<256x32xf32>
    %reduce_min3A_1034 = arith.constant dense<0x7F800000> : vector<256xf32>
    %reduce_min3A_1035 = vector.multi_reduction <minimumf>, %select_n3A_1015, %reduce_min3A_1034 [1] : vector<256x1024xf32> to vector<256xf32>
    %broadcast_in_dim3A_1036 = vector.shape_cast %reduce_min3A_1035 : vector<256xf32> to vector<256x1xf32>
    %eq3A_1037 = vector.broadcast %broadcast_in_dim3A_1036 : vector<256x1xf32> to vector<256x1024xf32>
    %eq3A_1038 = arith.cmpf oeq, %select_n3A_1015, %eq3A_1037 : vector<256x1024xf32>
    %jit3A_1039 = arith.constant 1.024000e+03 : f32
    %broadcast_in_dim3A_1040 = vector.broadcast %jit3A_1039 : f32 to vector<256x1024xf32>
    %select_n3A_1041 = arith.select %eq3A_1038, %convert_element_type3A, %broadcast_in_dim3A_1040 : vector<256x1024xi1>, vector<256x1024xf32>
    %reduce_min3A_1042 = arith.constant dense<0x7F800000> : vector<256xf32>
    %reduce_min3A_1043 = vector.multi_reduction <minimumf>, %select_n3A_1041, %reduce_min3A_1042 [1] : vector<256x1024xf32> to vector<256xf32>
    %broadcast_in_dim3A_1044 = vector.shape_cast %reduce_min3A_1043 : vector<256xf32> to vector<256x1xf32>
    %eq3A_1045 = vector.broadcast %broadcast_in_dim3A_1044 : vector<256x1xf32> to vector<256x1024xf32>
    %eq3A_1046 = arith.cmpf oeq, %convert_element_type3A, %eq3A_1045 : vector<256x1024xf32>
    %jit3A_1047 = arith.constant 0.000000e+00 : f32
    %broadcast_in_dim3A_1048 = vector.shape_cast %get3A_18 : vector<1x1024xf32> to vector<1x1024xf32>
    %broadcast_in_dim3A_1049 = vector.broadcast %broadcast_in_dim3A_1048 : vector<1x1024xf32> to vector<256x1024xf32>
    %broadcast_in_dim3A_1050 = vector.broadcast %jit3A_1047 : f32 to vector<256x1024xf32>
    %select_n3A_1051 = arith.select %eq3A_1046, %broadcast_in_dim3A_1049, %broadcast_in_dim3A_1050 : vector<256x1024xi1>, vector<256x1024xf32>
    %reduce_sum3A_1052 = arith.constant dense<0.000000e+00> : vector<256xf32>
    %reduce_sum3A_1053 = vector.multi_reduction <add>, %select_n3A_1051, %reduce_sum3A_1052 [1] : vector<256x1024xf32> to vector<256xf32>
    %broadcast_in_dim3A_1054 = vector.shape_cast %reduce_sum3A_1053 : vector<256xf32> to vector<256x1xf32>
    %jit3A_1055 = arith.constant 0.000000e+00 : f32
    %broadcast_in_dim3A_1056 = vector.shape_cast %get3A_23 : vector<1x1024xf32> to vector<1x1024xf32>
    %broadcast_in_dim3A_1057 = vector.broadcast %broadcast_in_dim3A_1056 : vector<1x1024xf32> to vector<256x1024xf32>
    %broadcast_in_dim3A_1058 = vector.broadcast %jit3A_1055 : f32 to vector<256x1024xf32>
    %select_n3A_1059 = arith.select %eq3A_1046, %broadcast_in_dim3A_1057, %broadcast_in_dim3A_1058 : vector<256x1024xi1>, vector<256x1024xf32>
    %reduce_sum3A_1060 = arith.constant dense<0.000000e+00> : vector<256xf32>
    %reduce_sum3A_1061 = vector.multi_reduction <add>, %select_n3A_1059, %reduce_sum3A_1060 [1] : vector<256x1024xf32> to vector<256xf32>
    %broadcast_in_dim3A_1062 = vector.shape_cast %reduce_sum3A_1061 : vector<256xf32> to vector<256x1xf32>
    %jit3A_1063 = arith.constant 0.000000e+00 : f32
    %broadcast_in_dim3A_1064 = vector.shape_cast %get3A_28 : vector<1x1024xf32> to vector<1x1024xf32>
    %broadcast_in_dim3A_1065 = vector.broadcast %broadcast_in_dim3A_1064 : vector<1x1024xf32> to vector<256x1024xf32>
    %broadcast_in_dim3A_1066 = vector.broadcast %jit3A_1063 : f32 to vector<256x1024xf32>
    %select_n3A_1067 = arith.select %eq3A_1046, %broadcast_in_dim3A_1065, %broadcast_in_dim3A_1066 : vector<256x1024xi1>, vector<256x1024xf32>
    %reduce_sum3A_1068 = arith.constant dense<0.000000e+00> : vector<256xf32>
    %reduce_sum3A_1069 = vector.multi_reduction <add>, %select_n3A_1067, %reduce_sum3A_1068 [1] : vector<256x1024xf32> to vector<256xf32>
    %broadcast_in_dim3A_1070 = vector.shape_cast %reduce_sum3A_1069 : vector<256xf32> to vector<256x1xf32>
    %jit3A_1071 = arith.constant 1.000000e+30 : f32
    %broadcast_in_dim3A_1072 = vector.broadcast %jit3A_1071 : f32 to vector<256x1024xf32>
    %select_n3A_1073 = arith.select %eq3A_1046, %broadcast_in_dim3A_1072, %select_n3A_1015 : vector<256x1024xi1>, vector<256x1024xf32>
    %eq3A_1074 = arith.constant 17 : i32
    %eq3A_1075 = vector.broadcast %eq3A_1074 : i32 to vector<256x32xi32>
    %eq3A_1076 = arith.cmpi eq, %iota3A_43, %eq3A_1075 : vector<256x32xi32>
    %broadcast_in_dim3A_1077 = vector.shape_cast %broadcast_in_dim3A_1044 : vector<256x1xf32> to vector<256x1xf32>
    %broadcast_in_dim3A_1078 = vector.broadcast %broadcast_in_dim3A_1077 : vector<256x1xf32> to vector<256x32xf32>
    %select_n3A_1079 = arith.select %eq3A_1076, %broadcast_in_dim3A_1078, %select_n3A_1021 : vector<256x32xi1>, vector<256x32xf32>
    %broadcast_in_dim3A_1080 = vector.shape_cast %broadcast_in_dim3A_1036 : vector<256x1xf32> to vector<256x1xf32>
    %broadcast_in_dim3A_1081 = vector.broadcast %broadcast_in_dim3A_1080 : vector<256x1xf32> to vector<256x32xf32>
    %select_n3A_1082 = arith.select %eq3A_1076, %broadcast_in_dim3A_1081, %select_n3A_1024 : vector<256x32xi1>, vector<256x32xf32>
    %broadcast_in_dim3A_1083 = vector.shape_cast %broadcast_in_dim3A_1054 : vector<256x1xf32> to vector<256x1xf32>
    %broadcast_in_dim3A_1084 = vector.broadcast %broadcast_in_dim3A_1083 : vector<256x1xf32> to vector<256x32xf32>
    %select_n3A_1085 = arith.select %eq3A_1076, %broadcast_in_dim3A_1084, %select_n3A_1027 : vector<256x32xi1>, vector<256x32xf32>
    %broadcast_in_dim3A_1086 = vector.shape_cast %broadcast_in_dim3A_1062 : vector<256x1xf32> to vector<256x1xf32>
    %broadcast_in_dim3A_1087 = vector.broadcast %broadcast_in_dim3A_1086 : vector<256x1xf32> to vector<256x32xf32>
    %select_n3A_1088 = arith.select %eq3A_1076, %broadcast_in_dim3A_1087, %select_n3A_1030 : vector<256x32xi1>, vector<256x32xf32>
    %broadcast_in_dim3A_1089 = vector.shape_cast %broadcast_in_dim3A_1070 : vector<256x1xf32> to vector<256x1xf32>
    %broadcast_in_dim3A_1090 = vector.broadcast %broadcast_in_dim3A_1089 : vector<256x1xf32> to vector<256x32xf32>
    %select_n3A_1091 = arith.select %eq3A_1076, %broadcast_in_dim3A_1090, %select_n3A_1033 : vector<256x32xi1>, vector<256x32xf32>
    %reduce_min3A_1092 = arith.constant dense<0x7F800000> : vector<256xf32>
    %reduce_min3A_1093 = vector.multi_reduction <minimumf>, %select_n3A_1073, %reduce_min3A_1092 [1] : vector<256x1024xf32> to vector<256xf32>
    %broadcast_in_dim3A_1094 = vector.shape_cast %reduce_min3A_1093 : vector<256xf32> to vector<256x1xf32>
    %eq3A_1095 = vector.broadcast %broadcast_in_dim3A_1094 : vector<256x1xf32> to vector<256x1024xf32>
    %eq3A_1096 = arith.cmpf oeq, %select_n3A_1073, %eq3A_1095 : vector<256x1024xf32>
    %jit3A_1097 = arith.constant 1.024000e+03 : f32
    %broadcast_in_dim3A_1098 = vector.broadcast %jit3A_1097 : f32 to vector<256x1024xf32>
    %select_n3A_1099 = arith.select %eq3A_1096, %convert_element_type3A, %broadcast_in_dim3A_1098 : vector<256x1024xi1>, vector<256x1024xf32>
    %reduce_min3A_1100 = arith.constant dense<0x7F800000> : vector<256xf32>
    %reduce_min3A_1101 = vector.multi_reduction <minimumf>, %select_n3A_1099, %reduce_min3A_1100 [1] : vector<256x1024xf32> to vector<256xf32>
    %broadcast_in_dim3A_1102 = vector.shape_cast %reduce_min3A_1101 : vector<256xf32> to vector<256x1xf32>
    %eq3A_1103 = vector.broadcast %broadcast_in_dim3A_1102 : vector<256x1xf32> to vector<256x1024xf32>
    %eq3A_1104 = arith.cmpf oeq, %convert_element_type3A, %eq3A_1103 : vector<256x1024xf32>
    %jit3A_1105 = arith.constant 0.000000e+00 : f32
    %broadcast_in_dim3A_1106 = vector.shape_cast %get3A_18 : vector<1x1024xf32> to vector<1x1024xf32>
    %broadcast_in_dim3A_1107 = vector.broadcast %broadcast_in_dim3A_1106 : vector<1x1024xf32> to vector<256x1024xf32>
    %broadcast_in_dim3A_1108 = vector.broadcast %jit3A_1105 : f32 to vector<256x1024xf32>
    %select_n3A_1109 = arith.select %eq3A_1104, %broadcast_in_dim3A_1107, %broadcast_in_dim3A_1108 : vector<256x1024xi1>, vector<256x1024xf32>
    %reduce_sum3A_1110 = arith.constant dense<0.000000e+00> : vector<256xf32>
    %reduce_sum3A_1111 = vector.multi_reduction <add>, %select_n3A_1109, %reduce_sum3A_1110 [1] : vector<256x1024xf32> to vector<256xf32>
    %broadcast_in_dim3A_1112 = vector.shape_cast %reduce_sum3A_1111 : vector<256xf32> to vector<256x1xf32>
    %jit3A_1113 = arith.constant 0.000000e+00 : f32
    %broadcast_in_dim3A_1114 = vector.shape_cast %get3A_23 : vector<1x1024xf32> to vector<1x1024xf32>
    %broadcast_in_dim3A_1115 = vector.broadcast %broadcast_in_dim3A_1114 : vector<1x1024xf32> to vector<256x1024xf32>
    %broadcast_in_dim3A_1116 = vector.broadcast %jit3A_1113 : f32 to vector<256x1024xf32>
    %select_n3A_1117 = arith.select %eq3A_1104, %broadcast_in_dim3A_1115, %broadcast_in_dim3A_1116 : vector<256x1024xi1>, vector<256x1024xf32>
    %reduce_sum3A_1118 = arith.constant dense<0.000000e+00> : vector<256xf32>
    %reduce_sum3A_1119 = vector.multi_reduction <add>, %select_n3A_1117, %reduce_sum3A_1118 [1] : vector<256x1024xf32> to vector<256xf32>
    %broadcast_in_dim3A_1120 = vector.shape_cast %reduce_sum3A_1119 : vector<256xf32> to vector<256x1xf32>
    %jit3A_1121 = arith.constant 0.000000e+00 : f32
    %broadcast_in_dim3A_1122 = vector.shape_cast %get3A_28 : vector<1x1024xf32> to vector<1x1024xf32>
    %broadcast_in_dim3A_1123 = vector.broadcast %broadcast_in_dim3A_1122 : vector<1x1024xf32> to vector<256x1024xf32>
    %broadcast_in_dim3A_1124 = vector.broadcast %jit3A_1121 : f32 to vector<256x1024xf32>
    %select_n3A_1125 = arith.select %eq3A_1104, %broadcast_in_dim3A_1123, %broadcast_in_dim3A_1124 : vector<256x1024xi1>, vector<256x1024xf32>
    %reduce_sum3A_1126 = arith.constant dense<0.000000e+00> : vector<256xf32>
    %reduce_sum3A_1127 = vector.multi_reduction <add>, %select_n3A_1125, %reduce_sum3A_1126 [1] : vector<256x1024xf32> to vector<256xf32>
    %broadcast_in_dim3A_1128 = vector.shape_cast %reduce_sum3A_1127 : vector<256xf32> to vector<256x1xf32>
    %jit3A_1129 = arith.constant 1.000000e+30 : f32
    %broadcast_in_dim3A_1130 = vector.broadcast %jit3A_1129 : f32 to vector<256x1024xf32>
    %select_n3A_1131 = arith.select %eq3A_1104, %broadcast_in_dim3A_1130, %select_n3A_1073 : vector<256x1024xi1>, vector<256x1024xf32>
    %eq3A_1132 = arith.constant 18 : i32
    %eq3A_1133 = vector.broadcast %eq3A_1132 : i32 to vector<256x32xi32>
    %eq3A_1134 = arith.cmpi eq, %iota3A_43, %eq3A_1133 : vector<256x32xi32>
    %broadcast_in_dim3A_1135 = vector.shape_cast %broadcast_in_dim3A_1102 : vector<256x1xf32> to vector<256x1xf32>
    %broadcast_in_dim3A_1136 = vector.broadcast %broadcast_in_dim3A_1135 : vector<256x1xf32> to vector<256x32xf32>
    %select_n3A_1137 = arith.select %eq3A_1134, %broadcast_in_dim3A_1136, %select_n3A_1079 : vector<256x32xi1>, vector<256x32xf32>
    %broadcast_in_dim3A_1138 = vector.shape_cast %broadcast_in_dim3A_1094 : vector<256x1xf32> to vector<256x1xf32>
    %broadcast_in_dim3A_1139 = vector.broadcast %broadcast_in_dim3A_1138 : vector<256x1xf32> to vector<256x32xf32>
    %select_n3A_1140 = arith.select %eq3A_1134, %broadcast_in_dim3A_1139, %select_n3A_1082 : vector<256x32xi1>, vector<256x32xf32>
    %broadcast_in_dim3A_1141 = vector.shape_cast %broadcast_in_dim3A_1112 : vector<256x1xf32> to vector<256x1xf32>
    %broadcast_in_dim3A_1142 = vector.broadcast %broadcast_in_dim3A_1141 : vector<256x1xf32> to vector<256x32xf32>
    %select_n3A_1143 = arith.select %eq3A_1134, %broadcast_in_dim3A_1142, %select_n3A_1085 : vector<256x32xi1>, vector<256x32xf32>
    %broadcast_in_dim3A_1144 = vector.shape_cast %broadcast_in_dim3A_1120 : vector<256x1xf32> to vector<256x1xf32>
    %broadcast_in_dim3A_1145 = vector.broadcast %broadcast_in_dim3A_1144 : vector<256x1xf32> to vector<256x32xf32>
    %select_n3A_1146 = arith.select %eq3A_1134, %broadcast_in_dim3A_1145, %select_n3A_1088 : vector<256x32xi1>, vector<256x32xf32>
    %broadcast_in_dim3A_1147 = vector.shape_cast %broadcast_in_dim3A_1128 : vector<256x1xf32> to vector<256x1xf32>
    %broadcast_in_dim3A_1148 = vector.broadcast %broadcast_in_dim3A_1147 : vector<256x1xf32> to vector<256x32xf32>
    %select_n3A_1149 = arith.select %eq3A_1134, %broadcast_in_dim3A_1148, %select_n3A_1091 : vector<256x32xi1>, vector<256x32xf32>
    %reduce_min3A_1150 = arith.constant dense<0x7F800000> : vector<256xf32>
    %reduce_min3A_1151 = vector.multi_reduction <minimumf>, %select_n3A_1131, %reduce_min3A_1150 [1] : vector<256x1024xf32> to vector<256xf32>
    %broadcast_in_dim3A_1152 = vector.shape_cast %reduce_min3A_1151 : vector<256xf32> to vector<256x1xf32>
    %eq3A_1153 = vector.broadcast %broadcast_in_dim3A_1152 : vector<256x1xf32> to vector<256x1024xf32>
    %eq3A_1154 = arith.cmpf oeq, %select_n3A_1131, %eq3A_1153 : vector<256x1024xf32>
    %jit3A_1155 = arith.constant 1.024000e+03 : f32
    %broadcast_in_dim3A_1156 = vector.broadcast %jit3A_1155 : f32 to vector<256x1024xf32>
    %select_n3A_1157 = arith.select %eq3A_1154, %convert_element_type3A, %broadcast_in_dim3A_1156 : vector<256x1024xi1>, vector<256x1024xf32>
    %reduce_min3A_1158 = arith.constant dense<0x7F800000> : vector<256xf32>
    %reduce_min3A_1159 = vector.multi_reduction <minimumf>, %select_n3A_1157, %reduce_min3A_1158 [1] : vector<256x1024xf32> to vector<256xf32>
    %broadcast_in_dim3A_1160 = vector.shape_cast %reduce_min3A_1159 : vector<256xf32> to vector<256x1xf32>
    %eq3A_1161 = vector.broadcast %broadcast_in_dim3A_1160 : vector<256x1xf32> to vector<256x1024xf32>
    %eq3A_1162 = arith.cmpf oeq, %convert_element_type3A, %eq3A_1161 : vector<256x1024xf32>
    %jit3A_1163 = arith.constant 0.000000e+00 : f32
    %broadcast_in_dim3A_1164 = vector.shape_cast %get3A_18 : vector<1x1024xf32> to vector<1x1024xf32>
    %broadcast_in_dim3A_1165 = vector.broadcast %broadcast_in_dim3A_1164 : vector<1x1024xf32> to vector<256x1024xf32>
    %broadcast_in_dim3A_1166 = vector.broadcast %jit3A_1163 : f32 to vector<256x1024xf32>
    %select_n3A_1167 = arith.select %eq3A_1162, %broadcast_in_dim3A_1165, %broadcast_in_dim3A_1166 : vector<256x1024xi1>, vector<256x1024xf32>
    %reduce_sum3A_1168 = arith.constant dense<0.000000e+00> : vector<256xf32>
    %reduce_sum3A_1169 = vector.multi_reduction <add>, %select_n3A_1167, %reduce_sum3A_1168 [1] : vector<256x1024xf32> to vector<256xf32>
    %broadcast_in_dim3A_1170 = vector.shape_cast %reduce_sum3A_1169 : vector<256xf32> to vector<256x1xf32>
    %jit3A_1171 = arith.constant 0.000000e+00 : f32
    %broadcast_in_dim3A_1172 = vector.shape_cast %get3A_23 : vector<1x1024xf32> to vector<1x1024xf32>
    %broadcast_in_dim3A_1173 = vector.broadcast %broadcast_in_dim3A_1172 : vector<1x1024xf32> to vector<256x1024xf32>
    %broadcast_in_dim3A_1174 = vector.broadcast %jit3A_1171 : f32 to vector<256x1024xf32>
    %select_n3A_1175 = arith.select %eq3A_1162, %broadcast_in_dim3A_1173, %broadcast_in_dim3A_1174 : vector<256x1024xi1>, vector<256x1024xf32>
    %reduce_sum3A_1176 = arith.constant dense<0.000000e+00> : vector<256xf32>
    %reduce_sum3A_1177 = vector.multi_reduction <add>, %select_n3A_1175, %reduce_sum3A_1176 [1] : vector<256x1024xf32> to vector<256xf32>
    %broadcast_in_dim3A_1178 = vector.shape_cast %reduce_sum3A_1177 : vector<256xf32> to vector<256x1xf32>
    %jit3A_1179 = arith.constant 0.000000e+00 : f32
    %broadcast_in_dim3A_1180 = vector.shape_cast %get3A_28 : vector<1x1024xf32> to vector<1x1024xf32>
    %broadcast_in_dim3A_1181 = vector.broadcast %broadcast_in_dim3A_1180 : vector<1x1024xf32> to vector<256x1024xf32>
    %broadcast_in_dim3A_1182 = vector.broadcast %jit3A_1179 : f32 to vector<256x1024xf32>
    %select_n3A_1183 = arith.select %eq3A_1162, %broadcast_in_dim3A_1181, %broadcast_in_dim3A_1182 : vector<256x1024xi1>, vector<256x1024xf32>
    %reduce_sum3A_1184 = arith.constant dense<0.000000e+00> : vector<256xf32>
    %reduce_sum3A_1185 = vector.multi_reduction <add>, %select_n3A_1183, %reduce_sum3A_1184 [1] : vector<256x1024xf32> to vector<256xf32>
    %broadcast_in_dim3A_1186 = vector.shape_cast %reduce_sum3A_1185 : vector<256xf32> to vector<256x1xf32>
    %jit3A_1187 = arith.constant 1.000000e+30 : f32
    %broadcast_in_dim3A_1188 = vector.broadcast %jit3A_1187 : f32 to vector<256x1024xf32>
    %select_n3A_1189 = arith.select %eq3A_1162, %broadcast_in_dim3A_1188, %select_n3A_1131 : vector<256x1024xi1>, vector<256x1024xf32>
    %eq3A_1190 = arith.constant 19 : i32
    %eq3A_1191 = vector.broadcast %eq3A_1190 : i32 to vector<256x32xi32>
    %eq3A_1192 = arith.cmpi eq, %iota3A_43, %eq3A_1191 : vector<256x32xi32>
    %broadcast_in_dim3A_1193 = vector.shape_cast %broadcast_in_dim3A_1160 : vector<256x1xf32> to vector<256x1xf32>
    %broadcast_in_dim3A_1194 = vector.broadcast %broadcast_in_dim3A_1193 : vector<256x1xf32> to vector<256x32xf32>
    %select_n3A_1195 = arith.select %eq3A_1192, %broadcast_in_dim3A_1194, %select_n3A_1137 : vector<256x32xi1>, vector<256x32xf32>
    %broadcast_in_dim3A_1196 = vector.shape_cast %broadcast_in_dim3A_1152 : vector<256x1xf32> to vector<256x1xf32>
    %broadcast_in_dim3A_1197 = vector.broadcast %broadcast_in_dim3A_1196 : vector<256x1xf32> to vector<256x32xf32>
    %select_n3A_1198 = arith.select %eq3A_1192, %broadcast_in_dim3A_1197, %select_n3A_1140 : vector<256x32xi1>, vector<256x32xf32>
    %broadcast_in_dim3A_1199 = vector.shape_cast %broadcast_in_dim3A_1170 : vector<256x1xf32> to vector<256x1xf32>
    %broadcast_in_dim3A_1200 = vector.broadcast %broadcast_in_dim3A_1199 : vector<256x1xf32> to vector<256x32xf32>
    %select_n3A_1201 = arith.select %eq3A_1192, %broadcast_in_dim3A_1200, %select_n3A_1143 : vector<256x32xi1>, vector<256x32xf32>
    %broadcast_in_dim3A_1202 = vector.shape_cast %broadcast_in_dim3A_1178 : vector<256x1xf32> to vector<256x1xf32>
    %broadcast_in_dim3A_1203 = vector.broadcast %broadcast_in_dim3A_1202 : vector<256x1xf32> to vector<256x32xf32>
    %select_n3A_1204 = arith.select %eq3A_1192, %broadcast_in_dim3A_1203, %select_n3A_1146 : vector<256x32xi1>, vector<256x32xf32>
    %broadcast_in_dim3A_1205 = vector.shape_cast %broadcast_in_dim3A_1186 : vector<256x1xf32> to vector<256x1xf32>
    %broadcast_in_dim3A_1206 = vector.broadcast %broadcast_in_dim3A_1205 : vector<256x1xf32> to vector<256x32xf32>
    %select_n3A_1207 = arith.select %eq3A_1192, %broadcast_in_dim3A_1206, %select_n3A_1149 : vector<256x32xi1>, vector<256x32xf32>
    %reduce_min3A_1208 = arith.constant dense<0x7F800000> : vector<256xf32>
    %reduce_min3A_1209 = vector.multi_reduction <minimumf>, %select_n3A_1189, %reduce_min3A_1208 [1] : vector<256x1024xf32> to vector<256xf32>
    %broadcast_in_dim3A_1210 = vector.shape_cast %reduce_min3A_1209 : vector<256xf32> to vector<256x1xf32>
    %eq3A_1211 = vector.broadcast %broadcast_in_dim3A_1210 : vector<256x1xf32> to vector<256x1024xf32>
    %eq3A_1212 = arith.cmpf oeq, %select_n3A_1189, %eq3A_1211 : vector<256x1024xf32>
    %jit3A_1213 = arith.constant 1.024000e+03 : f32
    %broadcast_in_dim3A_1214 = vector.broadcast %jit3A_1213 : f32 to vector<256x1024xf32>
    %select_n3A_1215 = arith.select %eq3A_1212, %convert_element_type3A, %broadcast_in_dim3A_1214 : vector<256x1024xi1>, vector<256x1024xf32>
    %reduce_min3A_1216 = arith.constant dense<0x7F800000> : vector<256xf32>
    %reduce_min3A_1217 = vector.multi_reduction <minimumf>, %select_n3A_1215, %reduce_min3A_1216 [1] : vector<256x1024xf32> to vector<256xf32>
    %broadcast_in_dim3A_1218 = vector.shape_cast %reduce_min3A_1217 : vector<256xf32> to vector<256x1xf32>
    %eq3A_1219 = vector.broadcast %broadcast_in_dim3A_1218 : vector<256x1xf32> to vector<256x1024xf32>
    %eq3A_1220 = arith.cmpf oeq, %convert_element_type3A, %eq3A_1219 : vector<256x1024xf32>
    %jit3A_1221 = arith.constant 0.000000e+00 : f32
    %broadcast_in_dim3A_1222 = vector.shape_cast %get3A_18 : vector<1x1024xf32> to vector<1x1024xf32>
    %broadcast_in_dim3A_1223 = vector.broadcast %broadcast_in_dim3A_1222 : vector<1x1024xf32> to vector<256x1024xf32>
    %broadcast_in_dim3A_1224 = vector.broadcast %jit3A_1221 : f32 to vector<256x1024xf32>
    %select_n3A_1225 = arith.select %eq3A_1220, %broadcast_in_dim3A_1223, %broadcast_in_dim3A_1224 : vector<256x1024xi1>, vector<256x1024xf32>
    %reduce_sum3A_1226 = arith.constant dense<0.000000e+00> : vector<256xf32>
    %reduce_sum3A_1227 = vector.multi_reduction <add>, %select_n3A_1225, %reduce_sum3A_1226 [1] : vector<256x1024xf32> to vector<256xf32>
    %broadcast_in_dim3A_1228 = vector.shape_cast %reduce_sum3A_1227 : vector<256xf32> to vector<256x1xf32>
    %jit3A_1229 = arith.constant 0.000000e+00 : f32
    %broadcast_in_dim3A_1230 = vector.shape_cast %get3A_23 : vector<1x1024xf32> to vector<1x1024xf32>
    %broadcast_in_dim3A_1231 = vector.broadcast %broadcast_in_dim3A_1230 : vector<1x1024xf32> to vector<256x1024xf32>
    %broadcast_in_dim3A_1232 = vector.broadcast %jit3A_1229 : f32 to vector<256x1024xf32>
    %select_n3A_1233 = arith.select %eq3A_1220, %broadcast_in_dim3A_1231, %broadcast_in_dim3A_1232 : vector<256x1024xi1>, vector<256x1024xf32>
    %reduce_sum3A_1234 = arith.constant dense<0.000000e+00> : vector<256xf32>
    %reduce_sum3A_1235 = vector.multi_reduction <add>, %select_n3A_1233, %reduce_sum3A_1234 [1] : vector<256x1024xf32> to vector<256xf32>
    %broadcast_in_dim3A_1236 = vector.shape_cast %reduce_sum3A_1235 : vector<256xf32> to vector<256x1xf32>
    %jit3A_1237 = arith.constant 0.000000e+00 : f32
    %broadcast_in_dim3A_1238 = vector.shape_cast %get3A_28 : vector<1x1024xf32> to vector<1x1024xf32>
    %broadcast_in_dim3A_1239 = vector.broadcast %broadcast_in_dim3A_1238 : vector<1x1024xf32> to vector<256x1024xf32>
    %broadcast_in_dim3A_1240 = vector.broadcast %jit3A_1237 : f32 to vector<256x1024xf32>
    %select_n3A_1241 = arith.select %eq3A_1220, %broadcast_in_dim3A_1239, %broadcast_in_dim3A_1240 : vector<256x1024xi1>, vector<256x1024xf32>
    %reduce_sum3A_1242 = arith.constant dense<0.000000e+00> : vector<256xf32>
    %reduce_sum3A_1243 = vector.multi_reduction <add>, %select_n3A_1241, %reduce_sum3A_1242 [1] : vector<256x1024xf32> to vector<256xf32>
    %broadcast_in_dim3A_1244 = vector.shape_cast %reduce_sum3A_1243 : vector<256xf32> to vector<256x1xf32>
    %jit3A_1245 = arith.constant 1.000000e+30 : f32
    %broadcast_in_dim3A_1246 = vector.broadcast %jit3A_1245 : f32 to vector<256x1024xf32>
    %select_n3A_1247 = arith.select %eq3A_1220, %broadcast_in_dim3A_1246, %select_n3A_1189 : vector<256x1024xi1>, vector<256x1024xf32>
    %eq3A_1248 = arith.constant 20 : i32
    %eq3A_1249 = vector.broadcast %eq3A_1248 : i32 to vector<256x32xi32>
    %eq3A_1250 = arith.cmpi eq, %iota3A_43, %eq3A_1249 : vector<256x32xi32>
    %broadcast_in_dim3A_1251 = vector.shape_cast %broadcast_in_dim3A_1218 : vector<256x1xf32> to vector<256x1xf32>
    %broadcast_in_dim3A_1252 = vector.broadcast %broadcast_in_dim3A_1251 : vector<256x1xf32> to vector<256x32xf32>
    %select_n3A_1253 = arith.select %eq3A_1250, %broadcast_in_dim3A_1252, %select_n3A_1195 : vector<256x32xi1>, vector<256x32xf32>
    %broadcast_in_dim3A_1254 = vector.shape_cast %broadcast_in_dim3A_1210 : vector<256x1xf32> to vector<256x1xf32>
    %broadcast_in_dim3A_1255 = vector.broadcast %broadcast_in_dim3A_1254 : vector<256x1xf32> to vector<256x32xf32>
    %select_n3A_1256 = arith.select %eq3A_1250, %broadcast_in_dim3A_1255, %select_n3A_1198 : vector<256x32xi1>, vector<256x32xf32>
    %broadcast_in_dim3A_1257 = vector.shape_cast %broadcast_in_dim3A_1228 : vector<256x1xf32> to vector<256x1xf32>
    %broadcast_in_dim3A_1258 = vector.broadcast %broadcast_in_dim3A_1257 : vector<256x1xf32> to vector<256x32xf32>
    %select_n3A_1259 = arith.select %eq3A_1250, %broadcast_in_dim3A_1258, %select_n3A_1201 : vector<256x32xi1>, vector<256x32xf32>
    %broadcast_in_dim3A_1260 = vector.shape_cast %broadcast_in_dim3A_1236 : vector<256x1xf32> to vector<256x1xf32>
    %broadcast_in_dim3A_1261 = vector.broadcast %broadcast_in_dim3A_1260 : vector<256x1xf32> to vector<256x32xf32>
    %select_n3A_1262 = arith.select %eq3A_1250, %broadcast_in_dim3A_1261, %select_n3A_1204 : vector<256x32xi1>, vector<256x32xf32>
    %broadcast_in_dim3A_1263 = vector.shape_cast %broadcast_in_dim3A_1244 : vector<256x1xf32> to vector<256x1xf32>
    %broadcast_in_dim3A_1264 = vector.broadcast %broadcast_in_dim3A_1263 : vector<256x1xf32> to vector<256x32xf32>
    %select_n3A_1265 = arith.select %eq3A_1250, %broadcast_in_dim3A_1264, %select_n3A_1207 : vector<256x32xi1>, vector<256x32xf32>
    %reduce_min3A_1266 = arith.constant dense<0x7F800000> : vector<256xf32>
    %reduce_min3A_1267 = vector.multi_reduction <minimumf>, %select_n3A_1247, %reduce_min3A_1266 [1] : vector<256x1024xf32> to vector<256xf32>
    %broadcast_in_dim3A_1268 = vector.shape_cast %reduce_min3A_1267 : vector<256xf32> to vector<256x1xf32>
    %eq3A_1269 = vector.broadcast %broadcast_in_dim3A_1268 : vector<256x1xf32> to vector<256x1024xf32>
    %eq3A_1270 = arith.cmpf oeq, %select_n3A_1247, %eq3A_1269 : vector<256x1024xf32>
    %jit3A_1271 = arith.constant 1.024000e+03 : f32
    %broadcast_in_dim3A_1272 = vector.broadcast %jit3A_1271 : f32 to vector<256x1024xf32>
    %select_n3A_1273 = arith.select %eq3A_1270, %convert_element_type3A, %broadcast_in_dim3A_1272 : vector<256x1024xi1>, vector<256x1024xf32>
    %reduce_min3A_1274 = arith.constant dense<0x7F800000> : vector<256xf32>
    %reduce_min3A_1275 = vector.multi_reduction <minimumf>, %select_n3A_1273, %reduce_min3A_1274 [1] : vector<256x1024xf32> to vector<256xf32>
    %broadcast_in_dim3A_1276 = vector.shape_cast %reduce_min3A_1275 : vector<256xf32> to vector<256x1xf32>
    %eq3A_1277 = vector.broadcast %broadcast_in_dim3A_1276 : vector<256x1xf32> to vector<256x1024xf32>
    %eq3A_1278 = arith.cmpf oeq, %convert_element_type3A, %eq3A_1277 : vector<256x1024xf32>
    %jit3A_1279 = arith.constant 0.000000e+00 : f32
    %broadcast_in_dim3A_1280 = vector.shape_cast %get3A_18 : vector<1x1024xf32> to vector<1x1024xf32>
    %broadcast_in_dim3A_1281 = vector.broadcast %broadcast_in_dim3A_1280 : vector<1x1024xf32> to vector<256x1024xf32>
    %broadcast_in_dim3A_1282 = vector.broadcast %jit3A_1279 : f32 to vector<256x1024xf32>
    %select_n3A_1283 = arith.select %eq3A_1278, %broadcast_in_dim3A_1281, %broadcast_in_dim3A_1282 : vector<256x1024xi1>, vector<256x1024xf32>
    %reduce_sum3A_1284 = arith.constant dense<0.000000e+00> : vector<256xf32>
    %reduce_sum3A_1285 = vector.multi_reduction <add>, %select_n3A_1283, %reduce_sum3A_1284 [1] : vector<256x1024xf32> to vector<256xf32>
    %broadcast_in_dim3A_1286 = vector.shape_cast %reduce_sum3A_1285 : vector<256xf32> to vector<256x1xf32>
    %jit3A_1287 = arith.constant 0.000000e+00 : f32
    %broadcast_in_dim3A_1288 = vector.shape_cast %get3A_23 : vector<1x1024xf32> to vector<1x1024xf32>
    %broadcast_in_dim3A_1289 = vector.broadcast %broadcast_in_dim3A_1288 : vector<1x1024xf32> to vector<256x1024xf32>
    %broadcast_in_dim3A_1290 = vector.broadcast %jit3A_1287 : f32 to vector<256x1024xf32>
    %select_n3A_1291 = arith.select %eq3A_1278, %broadcast_in_dim3A_1289, %broadcast_in_dim3A_1290 : vector<256x1024xi1>, vector<256x1024xf32>
    %reduce_sum3A_1292 = arith.constant dense<0.000000e+00> : vector<256xf32>
    %reduce_sum3A_1293 = vector.multi_reduction <add>, %select_n3A_1291, %reduce_sum3A_1292 [1] : vector<256x1024xf32> to vector<256xf32>
    %broadcast_in_dim3A_1294 = vector.shape_cast %reduce_sum3A_1293 : vector<256xf32> to vector<256x1xf32>
    %jit3A_1295 = arith.constant 0.000000e+00 : f32
    %broadcast_in_dim3A_1296 = vector.shape_cast %get3A_28 : vector<1x1024xf32> to vector<1x1024xf32>
    %broadcast_in_dim3A_1297 = vector.broadcast %broadcast_in_dim3A_1296 : vector<1x1024xf32> to vector<256x1024xf32>
    %broadcast_in_dim3A_1298 = vector.broadcast %jit3A_1295 : f32 to vector<256x1024xf32>
    %select_n3A_1299 = arith.select %eq3A_1278, %broadcast_in_dim3A_1297, %broadcast_in_dim3A_1298 : vector<256x1024xi1>, vector<256x1024xf32>
    %reduce_sum3A_1300 = arith.constant dense<0.000000e+00> : vector<256xf32>
    %reduce_sum3A_1301 = vector.multi_reduction <add>, %select_n3A_1299, %reduce_sum3A_1300 [1] : vector<256x1024xf32> to vector<256xf32>
    %broadcast_in_dim3A_1302 = vector.shape_cast %reduce_sum3A_1301 : vector<256xf32> to vector<256x1xf32>
    %jit3A_1303 = arith.constant 1.000000e+30 : f32
    %broadcast_in_dim3A_1304 = vector.broadcast %jit3A_1303 : f32 to vector<256x1024xf32>
    %select_n3A_1305 = arith.select %eq3A_1278, %broadcast_in_dim3A_1304, %select_n3A_1247 : vector<256x1024xi1>, vector<256x1024xf32>
    %eq3A_1306 = arith.constant 21 : i32
    %eq3A_1307 = vector.broadcast %eq3A_1306 : i32 to vector<256x32xi32>
    %eq3A_1308 = arith.cmpi eq, %iota3A_43, %eq3A_1307 : vector<256x32xi32>
    %broadcast_in_dim3A_1309 = vector.shape_cast %broadcast_in_dim3A_1276 : vector<256x1xf32> to vector<256x1xf32>
    %broadcast_in_dim3A_1310 = vector.broadcast %broadcast_in_dim3A_1309 : vector<256x1xf32> to vector<256x32xf32>
    %select_n3A_1311 = arith.select %eq3A_1308, %broadcast_in_dim3A_1310, %select_n3A_1253 : vector<256x32xi1>, vector<256x32xf32>
    %broadcast_in_dim3A_1312 = vector.shape_cast %broadcast_in_dim3A_1268 : vector<256x1xf32> to vector<256x1xf32>
    %broadcast_in_dim3A_1313 = vector.broadcast %broadcast_in_dim3A_1312 : vector<256x1xf32> to vector<256x32xf32>
    %select_n3A_1314 = arith.select %eq3A_1308, %broadcast_in_dim3A_1313, %select_n3A_1256 : vector<256x32xi1>, vector<256x32xf32>
    %broadcast_in_dim3A_1315 = vector.shape_cast %broadcast_in_dim3A_1286 : vector<256x1xf32> to vector<256x1xf32>
    %broadcast_in_dim3A_1316 = vector.broadcast %broadcast_in_dim3A_1315 : vector<256x1xf32> to vector<256x32xf32>
    %select_n3A_1317 = arith.select %eq3A_1308, %broadcast_in_dim3A_1316, %select_n3A_1259 : vector<256x32xi1>, vector<256x32xf32>
    %broadcast_in_dim3A_1318 = vector.shape_cast %broadcast_in_dim3A_1294 : vector<256x1xf32> to vector<256x1xf32>
    %broadcast_in_dim3A_1319 = vector.broadcast %broadcast_in_dim3A_1318 : vector<256x1xf32> to vector<256x32xf32>
    %select_n3A_1320 = arith.select %eq3A_1308, %broadcast_in_dim3A_1319, %select_n3A_1262 : vector<256x32xi1>, vector<256x32xf32>
    %broadcast_in_dim3A_1321 = vector.shape_cast %broadcast_in_dim3A_1302 : vector<256x1xf32> to vector<256x1xf32>
    %broadcast_in_dim3A_1322 = vector.broadcast %broadcast_in_dim3A_1321 : vector<256x1xf32> to vector<256x32xf32>
    %select_n3A_1323 = arith.select %eq3A_1308, %broadcast_in_dim3A_1322, %select_n3A_1265 : vector<256x32xi1>, vector<256x32xf32>
    %reduce_min3A_1324 = arith.constant dense<0x7F800000> : vector<256xf32>
    %reduce_min3A_1325 = vector.multi_reduction <minimumf>, %select_n3A_1305, %reduce_min3A_1324 [1] : vector<256x1024xf32> to vector<256xf32>
    %broadcast_in_dim3A_1326 = vector.shape_cast %reduce_min3A_1325 : vector<256xf32> to vector<256x1xf32>
    %eq3A_1327 = vector.broadcast %broadcast_in_dim3A_1326 : vector<256x1xf32> to vector<256x1024xf32>
    %eq3A_1328 = arith.cmpf oeq, %select_n3A_1305, %eq3A_1327 : vector<256x1024xf32>
    %jit3A_1329 = arith.constant 1.024000e+03 : f32
    %broadcast_in_dim3A_1330 = vector.broadcast %jit3A_1329 : f32 to vector<256x1024xf32>
    %select_n3A_1331 = arith.select %eq3A_1328, %convert_element_type3A, %broadcast_in_dim3A_1330 : vector<256x1024xi1>, vector<256x1024xf32>
    %reduce_min3A_1332 = arith.constant dense<0x7F800000> : vector<256xf32>
    %reduce_min3A_1333 = vector.multi_reduction <minimumf>, %select_n3A_1331, %reduce_min3A_1332 [1] : vector<256x1024xf32> to vector<256xf32>
    %broadcast_in_dim3A_1334 = vector.shape_cast %reduce_min3A_1333 : vector<256xf32> to vector<256x1xf32>
    %eq3A_1335 = vector.broadcast %broadcast_in_dim3A_1334 : vector<256x1xf32> to vector<256x1024xf32>
    %eq3A_1336 = arith.cmpf oeq, %convert_element_type3A, %eq3A_1335 : vector<256x1024xf32>
    %jit3A_1337 = arith.constant 0.000000e+00 : f32
    %broadcast_in_dim3A_1338 = vector.shape_cast %get3A_18 : vector<1x1024xf32> to vector<1x1024xf32>
    %broadcast_in_dim3A_1339 = vector.broadcast %broadcast_in_dim3A_1338 : vector<1x1024xf32> to vector<256x1024xf32>
    %broadcast_in_dim3A_1340 = vector.broadcast %jit3A_1337 : f32 to vector<256x1024xf32>
    %select_n3A_1341 = arith.select %eq3A_1336, %broadcast_in_dim3A_1339, %broadcast_in_dim3A_1340 : vector<256x1024xi1>, vector<256x1024xf32>
    %reduce_sum3A_1342 = arith.constant dense<0.000000e+00> : vector<256xf32>
    %reduce_sum3A_1343 = vector.multi_reduction <add>, %select_n3A_1341, %reduce_sum3A_1342 [1] : vector<256x1024xf32> to vector<256xf32>
    %broadcast_in_dim3A_1344 = vector.shape_cast %reduce_sum3A_1343 : vector<256xf32> to vector<256x1xf32>
    %jit3A_1345 = arith.constant 0.000000e+00 : f32
    %broadcast_in_dim3A_1346 = vector.shape_cast %get3A_23 : vector<1x1024xf32> to vector<1x1024xf32>
    %broadcast_in_dim3A_1347 = vector.broadcast %broadcast_in_dim3A_1346 : vector<1x1024xf32> to vector<256x1024xf32>
    %broadcast_in_dim3A_1348 = vector.broadcast %jit3A_1345 : f32 to vector<256x1024xf32>
    %select_n3A_1349 = arith.select %eq3A_1336, %broadcast_in_dim3A_1347, %broadcast_in_dim3A_1348 : vector<256x1024xi1>, vector<256x1024xf32>
    %reduce_sum3A_1350 = arith.constant dense<0.000000e+00> : vector<256xf32>
    %reduce_sum3A_1351 = vector.multi_reduction <add>, %select_n3A_1349, %reduce_sum3A_1350 [1] : vector<256x1024xf32> to vector<256xf32>
    %broadcast_in_dim3A_1352 = vector.shape_cast %reduce_sum3A_1351 : vector<256xf32> to vector<256x1xf32>
    %jit3A_1353 = arith.constant 0.000000e+00 : f32
    %broadcast_in_dim3A_1354 = vector.shape_cast %get3A_28 : vector<1x1024xf32> to vector<1x1024xf32>
    %broadcast_in_dim3A_1355 = vector.broadcast %broadcast_in_dim3A_1354 : vector<1x1024xf32> to vector<256x1024xf32>
    %broadcast_in_dim3A_1356 = vector.broadcast %jit3A_1353 : f32 to vector<256x1024xf32>
    %select_n3A_1357 = arith.select %eq3A_1336, %broadcast_in_dim3A_1355, %broadcast_in_dim3A_1356 : vector<256x1024xi1>, vector<256x1024xf32>
    %reduce_sum3A_1358 = arith.constant dense<0.000000e+00> : vector<256xf32>
    %reduce_sum3A_1359 = vector.multi_reduction <add>, %select_n3A_1357, %reduce_sum3A_1358 [1] : vector<256x1024xf32> to vector<256xf32>
    %broadcast_in_dim3A_1360 = vector.shape_cast %reduce_sum3A_1359 : vector<256xf32> to vector<256x1xf32>
    %jit3A_1361 = arith.constant 1.000000e+30 : f32
    %broadcast_in_dim3A_1362 = vector.broadcast %jit3A_1361 : f32 to vector<256x1024xf32>
    %select_n3A_1363 = arith.select %eq3A_1336, %broadcast_in_dim3A_1362, %select_n3A_1305 : vector<256x1024xi1>, vector<256x1024xf32>
    %eq3A_1364 = arith.constant 22 : i32
    %eq3A_1365 = vector.broadcast %eq3A_1364 : i32 to vector<256x32xi32>
    %eq3A_1366 = arith.cmpi eq, %iota3A_43, %eq3A_1365 : vector<256x32xi32>
    %broadcast_in_dim3A_1367 = vector.shape_cast %broadcast_in_dim3A_1334 : vector<256x1xf32> to vector<256x1xf32>
    %broadcast_in_dim3A_1368 = vector.broadcast %broadcast_in_dim3A_1367 : vector<256x1xf32> to vector<256x32xf32>
    %select_n3A_1369 = arith.select %eq3A_1366, %broadcast_in_dim3A_1368, %select_n3A_1311 : vector<256x32xi1>, vector<256x32xf32>
    %broadcast_in_dim3A_1370 = vector.shape_cast %broadcast_in_dim3A_1326 : vector<256x1xf32> to vector<256x1xf32>
    %broadcast_in_dim3A_1371 = vector.broadcast %broadcast_in_dim3A_1370 : vector<256x1xf32> to vector<256x32xf32>
    %select_n3A_1372 = arith.select %eq3A_1366, %broadcast_in_dim3A_1371, %select_n3A_1314 : vector<256x32xi1>, vector<256x32xf32>
    %broadcast_in_dim3A_1373 = vector.shape_cast %broadcast_in_dim3A_1344 : vector<256x1xf32> to vector<256x1xf32>
    %broadcast_in_dim3A_1374 = vector.broadcast %broadcast_in_dim3A_1373 : vector<256x1xf32> to vector<256x32xf32>
    %select_n3A_1375 = arith.select %eq3A_1366, %broadcast_in_dim3A_1374, %select_n3A_1317 : vector<256x32xi1>, vector<256x32xf32>
    %broadcast_in_dim3A_1376 = vector.shape_cast %broadcast_in_dim3A_1352 : vector<256x1xf32> to vector<256x1xf32>
    %broadcast_in_dim3A_1377 = vector.broadcast %broadcast_in_dim3A_1376 : vector<256x1xf32> to vector<256x32xf32>
    %select_n3A_1378 = arith.select %eq3A_1366, %broadcast_in_dim3A_1377, %select_n3A_1320 : vector<256x32xi1>, vector<256x32xf32>
    %broadcast_in_dim3A_1379 = vector.shape_cast %broadcast_in_dim3A_1360 : vector<256x1xf32> to vector<256x1xf32>
    %broadcast_in_dim3A_1380 = vector.broadcast %broadcast_in_dim3A_1379 : vector<256x1xf32> to vector<256x32xf32>
    %select_n3A_1381 = arith.select %eq3A_1366, %broadcast_in_dim3A_1380, %select_n3A_1323 : vector<256x32xi1>, vector<256x32xf32>
    %reduce_min3A_1382 = arith.constant dense<0x7F800000> : vector<256xf32>
    %reduce_min3A_1383 = vector.multi_reduction <minimumf>, %select_n3A_1363, %reduce_min3A_1382 [1] : vector<256x1024xf32> to vector<256xf32>
    %broadcast_in_dim3A_1384 = vector.shape_cast %reduce_min3A_1383 : vector<256xf32> to vector<256x1xf32>
    %eq3A_1385 = vector.broadcast %broadcast_in_dim3A_1384 : vector<256x1xf32> to vector<256x1024xf32>
    %eq3A_1386 = arith.cmpf oeq, %select_n3A_1363, %eq3A_1385 : vector<256x1024xf32>
    %jit3A_1387 = arith.constant 1.024000e+03 : f32
    %broadcast_in_dim3A_1388 = vector.broadcast %jit3A_1387 : f32 to vector<256x1024xf32>
    %select_n3A_1389 = arith.select %eq3A_1386, %convert_element_type3A, %broadcast_in_dim3A_1388 : vector<256x1024xi1>, vector<256x1024xf32>
    %reduce_min3A_1390 = arith.constant dense<0x7F800000> : vector<256xf32>
    %reduce_min3A_1391 = vector.multi_reduction <minimumf>, %select_n3A_1389, %reduce_min3A_1390 [1] : vector<256x1024xf32> to vector<256xf32>
    %broadcast_in_dim3A_1392 = vector.shape_cast %reduce_min3A_1391 : vector<256xf32> to vector<256x1xf32>
    %eq3A_1393 = vector.broadcast %broadcast_in_dim3A_1392 : vector<256x1xf32> to vector<256x1024xf32>
    %eq3A_1394 = arith.cmpf oeq, %convert_element_type3A, %eq3A_1393 : vector<256x1024xf32>
    %jit3A_1395 = arith.constant 0.000000e+00 : f32
    %broadcast_in_dim3A_1396 = vector.shape_cast %get3A_18 : vector<1x1024xf32> to vector<1x1024xf32>
    %broadcast_in_dim3A_1397 = vector.broadcast %broadcast_in_dim3A_1396 : vector<1x1024xf32> to vector<256x1024xf32>
    %broadcast_in_dim3A_1398 = vector.broadcast %jit3A_1395 : f32 to vector<256x1024xf32>
    %select_n3A_1399 = arith.select %eq3A_1394, %broadcast_in_dim3A_1397, %broadcast_in_dim3A_1398 : vector<256x1024xi1>, vector<256x1024xf32>
    %reduce_sum3A_1400 = arith.constant dense<0.000000e+00> : vector<256xf32>
    %reduce_sum3A_1401 = vector.multi_reduction <add>, %select_n3A_1399, %reduce_sum3A_1400 [1] : vector<256x1024xf32> to vector<256xf32>
    %broadcast_in_dim3A_1402 = vector.shape_cast %reduce_sum3A_1401 : vector<256xf32> to vector<256x1xf32>
    %jit3A_1403 = arith.constant 0.000000e+00 : f32
    %broadcast_in_dim3A_1404 = vector.shape_cast %get3A_23 : vector<1x1024xf32> to vector<1x1024xf32>
    %broadcast_in_dim3A_1405 = vector.broadcast %broadcast_in_dim3A_1404 : vector<1x1024xf32> to vector<256x1024xf32>
    %broadcast_in_dim3A_1406 = vector.broadcast %jit3A_1403 : f32 to vector<256x1024xf32>
    %select_n3A_1407 = arith.select %eq3A_1394, %broadcast_in_dim3A_1405, %broadcast_in_dim3A_1406 : vector<256x1024xi1>, vector<256x1024xf32>
    %reduce_sum3A_1408 = arith.constant dense<0.000000e+00> : vector<256xf32>
    %reduce_sum3A_1409 = vector.multi_reduction <add>, %select_n3A_1407, %reduce_sum3A_1408 [1] : vector<256x1024xf32> to vector<256xf32>
    %broadcast_in_dim3A_1410 = vector.shape_cast %reduce_sum3A_1409 : vector<256xf32> to vector<256x1xf32>
    %jit3A_1411 = arith.constant 0.000000e+00 : f32
    %broadcast_in_dim3A_1412 = vector.shape_cast %get3A_28 : vector<1x1024xf32> to vector<1x1024xf32>
    %broadcast_in_dim3A_1413 = vector.broadcast %broadcast_in_dim3A_1412 : vector<1x1024xf32> to vector<256x1024xf32>
    %broadcast_in_dim3A_1414 = vector.broadcast %jit3A_1411 : f32 to vector<256x1024xf32>
    %select_n3A_1415 = arith.select %eq3A_1394, %broadcast_in_dim3A_1413, %broadcast_in_dim3A_1414 : vector<256x1024xi1>, vector<256x1024xf32>
    %reduce_sum3A_1416 = arith.constant dense<0.000000e+00> : vector<256xf32>
    %reduce_sum3A_1417 = vector.multi_reduction <add>, %select_n3A_1415, %reduce_sum3A_1416 [1] : vector<256x1024xf32> to vector<256xf32>
    %broadcast_in_dim3A_1418 = vector.shape_cast %reduce_sum3A_1417 : vector<256xf32> to vector<256x1xf32>
    %jit3A_1419 = arith.constant 1.000000e+30 : f32
    %broadcast_in_dim3A_1420 = vector.broadcast %jit3A_1419 : f32 to vector<256x1024xf32>
    %select_n3A_1421 = arith.select %eq3A_1394, %broadcast_in_dim3A_1420, %select_n3A_1363 : vector<256x1024xi1>, vector<256x1024xf32>
    %eq3A_1422 = arith.constant 23 : i32
    %eq3A_1423 = vector.broadcast %eq3A_1422 : i32 to vector<256x32xi32>
    %eq3A_1424 = arith.cmpi eq, %iota3A_43, %eq3A_1423 : vector<256x32xi32>
    %broadcast_in_dim3A_1425 = vector.shape_cast %broadcast_in_dim3A_1392 : vector<256x1xf32> to vector<256x1xf32>
    %broadcast_in_dim3A_1426 = vector.broadcast %broadcast_in_dim3A_1425 : vector<256x1xf32> to vector<256x32xf32>
    %select_n3A_1427 = arith.select %eq3A_1424, %broadcast_in_dim3A_1426, %select_n3A_1369 : vector<256x32xi1>, vector<256x32xf32>
    %broadcast_in_dim3A_1428 = vector.shape_cast %broadcast_in_dim3A_1384 : vector<256x1xf32> to vector<256x1xf32>
    %broadcast_in_dim3A_1429 = vector.broadcast %broadcast_in_dim3A_1428 : vector<256x1xf32> to vector<256x32xf32>
    %select_n3A_1430 = arith.select %eq3A_1424, %broadcast_in_dim3A_1429, %select_n3A_1372 : vector<256x32xi1>, vector<256x32xf32>
    %broadcast_in_dim3A_1431 = vector.shape_cast %broadcast_in_dim3A_1402 : vector<256x1xf32> to vector<256x1xf32>
    %broadcast_in_dim3A_1432 = vector.broadcast %broadcast_in_dim3A_1431 : vector<256x1xf32> to vector<256x32xf32>
    %select_n3A_1433 = arith.select %eq3A_1424, %broadcast_in_dim3A_1432, %select_n3A_1375 : vector<256x32xi1>, vector<256x32xf32>
    %broadcast_in_dim3A_1434 = vector.shape_cast %broadcast_in_dim3A_1410 : vector<256x1xf32> to vector<256x1xf32>
    %broadcast_in_dim3A_1435 = vector.broadcast %broadcast_in_dim3A_1434 : vector<256x1xf32> to vector<256x32xf32>
    %select_n3A_1436 = arith.select %eq3A_1424, %broadcast_in_dim3A_1435, %select_n3A_1378 : vector<256x32xi1>, vector<256x32xf32>
    %broadcast_in_dim3A_1437 = vector.shape_cast %broadcast_in_dim3A_1418 : vector<256x1xf32> to vector<256x1xf32>
    %broadcast_in_dim3A_1438 = vector.broadcast %broadcast_in_dim3A_1437 : vector<256x1xf32> to vector<256x32xf32>
    %select_n3A_1439 = arith.select %eq3A_1424, %broadcast_in_dim3A_1438, %select_n3A_1381 : vector<256x32xi1>, vector<256x32xf32>
    %reduce_min3A_1440 = arith.constant dense<0x7F800000> : vector<256xf32>
    %reduce_min3A_1441 = vector.multi_reduction <minimumf>, %select_n3A_1421, %reduce_min3A_1440 [1] : vector<256x1024xf32> to vector<256xf32>
    %broadcast_in_dim3A_1442 = vector.shape_cast %reduce_min3A_1441 : vector<256xf32> to vector<256x1xf32>
    %eq3A_1443 = vector.broadcast %broadcast_in_dim3A_1442 : vector<256x1xf32> to vector<256x1024xf32>
    %eq3A_1444 = arith.cmpf oeq, %select_n3A_1421, %eq3A_1443 : vector<256x1024xf32>
    %jit3A_1445 = arith.constant 1.024000e+03 : f32
    %broadcast_in_dim3A_1446 = vector.broadcast %jit3A_1445 : f32 to vector<256x1024xf32>
    %select_n3A_1447 = arith.select %eq3A_1444, %convert_element_type3A, %broadcast_in_dim3A_1446 : vector<256x1024xi1>, vector<256x1024xf32>
    %reduce_min3A_1448 = arith.constant dense<0x7F800000> : vector<256xf32>
    %reduce_min3A_1449 = vector.multi_reduction <minimumf>, %select_n3A_1447, %reduce_min3A_1448 [1] : vector<256x1024xf32> to vector<256xf32>
    %broadcast_in_dim3A_1450 = vector.shape_cast %reduce_min3A_1449 : vector<256xf32> to vector<256x1xf32>
    %eq3A_1451 = vector.broadcast %broadcast_in_dim3A_1450 : vector<256x1xf32> to vector<256x1024xf32>
    %eq3A_1452 = arith.cmpf oeq, %convert_element_type3A, %eq3A_1451 : vector<256x1024xf32>
    %jit3A_1453 = arith.constant 0.000000e+00 : f32
    %broadcast_in_dim3A_1454 = vector.shape_cast %get3A_18 : vector<1x1024xf32> to vector<1x1024xf32>
    %broadcast_in_dim3A_1455 = vector.broadcast %broadcast_in_dim3A_1454 : vector<1x1024xf32> to vector<256x1024xf32>
    %broadcast_in_dim3A_1456 = vector.broadcast %jit3A_1453 : f32 to vector<256x1024xf32>
    %select_n3A_1457 = arith.select %eq3A_1452, %broadcast_in_dim3A_1455, %broadcast_in_dim3A_1456 : vector<256x1024xi1>, vector<256x1024xf32>
    %reduce_sum3A_1458 = arith.constant dense<0.000000e+00> : vector<256xf32>
    %reduce_sum3A_1459 = vector.multi_reduction <add>, %select_n3A_1457, %reduce_sum3A_1458 [1] : vector<256x1024xf32> to vector<256xf32>
    %broadcast_in_dim3A_1460 = vector.shape_cast %reduce_sum3A_1459 : vector<256xf32> to vector<256x1xf32>
    %jit3A_1461 = arith.constant 0.000000e+00 : f32
    %broadcast_in_dim3A_1462 = vector.shape_cast %get3A_23 : vector<1x1024xf32> to vector<1x1024xf32>
    %broadcast_in_dim3A_1463 = vector.broadcast %broadcast_in_dim3A_1462 : vector<1x1024xf32> to vector<256x1024xf32>
    %broadcast_in_dim3A_1464 = vector.broadcast %jit3A_1461 : f32 to vector<256x1024xf32>
    %select_n3A_1465 = arith.select %eq3A_1452, %broadcast_in_dim3A_1463, %broadcast_in_dim3A_1464 : vector<256x1024xi1>, vector<256x1024xf32>
    %reduce_sum3A_1466 = arith.constant dense<0.000000e+00> : vector<256xf32>
    %reduce_sum3A_1467 = vector.multi_reduction <add>, %select_n3A_1465, %reduce_sum3A_1466 [1] : vector<256x1024xf32> to vector<256xf32>
    %broadcast_in_dim3A_1468 = vector.shape_cast %reduce_sum3A_1467 : vector<256xf32> to vector<256x1xf32>
    %jit3A_1469 = arith.constant 0.000000e+00 : f32
    %broadcast_in_dim3A_1470 = vector.shape_cast %get3A_28 : vector<1x1024xf32> to vector<1x1024xf32>
    %broadcast_in_dim3A_1471 = vector.broadcast %broadcast_in_dim3A_1470 : vector<1x1024xf32> to vector<256x1024xf32>
    %broadcast_in_dim3A_1472 = vector.broadcast %jit3A_1469 : f32 to vector<256x1024xf32>
    %select_n3A_1473 = arith.select %eq3A_1452, %broadcast_in_dim3A_1471, %broadcast_in_dim3A_1472 : vector<256x1024xi1>, vector<256x1024xf32>
    %reduce_sum3A_1474 = arith.constant dense<0.000000e+00> : vector<256xf32>
    %reduce_sum3A_1475 = vector.multi_reduction <add>, %select_n3A_1473, %reduce_sum3A_1474 [1] : vector<256x1024xf32> to vector<256xf32>
    %broadcast_in_dim3A_1476 = vector.shape_cast %reduce_sum3A_1475 : vector<256xf32> to vector<256x1xf32>
    %jit3A_1477 = arith.constant 1.000000e+30 : f32
    %broadcast_in_dim3A_1478 = vector.broadcast %jit3A_1477 : f32 to vector<256x1024xf32>
    %select_n3A_1479 = arith.select %eq3A_1452, %broadcast_in_dim3A_1478, %select_n3A_1421 : vector<256x1024xi1>, vector<256x1024xf32>
    %eq3A_1480 = arith.constant 24 : i32
    %eq3A_1481 = vector.broadcast %eq3A_1480 : i32 to vector<256x32xi32>
    %eq3A_1482 = arith.cmpi eq, %iota3A_43, %eq3A_1481 : vector<256x32xi32>
    %broadcast_in_dim3A_1483 = vector.shape_cast %broadcast_in_dim3A_1450 : vector<256x1xf32> to vector<256x1xf32>
    %broadcast_in_dim3A_1484 = vector.broadcast %broadcast_in_dim3A_1483 : vector<256x1xf32> to vector<256x32xf32>
    %select_n3A_1485 = arith.select %eq3A_1482, %broadcast_in_dim3A_1484, %select_n3A_1427 : vector<256x32xi1>, vector<256x32xf32>
    %broadcast_in_dim3A_1486 = vector.shape_cast %broadcast_in_dim3A_1442 : vector<256x1xf32> to vector<256x1xf32>
    %broadcast_in_dim3A_1487 = vector.broadcast %broadcast_in_dim3A_1486 : vector<256x1xf32> to vector<256x32xf32>
    %select_n3A_1488 = arith.select %eq3A_1482, %broadcast_in_dim3A_1487, %select_n3A_1430 : vector<256x32xi1>, vector<256x32xf32>
    %broadcast_in_dim3A_1489 = vector.shape_cast %broadcast_in_dim3A_1460 : vector<256x1xf32> to vector<256x1xf32>
    %broadcast_in_dim3A_1490 = vector.broadcast %broadcast_in_dim3A_1489 : vector<256x1xf32> to vector<256x32xf32>
    %select_n3A_1491 = arith.select %eq3A_1482, %broadcast_in_dim3A_1490, %select_n3A_1433 : vector<256x32xi1>, vector<256x32xf32>
    %broadcast_in_dim3A_1492 = vector.shape_cast %broadcast_in_dim3A_1468 : vector<256x1xf32> to vector<256x1xf32>
    %broadcast_in_dim3A_1493 = vector.broadcast %broadcast_in_dim3A_1492 : vector<256x1xf32> to vector<256x32xf32>
    %select_n3A_1494 = arith.select %eq3A_1482, %broadcast_in_dim3A_1493, %select_n3A_1436 : vector<256x32xi1>, vector<256x32xf32>
    %broadcast_in_dim3A_1495 = vector.shape_cast %broadcast_in_dim3A_1476 : vector<256x1xf32> to vector<256x1xf32>
    %broadcast_in_dim3A_1496 = vector.broadcast %broadcast_in_dim3A_1495 : vector<256x1xf32> to vector<256x32xf32>
    %select_n3A_1497 = arith.select %eq3A_1482, %broadcast_in_dim3A_1496, %select_n3A_1439 : vector<256x32xi1>, vector<256x32xf32>
    %reduce_min3A_1498 = arith.constant dense<0x7F800000> : vector<256xf32>
    %reduce_min3A_1499 = vector.multi_reduction <minimumf>, %select_n3A_1479, %reduce_min3A_1498 [1] : vector<256x1024xf32> to vector<256xf32>
    %broadcast_in_dim3A_1500 = vector.shape_cast %reduce_min3A_1499 : vector<256xf32> to vector<256x1xf32>
    %eq3A_1501 = vector.broadcast %broadcast_in_dim3A_1500 : vector<256x1xf32> to vector<256x1024xf32>
    %eq3A_1502 = arith.cmpf oeq, %select_n3A_1479, %eq3A_1501 : vector<256x1024xf32>
    %jit3A_1503 = arith.constant 1.024000e+03 : f32
    %broadcast_in_dim3A_1504 = vector.broadcast %jit3A_1503 : f32 to vector<256x1024xf32>
    %select_n3A_1505 = arith.select %eq3A_1502, %convert_element_type3A, %broadcast_in_dim3A_1504 : vector<256x1024xi1>, vector<256x1024xf32>
    %reduce_min3A_1506 = arith.constant dense<0x7F800000> : vector<256xf32>
    %reduce_min3A_1507 = vector.multi_reduction <minimumf>, %select_n3A_1505, %reduce_min3A_1506 [1] : vector<256x1024xf32> to vector<256xf32>
    %broadcast_in_dim3A_1508 = vector.shape_cast %reduce_min3A_1507 : vector<256xf32> to vector<256x1xf32>
    %eq3A_1509 = vector.broadcast %broadcast_in_dim3A_1508 : vector<256x1xf32> to vector<256x1024xf32>
    %eq3A_1510 = arith.cmpf oeq, %convert_element_type3A, %eq3A_1509 : vector<256x1024xf32>
    %jit3A_1511 = arith.constant 0.000000e+00 : f32
    %broadcast_in_dim3A_1512 = vector.shape_cast %get3A_18 : vector<1x1024xf32> to vector<1x1024xf32>
    %broadcast_in_dim3A_1513 = vector.broadcast %broadcast_in_dim3A_1512 : vector<1x1024xf32> to vector<256x1024xf32>
    %broadcast_in_dim3A_1514 = vector.broadcast %jit3A_1511 : f32 to vector<256x1024xf32>
    %select_n3A_1515 = arith.select %eq3A_1510, %broadcast_in_dim3A_1513, %broadcast_in_dim3A_1514 : vector<256x1024xi1>, vector<256x1024xf32>
    %reduce_sum3A_1516 = arith.constant dense<0.000000e+00> : vector<256xf32>
    %reduce_sum3A_1517 = vector.multi_reduction <add>, %select_n3A_1515, %reduce_sum3A_1516 [1] : vector<256x1024xf32> to vector<256xf32>
    %broadcast_in_dim3A_1518 = vector.shape_cast %reduce_sum3A_1517 : vector<256xf32> to vector<256x1xf32>
    %jit3A_1519 = arith.constant 0.000000e+00 : f32
    %broadcast_in_dim3A_1520 = vector.shape_cast %get3A_23 : vector<1x1024xf32> to vector<1x1024xf32>
    %broadcast_in_dim3A_1521 = vector.broadcast %broadcast_in_dim3A_1520 : vector<1x1024xf32> to vector<256x1024xf32>
    %broadcast_in_dim3A_1522 = vector.broadcast %jit3A_1519 : f32 to vector<256x1024xf32>
    %select_n3A_1523 = arith.select %eq3A_1510, %broadcast_in_dim3A_1521, %broadcast_in_dim3A_1522 : vector<256x1024xi1>, vector<256x1024xf32>
    %reduce_sum3A_1524 = arith.constant dense<0.000000e+00> : vector<256xf32>
    %reduce_sum3A_1525 = vector.multi_reduction <add>, %select_n3A_1523, %reduce_sum3A_1524 [1] : vector<256x1024xf32> to vector<256xf32>
    %broadcast_in_dim3A_1526 = vector.shape_cast %reduce_sum3A_1525 : vector<256xf32> to vector<256x1xf32>
    %jit3A_1527 = arith.constant 0.000000e+00 : f32
    %broadcast_in_dim3A_1528 = vector.shape_cast %get3A_28 : vector<1x1024xf32> to vector<1x1024xf32>
    %broadcast_in_dim3A_1529 = vector.broadcast %broadcast_in_dim3A_1528 : vector<1x1024xf32> to vector<256x1024xf32>
    %broadcast_in_dim3A_1530 = vector.broadcast %jit3A_1527 : f32 to vector<256x1024xf32>
    %select_n3A_1531 = arith.select %eq3A_1510, %broadcast_in_dim3A_1529, %broadcast_in_dim3A_1530 : vector<256x1024xi1>, vector<256x1024xf32>
    %reduce_sum3A_1532 = arith.constant dense<0.000000e+00> : vector<256xf32>
    %reduce_sum3A_1533 = vector.multi_reduction <add>, %select_n3A_1531, %reduce_sum3A_1532 [1] : vector<256x1024xf32> to vector<256xf32>
    %broadcast_in_dim3A_1534 = vector.shape_cast %reduce_sum3A_1533 : vector<256xf32> to vector<256x1xf32>
    %jit3A_1535 = arith.constant 1.000000e+30 : f32
    %broadcast_in_dim3A_1536 = vector.broadcast %jit3A_1535 : f32 to vector<256x1024xf32>
    %select_n3A_1537 = arith.select %eq3A_1510, %broadcast_in_dim3A_1536, %select_n3A_1479 : vector<256x1024xi1>, vector<256x1024xf32>
    %eq3A_1538 = arith.constant 25 : i32
    %eq3A_1539 = vector.broadcast %eq3A_1538 : i32 to vector<256x32xi32>
    %eq3A_1540 = arith.cmpi eq, %iota3A_43, %eq3A_1539 : vector<256x32xi32>
    %broadcast_in_dim3A_1541 = vector.shape_cast %broadcast_in_dim3A_1508 : vector<256x1xf32> to vector<256x1xf32>
    %broadcast_in_dim3A_1542 = vector.broadcast %broadcast_in_dim3A_1541 : vector<256x1xf32> to vector<256x32xf32>
    %select_n3A_1543 = arith.select %eq3A_1540, %broadcast_in_dim3A_1542, %select_n3A_1485 : vector<256x32xi1>, vector<256x32xf32>
    %broadcast_in_dim3A_1544 = vector.shape_cast %broadcast_in_dim3A_1500 : vector<256x1xf32> to vector<256x1xf32>
    %broadcast_in_dim3A_1545 = vector.broadcast %broadcast_in_dim3A_1544 : vector<256x1xf32> to vector<256x32xf32>
    %select_n3A_1546 = arith.select %eq3A_1540, %broadcast_in_dim3A_1545, %select_n3A_1488 : vector<256x32xi1>, vector<256x32xf32>
    %broadcast_in_dim3A_1547 = vector.shape_cast %broadcast_in_dim3A_1518 : vector<256x1xf32> to vector<256x1xf32>
    %broadcast_in_dim3A_1548 = vector.broadcast %broadcast_in_dim3A_1547 : vector<256x1xf32> to vector<256x32xf32>
    %select_n3A_1549 = arith.select %eq3A_1540, %broadcast_in_dim3A_1548, %select_n3A_1491 : vector<256x32xi1>, vector<256x32xf32>
    %broadcast_in_dim3A_1550 = vector.shape_cast %broadcast_in_dim3A_1526 : vector<256x1xf32> to vector<256x1xf32>
    %broadcast_in_dim3A_1551 = vector.broadcast %broadcast_in_dim3A_1550 : vector<256x1xf32> to vector<256x32xf32>
    %select_n3A_1552 = arith.select %eq3A_1540, %broadcast_in_dim3A_1551, %select_n3A_1494 : vector<256x32xi1>, vector<256x32xf32>
    %broadcast_in_dim3A_1553 = vector.shape_cast %broadcast_in_dim3A_1534 : vector<256x1xf32> to vector<256x1xf32>
    %broadcast_in_dim3A_1554 = vector.broadcast %broadcast_in_dim3A_1553 : vector<256x1xf32> to vector<256x32xf32>
    %select_n3A_1555 = arith.select %eq3A_1540, %broadcast_in_dim3A_1554, %select_n3A_1497 : vector<256x32xi1>, vector<256x32xf32>
    %reduce_min3A_1556 = arith.constant dense<0x7F800000> : vector<256xf32>
    %reduce_min3A_1557 = vector.multi_reduction <minimumf>, %select_n3A_1537, %reduce_min3A_1556 [1] : vector<256x1024xf32> to vector<256xf32>
    %broadcast_in_dim3A_1558 = vector.shape_cast %reduce_min3A_1557 : vector<256xf32> to vector<256x1xf32>
    %eq3A_1559 = vector.broadcast %broadcast_in_dim3A_1558 : vector<256x1xf32> to vector<256x1024xf32>
    %eq3A_1560 = arith.cmpf oeq, %select_n3A_1537, %eq3A_1559 : vector<256x1024xf32>
    %jit3A_1561 = arith.constant 1.024000e+03 : f32
    %broadcast_in_dim3A_1562 = vector.broadcast %jit3A_1561 : f32 to vector<256x1024xf32>
    %select_n3A_1563 = arith.select %eq3A_1560, %convert_element_type3A, %broadcast_in_dim3A_1562 : vector<256x1024xi1>, vector<256x1024xf32>
    %reduce_min3A_1564 = arith.constant dense<0x7F800000> : vector<256xf32>
    %reduce_min3A_1565 = vector.multi_reduction <minimumf>, %select_n3A_1563, %reduce_min3A_1564 [1] : vector<256x1024xf32> to vector<256xf32>
    %broadcast_in_dim3A_1566 = vector.shape_cast %reduce_min3A_1565 : vector<256xf32> to vector<256x1xf32>
    %eq3A_1567 = vector.broadcast %broadcast_in_dim3A_1566 : vector<256x1xf32> to vector<256x1024xf32>
    %eq3A_1568 = arith.cmpf oeq, %convert_element_type3A, %eq3A_1567 : vector<256x1024xf32>
    %jit3A_1569 = arith.constant 0.000000e+00 : f32
    %broadcast_in_dim3A_1570 = vector.shape_cast %get3A_18 : vector<1x1024xf32> to vector<1x1024xf32>
    %broadcast_in_dim3A_1571 = vector.broadcast %broadcast_in_dim3A_1570 : vector<1x1024xf32> to vector<256x1024xf32>
    %broadcast_in_dim3A_1572 = vector.broadcast %jit3A_1569 : f32 to vector<256x1024xf32>
    %select_n3A_1573 = arith.select %eq3A_1568, %broadcast_in_dim3A_1571, %broadcast_in_dim3A_1572 : vector<256x1024xi1>, vector<256x1024xf32>
    %reduce_sum3A_1574 = arith.constant dense<0.000000e+00> : vector<256xf32>
    %reduce_sum3A_1575 = vector.multi_reduction <add>, %select_n3A_1573, %reduce_sum3A_1574 [1] : vector<256x1024xf32> to vector<256xf32>
    %broadcast_in_dim3A_1576 = vector.shape_cast %reduce_sum3A_1575 : vector<256xf32> to vector<256x1xf32>
    %jit3A_1577 = arith.constant 0.000000e+00 : f32
    %broadcast_in_dim3A_1578 = vector.shape_cast %get3A_23 : vector<1x1024xf32> to vector<1x1024xf32>
    %broadcast_in_dim3A_1579 = vector.broadcast %broadcast_in_dim3A_1578 : vector<1x1024xf32> to vector<256x1024xf32>
    %broadcast_in_dim3A_1580 = vector.broadcast %jit3A_1577 : f32 to vector<256x1024xf32>
    %select_n3A_1581 = arith.select %eq3A_1568, %broadcast_in_dim3A_1579, %broadcast_in_dim3A_1580 : vector<256x1024xi1>, vector<256x1024xf32>
    %reduce_sum3A_1582 = arith.constant dense<0.000000e+00> : vector<256xf32>
    %reduce_sum3A_1583 = vector.multi_reduction <add>, %select_n3A_1581, %reduce_sum3A_1582 [1] : vector<256x1024xf32> to vector<256xf32>
    %broadcast_in_dim3A_1584 = vector.shape_cast %reduce_sum3A_1583 : vector<256xf32> to vector<256x1xf32>
    %jit3A_1585 = arith.constant 0.000000e+00 : f32
    %broadcast_in_dim3A_1586 = vector.shape_cast %get3A_28 : vector<1x1024xf32> to vector<1x1024xf32>
    %broadcast_in_dim3A_1587 = vector.broadcast %broadcast_in_dim3A_1586 : vector<1x1024xf32> to vector<256x1024xf32>
    %broadcast_in_dim3A_1588 = vector.broadcast %jit3A_1585 : f32 to vector<256x1024xf32>
    %select_n3A_1589 = arith.select %eq3A_1568, %broadcast_in_dim3A_1587, %broadcast_in_dim3A_1588 : vector<256x1024xi1>, vector<256x1024xf32>
    %reduce_sum3A_1590 = arith.constant dense<0.000000e+00> : vector<256xf32>
    %reduce_sum3A_1591 = vector.multi_reduction <add>, %select_n3A_1589, %reduce_sum3A_1590 [1] : vector<256x1024xf32> to vector<256xf32>
    %broadcast_in_dim3A_1592 = vector.shape_cast %reduce_sum3A_1591 : vector<256xf32> to vector<256x1xf32>
    %jit3A_1593 = arith.constant 1.000000e+30 : f32
    %broadcast_in_dim3A_1594 = vector.broadcast %jit3A_1593 : f32 to vector<256x1024xf32>
    %select_n3A_1595 = arith.select %eq3A_1568, %broadcast_in_dim3A_1594, %select_n3A_1537 : vector<256x1024xi1>, vector<256x1024xf32>
    %eq3A_1596 = arith.constant 26 : i32
    %eq3A_1597 = vector.broadcast %eq3A_1596 : i32 to vector<256x32xi32>
    %eq3A_1598 = arith.cmpi eq, %iota3A_43, %eq3A_1597 : vector<256x32xi32>
    %broadcast_in_dim3A_1599 = vector.shape_cast %broadcast_in_dim3A_1566 : vector<256x1xf32> to vector<256x1xf32>
    %broadcast_in_dim3A_1600 = vector.broadcast %broadcast_in_dim3A_1599 : vector<256x1xf32> to vector<256x32xf32>
    %select_n3A_1601 = arith.select %eq3A_1598, %broadcast_in_dim3A_1600, %select_n3A_1543 : vector<256x32xi1>, vector<256x32xf32>
    %broadcast_in_dim3A_1602 = vector.shape_cast %broadcast_in_dim3A_1558 : vector<256x1xf32> to vector<256x1xf32>
    %broadcast_in_dim3A_1603 = vector.broadcast %broadcast_in_dim3A_1602 : vector<256x1xf32> to vector<256x32xf32>
    %select_n3A_1604 = arith.select %eq3A_1598, %broadcast_in_dim3A_1603, %select_n3A_1546 : vector<256x32xi1>, vector<256x32xf32>
    %broadcast_in_dim3A_1605 = vector.shape_cast %broadcast_in_dim3A_1576 : vector<256x1xf32> to vector<256x1xf32>
    %broadcast_in_dim3A_1606 = vector.broadcast %broadcast_in_dim3A_1605 : vector<256x1xf32> to vector<256x32xf32>
    %select_n3A_1607 = arith.select %eq3A_1598, %broadcast_in_dim3A_1606, %select_n3A_1549 : vector<256x32xi1>, vector<256x32xf32>
    %broadcast_in_dim3A_1608 = vector.shape_cast %broadcast_in_dim3A_1584 : vector<256x1xf32> to vector<256x1xf32>
    %broadcast_in_dim3A_1609 = vector.broadcast %broadcast_in_dim3A_1608 : vector<256x1xf32> to vector<256x32xf32>
    %select_n3A_1610 = arith.select %eq3A_1598, %broadcast_in_dim3A_1609, %select_n3A_1552 : vector<256x32xi1>, vector<256x32xf32>
    %broadcast_in_dim3A_1611 = vector.shape_cast %broadcast_in_dim3A_1592 : vector<256x1xf32> to vector<256x1xf32>
    %broadcast_in_dim3A_1612 = vector.broadcast %broadcast_in_dim3A_1611 : vector<256x1xf32> to vector<256x32xf32>
    %select_n3A_1613 = arith.select %eq3A_1598, %broadcast_in_dim3A_1612, %select_n3A_1555 : vector<256x32xi1>, vector<256x32xf32>
    %reduce_min3A_1614 = arith.constant dense<0x7F800000> : vector<256xf32>
    %reduce_min3A_1615 = vector.multi_reduction <minimumf>, %select_n3A_1595, %reduce_min3A_1614 [1] : vector<256x1024xf32> to vector<256xf32>
    %broadcast_in_dim3A_1616 = vector.shape_cast %reduce_min3A_1615 : vector<256xf32> to vector<256x1xf32>
    %eq3A_1617 = vector.broadcast %broadcast_in_dim3A_1616 : vector<256x1xf32> to vector<256x1024xf32>
    %eq3A_1618 = arith.cmpf oeq, %select_n3A_1595, %eq3A_1617 : vector<256x1024xf32>
    %jit3A_1619 = arith.constant 1.024000e+03 : f32
    %broadcast_in_dim3A_1620 = vector.broadcast %jit3A_1619 : f32 to vector<256x1024xf32>
    %select_n3A_1621 = arith.select %eq3A_1618, %convert_element_type3A, %broadcast_in_dim3A_1620 : vector<256x1024xi1>, vector<256x1024xf32>
    %reduce_min3A_1622 = arith.constant dense<0x7F800000> : vector<256xf32>
    %reduce_min3A_1623 = vector.multi_reduction <minimumf>, %select_n3A_1621, %reduce_min3A_1622 [1] : vector<256x1024xf32> to vector<256xf32>
    %broadcast_in_dim3A_1624 = vector.shape_cast %reduce_min3A_1623 : vector<256xf32> to vector<256x1xf32>
    %eq3A_1625 = vector.broadcast %broadcast_in_dim3A_1624 : vector<256x1xf32> to vector<256x1024xf32>
    %eq3A_1626 = arith.cmpf oeq, %convert_element_type3A, %eq3A_1625 : vector<256x1024xf32>
    %jit3A_1627 = arith.constant 0.000000e+00 : f32
    %broadcast_in_dim3A_1628 = vector.shape_cast %get3A_18 : vector<1x1024xf32> to vector<1x1024xf32>
    %broadcast_in_dim3A_1629 = vector.broadcast %broadcast_in_dim3A_1628 : vector<1x1024xf32> to vector<256x1024xf32>
    %broadcast_in_dim3A_1630 = vector.broadcast %jit3A_1627 : f32 to vector<256x1024xf32>
    %select_n3A_1631 = arith.select %eq3A_1626, %broadcast_in_dim3A_1629, %broadcast_in_dim3A_1630 : vector<256x1024xi1>, vector<256x1024xf32>
    %reduce_sum3A_1632 = arith.constant dense<0.000000e+00> : vector<256xf32>
    %reduce_sum3A_1633 = vector.multi_reduction <add>, %select_n3A_1631, %reduce_sum3A_1632 [1] : vector<256x1024xf32> to vector<256xf32>
    %broadcast_in_dim3A_1634 = vector.shape_cast %reduce_sum3A_1633 : vector<256xf32> to vector<256x1xf32>
    %jit3A_1635 = arith.constant 0.000000e+00 : f32
    %broadcast_in_dim3A_1636 = vector.shape_cast %get3A_23 : vector<1x1024xf32> to vector<1x1024xf32>
    %broadcast_in_dim3A_1637 = vector.broadcast %broadcast_in_dim3A_1636 : vector<1x1024xf32> to vector<256x1024xf32>
    %broadcast_in_dim3A_1638 = vector.broadcast %jit3A_1635 : f32 to vector<256x1024xf32>
    %select_n3A_1639 = arith.select %eq3A_1626, %broadcast_in_dim3A_1637, %broadcast_in_dim3A_1638 : vector<256x1024xi1>, vector<256x1024xf32>
    %reduce_sum3A_1640 = arith.constant dense<0.000000e+00> : vector<256xf32>
    %reduce_sum3A_1641 = vector.multi_reduction <add>, %select_n3A_1639, %reduce_sum3A_1640 [1] : vector<256x1024xf32> to vector<256xf32>
    %broadcast_in_dim3A_1642 = vector.shape_cast %reduce_sum3A_1641 : vector<256xf32> to vector<256x1xf32>
    %jit3A_1643 = arith.constant 0.000000e+00 : f32
    %broadcast_in_dim3A_1644 = vector.shape_cast %get3A_28 : vector<1x1024xf32> to vector<1x1024xf32>
    %broadcast_in_dim3A_1645 = vector.broadcast %broadcast_in_dim3A_1644 : vector<1x1024xf32> to vector<256x1024xf32>
    %broadcast_in_dim3A_1646 = vector.broadcast %jit3A_1643 : f32 to vector<256x1024xf32>
    %select_n3A_1647 = arith.select %eq3A_1626, %broadcast_in_dim3A_1645, %broadcast_in_dim3A_1646 : vector<256x1024xi1>, vector<256x1024xf32>
    %reduce_sum3A_1648 = arith.constant dense<0.000000e+00> : vector<256xf32>
    %reduce_sum3A_1649 = vector.multi_reduction <add>, %select_n3A_1647, %reduce_sum3A_1648 [1] : vector<256x1024xf32> to vector<256xf32>
    %broadcast_in_dim3A_1650 = vector.shape_cast %reduce_sum3A_1649 : vector<256xf32> to vector<256x1xf32>
    %jit3A_1651 = arith.constant 1.000000e+30 : f32
    %broadcast_in_dim3A_1652 = vector.broadcast %jit3A_1651 : f32 to vector<256x1024xf32>
    %select_n3A_1653 = arith.select %eq3A_1626, %broadcast_in_dim3A_1652, %select_n3A_1595 : vector<256x1024xi1>, vector<256x1024xf32>
    %eq3A_1654 = arith.constant 27 : i32
    %eq3A_1655 = vector.broadcast %eq3A_1654 : i32 to vector<256x32xi32>
    %eq3A_1656 = arith.cmpi eq, %iota3A_43, %eq3A_1655 : vector<256x32xi32>
    %broadcast_in_dim3A_1657 = vector.shape_cast %broadcast_in_dim3A_1624 : vector<256x1xf32> to vector<256x1xf32>
    %broadcast_in_dim3A_1658 = vector.broadcast %broadcast_in_dim3A_1657 : vector<256x1xf32> to vector<256x32xf32>
    %select_n3A_1659 = arith.select %eq3A_1656, %broadcast_in_dim3A_1658, %select_n3A_1601 : vector<256x32xi1>, vector<256x32xf32>
    %broadcast_in_dim3A_1660 = vector.shape_cast %broadcast_in_dim3A_1616 : vector<256x1xf32> to vector<256x1xf32>
    %broadcast_in_dim3A_1661 = vector.broadcast %broadcast_in_dim3A_1660 : vector<256x1xf32> to vector<256x32xf32>
    %select_n3A_1662 = arith.select %eq3A_1656, %broadcast_in_dim3A_1661, %select_n3A_1604 : vector<256x32xi1>, vector<256x32xf32>
    %broadcast_in_dim3A_1663 = vector.shape_cast %broadcast_in_dim3A_1634 : vector<256x1xf32> to vector<256x1xf32>
    %broadcast_in_dim3A_1664 = vector.broadcast %broadcast_in_dim3A_1663 : vector<256x1xf32> to vector<256x32xf32>
    %select_n3A_1665 = arith.select %eq3A_1656, %broadcast_in_dim3A_1664, %select_n3A_1607 : vector<256x32xi1>, vector<256x32xf32>
    %broadcast_in_dim3A_1666 = vector.shape_cast %broadcast_in_dim3A_1642 : vector<256x1xf32> to vector<256x1xf32>
    %broadcast_in_dim3A_1667 = vector.broadcast %broadcast_in_dim3A_1666 : vector<256x1xf32> to vector<256x32xf32>
    %select_n3A_1668 = arith.select %eq3A_1656, %broadcast_in_dim3A_1667, %select_n3A_1610 : vector<256x32xi1>, vector<256x32xf32>
    %broadcast_in_dim3A_1669 = vector.shape_cast %broadcast_in_dim3A_1650 : vector<256x1xf32> to vector<256x1xf32>
    %broadcast_in_dim3A_1670 = vector.broadcast %broadcast_in_dim3A_1669 : vector<256x1xf32> to vector<256x32xf32>
    %select_n3A_1671 = arith.select %eq3A_1656, %broadcast_in_dim3A_1670, %select_n3A_1613 : vector<256x32xi1>, vector<256x32xf32>
    %reduce_min3A_1672 = arith.constant dense<0x7F800000> : vector<256xf32>
    %reduce_min3A_1673 = vector.multi_reduction <minimumf>, %select_n3A_1653, %reduce_min3A_1672 [1] : vector<256x1024xf32> to vector<256xf32>
    %broadcast_in_dim3A_1674 = vector.shape_cast %reduce_min3A_1673 : vector<256xf32> to vector<256x1xf32>
    %eq3A_1675 = vector.broadcast %broadcast_in_dim3A_1674 : vector<256x1xf32> to vector<256x1024xf32>
    %eq3A_1676 = arith.cmpf oeq, %select_n3A_1653, %eq3A_1675 : vector<256x1024xf32>
    %jit3A_1677 = arith.constant 1.024000e+03 : f32
    %broadcast_in_dim3A_1678 = vector.broadcast %jit3A_1677 : f32 to vector<256x1024xf32>
    %select_n3A_1679 = arith.select %eq3A_1676, %convert_element_type3A, %broadcast_in_dim3A_1678 : vector<256x1024xi1>, vector<256x1024xf32>
    %reduce_min3A_1680 = arith.constant dense<0x7F800000> : vector<256xf32>
    %reduce_min3A_1681 = vector.multi_reduction <minimumf>, %select_n3A_1679, %reduce_min3A_1680 [1] : vector<256x1024xf32> to vector<256xf32>
    %broadcast_in_dim3A_1682 = vector.shape_cast %reduce_min3A_1681 : vector<256xf32> to vector<256x1xf32>
    %eq3A_1683 = vector.broadcast %broadcast_in_dim3A_1682 : vector<256x1xf32> to vector<256x1024xf32>
    %eq3A_1684 = arith.cmpf oeq, %convert_element_type3A, %eq3A_1683 : vector<256x1024xf32>
    %jit3A_1685 = arith.constant 0.000000e+00 : f32
    %broadcast_in_dim3A_1686 = vector.shape_cast %get3A_18 : vector<1x1024xf32> to vector<1x1024xf32>
    %broadcast_in_dim3A_1687 = vector.broadcast %broadcast_in_dim3A_1686 : vector<1x1024xf32> to vector<256x1024xf32>
    %broadcast_in_dim3A_1688 = vector.broadcast %jit3A_1685 : f32 to vector<256x1024xf32>
    %select_n3A_1689 = arith.select %eq3A_1684, %broadcast_in_dim3A_1687, %broadcast_in_dim3A_1688 : vector<256x1024xi1>, vector<256x1024xf32>
    %reduce_sum3A_1690 = arith.constant dense<0.000000e+00> : vector<256xf32>
    %reduce_sum3A_1691 = vector.multi_reduction <add>, %select_n3A_1689, %reduce_sum3A_1690 [1] : vector<256x1024xf32> to vector<256xf32>
    %broadcast_in_dim3A_1692 = vector.shape_cast %reduce_sum3A_1691 : vector<256xf32> to vector<256x1xf32>
    %jit3A_1693 = arith.constant 0.000000e+00 : f32
    %broadcast_in_dim3A_1694 = vector.shape_cast %get3A_23 : vector<1x1024xf32> to vector<1x1024xf32>
    %broadcast_in_dim3A_1695 = vector.broadcast %broadcast_in_dim3A_1694 : vector<1x1024xf32> to vector<256x1024xf32>
    %broadcast_in_dim3A_1696 = vector.broadcast %jit3A_1693 : f32 to vector<256x1024xf32>
    %select_n3A_1697 = arith.select %eq3A_1684, %broadcast_in_dim3A_1695, %broadcast_in_dim3A_1696 : vector<256x1024xi1>, vector<256x1024xf32>
    %reduce_sum3A_1698 = arith.constant dense<0.000000e+00> : vector<256xf32>
    %reduce_sum3A_1699 = vector.multi_reduction <add>, %select_n3A_1697, %reduce_sum3A_1698 [1] : vector<256x1024xf32> to vector<256xf32>
    %broadcast_in_dim3A_1700 = vector.shape_cast %reduce_sum3A_1699 : vector<256xf32> to vector<256x1xf32>
    %jit3A_1701 = arith.constant 0.000000e+00 : f32
    %broadcast_in_dim3A_1702 = vector.shape_cast %get3A_28 : vector<1x1024xf32> to vector<1x1024xf32>
    %broadcast_in_dim3A_1703 = vector.broadcast %broadcast_in_dim3A_1702 : vector<1x1024xf32> to vector<256x1024xf32>
    %broadcast_in_dim3A_1704 = vector.broadcast %jit3A_1701 : f32 to vector<256x1024xf32>
    %select_n3A_1705 = arith.select %eq3A_1684, %broadcast_in_dim3A_1703, %broadcast_in_dim3A_1704 : vector<256x1024xi1>, vector<256x1024xf32>
    %reduce_sum3A_1706 = arith.constant dense<0.000000e+00> : vector<256xf32>
    %reduce_sum3A_1707 = vector.multi_reduction <add>, %select_n3A_1705, %reduce_sum3A_1706 [1] : vector<256x1024xf32> to vector<256xf32>
    %broadcast_in_dim3A_1708 = vector.shape_cast %reduce_sum3A_1707 : vector<256xf32> to vector<256x1xf32>
    %jit3A_1709 = arith.constant 1.000000e+30 : f32
    %broadcast_in_dim3A_1710 = vector.broadcast %jit3A_1709 : f32 to vector<256x1024xf32>
    %select_n3A_1711 = arith.select %eq3A_1684, %broadcast_in_dim3A_1710, %select_n3A_1653 : vector<256x1024xi1>, vector<256x1024xf32>
    %eq3A_1712 = arith.constant 28 : i32
    %eq3A_1713 = vector.broadcast %eq3A_1712 : i32 to vector<256x32xi32>
    %eq3A_1714 = arith.cmpi eq, %iota3A_43, %eq3A_1713 : vector<256x32xi32>
    %broadcast_in_dim3A_1715 = vector.shape_cast %broadcast_in_dim3A_1682 : vector<256x1xf32> to vector<256x1xf32>
    %broadcast_in_dim3A_1716 = vector.broadcast %broadcast_in_dim3A_1715 : vector<256x1xf32> to vector<256x32xf32>
    %select_n3A_1717 = arith.select %eq3A_1714, %broadcast_in_dim3A_1716, %select_n3A_1659 : vector<256x32xi1>, vector<256x32xf32>
    %broadcast_in_dim3A_1718 = vector.shape_cast %broadcast_in_dim3A_1674 : vector<256x1xf32> to vector<256x1xf32>
    %broadcast_in_dim3A_1719 = vector.broadcast %broadcast_in_dim3A_1718 : vector<256x1xf32> to vector<256x32xf32>
    %select_n3A_1720 = arith.select %eq3A_1714, %broadcast_in_dim3A_1719, %select_n3A_1662 : vector<256x32xi1>, vector<256x32xf32>
    %broadcast_in_dim3A_1721 = vector.shape_cast %broadcast_in_dim3A_1692 : vector<256x1xf32> to vector<256x1xf32>
    %broadcast_in_dim3A_1722 = vector.broadcast %broadcast_in_dim3A_1721 : vector<256x1xf32> to vector<256x32xf32>
    %select_n3A_1723 = arith.select %eq3A_1714, %broadcast_in_dim3A_1722, %select_n3A_1665 : vector<256x32xi1>, vector<256x32xf32>
    %broadcast_in_dim3A_1724 = vector.shape_cast %broadcast_in_dim3A_1700 : vector<256x1xf32> to vector<256x1xf32>
    %broadcast_in_dim3A_1725 = vector.broadcast %broadcast_in_dim3A_1724 : vector<256x1xf32> to vector<256x32xf32>
    %select_n3A_1726 = arith.select %eq3A_1714, %broadcast_in_dim3A_1725, %select_n3A_1668 : vector<256x32xi1>, vector<256x32xf32>
    %broadcast_in_dim3A_1727 = vector.shape_cast %broadcast_in_dim3A_1708 : vector<256x1xf32> to vector<256x1xf32>
    %broadcast_in_dim3A_1728 = vector.broadcast %broadcast_in_dim3A_1727 : vector<256x1xf32> to vector<256x32xf32>
    %select_n3A_1729 = arith.select %eq3A_1714, %broadcast_in_dim3A_1728, %select_n3A_1671 : vector<256x32xi1>, vector<256x32xf32>
    %reduce_min3A_1730 = arith.constant dense<0x7F800000> : vector<256xf32>
    %reduce_min3A_1731 = vector.multi_reduction <minimumf>, %select_n3A_1711, %reduce_min3A_1730 [1] : vector<256x1024xf32> to vector<256xf32>
    %broadcast_in_dim3A_1732 = vector.shape_cast %reduce_min3A_1731 : vector<256xf32> to vector<256x1xf32>
    %eq3A_1733 = vector.broadcast %broadcast_in_dim3A_1732 : vector<256x1xf32> to vector<256x1024xf32>
    %eq3A_1734 = arith.cmpf oeq, %select_n3A_1711, %eq3A_1733 : vector<256x1024xf32>
    %jit3A_1735 = arith.constant 1.024000e+03 : f32
    %broadcast_in_dim3A_1736 = vector.broadcast %jit3A_1735 : f32 to vector<256x1024xf32>
    %select_n3A_1737 = arith.select %eq3A_1734, %convert_element_type3A, %broadcast_in_dim3A_1736 : vector<256x1024xi1>, vector<256x1024xf32>
    %reduce_min3A_1738 = arith.constant dense<0x7F800000> : vector<256xf32>
    %reduce_min3A_1739 = vector.multi_reduction <minimumf>, %select_n3A_1737, %reduce_min3A_1738 [1] : vector<256x1024xf32> to vector<256xf32>
    %broadcast_in_dim3A_1740 = vector.shape_cast %reduce_min3A_1739 : vector<256xf32> to vector<256x1xf32>
    %eq3A_1741 = vector.broadcast %broadcast_in_dim3A_1740 : vector<256x1xf32> to vector<256x1024xf32>
    %eq3A_1742 = arith.cmpf oeq, %convert_element_type3A, %eq3A_1741 : vector<256x1024xf32>
    %jit3A_1743 = arith.constant 0.000000e+00 : f32
    %broadcast_in_dim3A_1744 = vector.shape_cast %get3A_18 : vector<1x1024xf32> to vector<1x1024xf32>
    %broadcast_in_dim3A_1745 = vector.broadcast %broadcast_in_dim3A_1744 : vector<1x1024xf32> to vector<256x1024xf32>
    %broadcast_in_dim3A_1746 = vector.broadcast %jit3A_1743 : f32 to vector<256x1024xf32>
    %select_n3A_1747 = arith.select %eq3A_1742, %broadcast_in_dim3A_1745, %broadcast_in_dim3A_1746 : vector<256x1024xi1>, vector<256x1024xf32>
    %reduce_sum3A_1748 = arith.constant dense<0.000000e+00> : vector<256xf32>
    %reduce_sum3A_1749 = vector.multi_reduction <add>, %select_n3A_1747, %reduce_sum3A_1748 [1] : vector<256x1024xf32> to vector<256xf32>
    %broadcast_in_dim3A_1750 = vector.shape_cast %reduce_sum3A_1749 : vector<256xf32> to vector<256x1xf32>
    %jit3A_1751 = arith.constant 0.000000e+00 : f32
    %broadcast_in_dim3A_1752 = vector.shape_cast %get3A_23 : vector<1x1024xf32> to vector<1x1024xf32>
    %broadcast_in_dim3A_1753 = vector.broadcast %broadcast_in_dim3A_1752 : vector<1x1024xf32> to vector<256x1024xf32>
    %broadcast_in_dim3A_1754 = vector.broadcast %jit3A_1751 : f32 to vector<256x1024xf32>
    %select_n3A_1755 = arith.select %eq3A_1742, %broadcast_in_dim3A_1753, %broadcast_in_dim3A_1754 : vector<256x1024xi1>, vector<256x1024xf32>
    %reduce_sum3A_1756 = arith.constant dense<0.000000e+00> : vector<256xf32>
    %reduce_sum3A_1757 = vector.multi_reduction <add>, %select_n3A_1755, %reduce_sum3A_1756 [1] : vector<256x1024xf32> to vector<256xf32>
    %broadcast_in_dim3A_1758 = vector.shape_cast %reduce_sum3A_1757 : vector<256xf32> to vector<256x1xf32>
    %jit3A_1759 = arith.constant 0.000000e+00 : f32
    %broadcast_in_dim3A_1760 = vector.shape_cast %get3A_28 : vector<1x1024xf32> to vector<1x1024xf32>
    %broadcast_in_dim3A_1761 = vector.broadcast %broadcast_in_dim3A_1760 : vector<1x1024xf32> to vector<256x1024xf32>
    %broadcast_in_dim3A_1762 = vector.broadcast %jit3A_1759 : f32 to vector<256x1024xf32>
    %select_n3A_1763 = arith.select %eq3A_1742, %broadcast_in_dim3A_1761, %broadcast_in_dim3A_1762 : vector<256x1024xi1>, vector<256x1024xf32>
    %reduce_sum3A_1764 = arith.constant dense<0.000000e+00> : vector<256xf32>
    %reduce_sum3A_1765 = vector.multi_reduction <add>, %select_n3A_1763, %reduce_sum3A_1764 [1] : vector<256x1024xf32> to vector<256xf32>
    %broadcast_in_dim3A_1766 = vector.shape_cast %reduce_sum3A_1765 : vector<256xf32> to vector<256x1xf32>
    %eq3A_1767 = arith.constant 29 : i32
    %eq3A_1768 = vector.broadcast %eq3A_1767 : i32 to vector<256x32xi32>
    %eq3A_1769 = arith.cmpi eq, %iota3A_43, %eq3A_1768 : vector<256x32xi32>
    %broadcast_in_dim3A_1770 = vector.shape_cast %broadcast_in_dim3A_1740 : vector<256x1xf32> to vector<256x1xf32>
    %broadcast_in_dim3A_1771 = vector.broadcast %broadcast_in_dim3A_1770 : vector<256x1xf32> to vector<256x32xf32>
    %select_n3A_1772 = arith.select %eq3A_1769, %broadcast_in_dim3A_1771, %select_n3A_1717 : vector<256x32xi1>, vector<256x32xf32>
    %broadcast_in_dim3A_1773 = vector.shape_cast %broadcast_in_dim3A_1732 : vector<256x1xf32> to vector<256x1xf32>
    %broadcast_in_dim3A_1774 = vector.broadcast %broadcast_in_dim3A_1773 : vector<256x1xf32> to vector<256x32xf32>
    %select_n3A_1775 = arith.select %eq3A_1769, %broadcast_in_dim3A_1774, %select_n3A_1720 : vector<256x32xi1>, vector<256x32xf32>
    %broadcast_in_dim3A_1776 = vector.shape_cast %broadcast_in_dim3A_1750 : vector<256x1xf32> to vector<256x1xf32>
    %broadcast_in_dim3A_1777 = vector.broadcast %broadcast_in_dim3A_1776 : vector<256x1xf32> to vector<256x32xf32>
    %select_n3A_1778 = arith.select %eq3A_1769, %broadcast_in_dim3A_1777, %select_n3A_1723 : vector<256x32xi1>, vector<256x32xf32>
    %broadcast_in_dim3A_1779 = vector.shape_cast %broadcast_in_dim3A_1758 : vector<256x1xf32> to vector<256x1xf32>
    %broadcast_in_dim3A_1780 = vector.broadcast %broadcast_in_dim3A_1779 : vector<256x1xf32> to vector<256x32xf32>
    %select_n3A_1781 = arith.select %eq3A_1769, %broadcast_in_dim3A_1780, %select_n3A_1726 : vector<256x32xi1>, vector<256x32xf32>
    %broadcast_in_dim3A_1782 = vector.shape_cast %broadcast_in_dim3A_1766 : vector<256x1xf32> to vector<256x1xf32>
    %broadcast_in_dim3A_1783 = vector.broadcast %broadcast_in_dim3A_1782 : vector<256x1xf32> to vector<256x32xf32>
    %select_n3A_1784 = arith.select %eq3A_1769, %broadcast_in_dim3A_1783, %select_n3A_1729 : vector<256x32xi1>, vector<256x32xf32>
    %convert_element_type3A_1785 = arith.fptosi %select_n3A_1772 : vector<256x32xf32> to vector<256x32xi32>
    %swap3A = arith.constant 0 : index
    %swap3A_1786 = arith.constant 0 : index
    %swap3A_1787 = arith.constant 0 : index
    %swap3A_1788 = vector.load %arg8[%swap3A, %swap3A_1786, %swap3A_1787] : memref<1x256x32xi32, #tpu.memory_space<vmem>>, vector<1x256x32xi32>
    %swap3A_1789 = vector.shape_cast %swap3A_1788 : vector<1x256x32xi32> to vector<256x32xi32>
    %swap3A_1790 = vector.shape_cast %convert_element_type3A_1785 : vector<256x32xi32> to vector<1x256x32xi32>
    tpu.vector_store %arg8[%swap3A, %swap3A_1786, %swap3A_1787], %swap3A_1790 {strides = array<i32>} : memref<1x256x32xi32, #tpu.memory_space<vmem>>, vector<1x256x32xi32>,
    %swap3A_1791 = arith.constant 0 : index
    %swap3A_1792 = arith.constant 0 : index
    %swap3A_1793 = arith.constant 0 : index
    %swap3A_1794 = vector.load %arg9[%swap3A_1791, %swap3A_1792, %swap3A_1793] : memref<1x256x32xf32, #tpu.memory_space<vmem>>, vector<1x256x32xf32>
    %swap3A_1795 = vector.shape_cast %swap3A_1794 : vector<1x256x32xf32> to vector<256x32xf32>
    %swap3A_1796 = vector.shape_cast %select_n3A_1775 : vector<256x32xf32> to vector<1x256x32xf32>
    tpu.vector_store %arg9[%swap3A_1791, %swap3A_1792, %swap3A_1793], %swap3A_1796 {strides = array<i32>} : memref<1x256x32xf32, #tpu.memory_space<vmem>>, vector<1x256x32xf32>,
    %swap3A_1797 = arith.constant 0 : index
    %swap3A_1798 = arith.constant 0 : index
    %swap3A_1799 = arith.constant 0 : index
    %swap3A_1800 = vector.load %arg10[%swap3A_1797, %swap3A_1798, %swap3A_1799] : memref<1x256x32xf32, #tpu.memory_space<vmem>>, vector<1x256x32xf32>
    %swap3A_1801 = vector.shape_cast %swap3A_1800 : vector<1x256x32xf32> to vector<256x32xf32>
    %swap3A_1802 = vector.shape_cast %select_n3A_1778 : vector<256x32xf32> to vector<1x256x32xf32>
    tpu.vector_store %arg10[%swap3A_1797, %swap3A_1798, %swap3A_1799], %swap3A_1802 {strides = array<i32>} : memref<1x256x32xf32, #tpu.memory_space<vmem>>, vector<1x256x32xf32>,
    %swap3A_1803 = arith.constant 0 : index
    %swap3A_1804 = arith.constant 0 : index
    %swap3A_1805 = arith.constant 0 : index
    %swap3A_1806 = vector.load %arg11[%swap3A_1803, %swap3A_1804, %swap3A_1805] : memref<1x256x32xf32, #tpu.memory_space<vmem>>, vector<1x256x32xf32>
    %swap3A_1807 = vector.shape_cast %swap3A_1806 : vector<1x256x32xf32> to vector<256x32xf32>
    %swap3A_1808 = vector.shape_cast %select_n3A_1781 : vector<256x32xf32> to vector<1x256x32xf32>
    tpu.vector_store %arg11[%swap3A_1803, %swap3A_1804, %swap3A_1805], %swap3A_1808 {strides = array<i32>} : memref<1x256x32xf32, #tpu.memory_space<vmem>>, vector<1x256x32xf32>,
    %swap3A_1809 = arith.constant 0 : index
    %swap3A_1810 = arith.constant 0 : index
    %swap3A_1811 = arith.constant 0 : index
    %swap3A_1812 = vector.load %arg12[%swap3A_1809, %swap3A_1810, %swap3A_1811] : memref<1x256x32xf32, #tpu.memory_space<vmem>>, vector<1x256x32xf32>
    %swap3A_1813 = vector.shape_cast %swap3A_1812 : vector<1x256x32xf32> to vector<256x32xf32>
    %swap3A_1814 = vector.shape_cast %select_n3A_1784 : vector<256x32xf32> to vector<1x256x32xf32>
    tpu.vector_store %arg12[%swap3A_1809, %swap3A_1810, %swap3A_1811], %swap3A_1814 {strides = array<i32>} : memref<1x256x32xf32, #tpu.memory_space<vmem>>, vector<1x256x32xf32>,
    return
  }
  func.func @transform_0(%arg0: i32, %arg1: i32) -> (i32, i32, i32) {
    %c0_i32 = arith.constant 0 : i32
    %c0_i32_0 = arith.constant 0 : i32
    return %arg0, %arg1, %c0_i32 : i32, i32, i32
  }
  func.func @transform_1(%arg0: i32, %arg1: i32) -> (i32, i32, i32) {
    %c0_i32 = arith.constant 0 : i32
    %c0_i32_0 = arith.constant 0 : i32
    return %arg0, %arg1, %c0_i32 : i32, i32, i32
  }
  func.func @transform_2(%arg0: i32, %arg1: i32) -> (i32, i32, i32) {
    %c0_i32 = arith.constant 0 : i32
    %c0_i32_0 = arith.constant 0 : i32
    return %arg0, %arg1, %c0_i32 : i32, i32, i32
  }
  func.func @transform_3(%arg0: i32, %arg1: i32) -> (i32, i32, i32) {
    %c0_i32 = arith.constant 0 : i32
    %c0_i32_0 = arith.constant 0 : i32
    %c0_i32_1 = arith.constant 0 : i32
    return %arg0, %c0_i32, %c0_i32_0 : i32, i32, i32
  }
  func.func @transform_4(%arg0: i32, %arg1: i32) -> (i32, i32, i32) {
    %c0_i32 = arith.constant 0 : i32
    %c0_i32_0 = arith.constant 0 : i32
    %c0_i32_1 = arith.constant 0 : i32
    return %arg0, %c0_i32, %c0_i32_0 : i32, i32, i32
  }
  func.func @transform_5(%arg0: i32, %arg1: i32) -> (i32, i32, i32) {
    %c0_i32 = arith.constant 0 : i32
    %c0_i32_0 = arith.constant 0 : i32
    %c0_i32_1 = arith.constant 0 : i32
    return %arg0, %c0_i32, %c0_i32_0 : i32, i32, i32
  }
  func.func @transform_6(%arg0: i32, %arg1: i32) -> (i32, i32, i32) {
    %c0_i32 = arith.constant 0 : i32
    %c0_i32_0 = arith.constant 0 : i32
    return %arg0, %arg1, %c0_i32 : i32, i32, i32
  }
  func.func @transform_7(%arg0: i32, %arg1: i32) -> (i32, i32, i32) {
    %c0_i32 = arith.constant 0 : i32
    %c0_i32_0 = arith.constant 0 : i32
    return %arg0, %arg1, %c0_i32 : i32, i32, i32
  }
  func.func @transform_8(%arg0: i32, %arg1: i32) -> (i32, i32, i32) {
    %c0_i32 = arith.constant 0 : i32
    %c0_i32_0 = arith.constant 0 : i32
    return %arg0, %arg1, %c0_i32 : i32, i32, i32
  }
  func.func @transform_9(%arg0: i32, %arg1: i32) -> (i32, i32, i32) {
    %c0_i32 = arith.constant 0 : i32
    %c0_i32_0 = arith.constant 0 : i32
    return %arg0, %arg1, %c0_i32 : i32, i32, i32
  }
  func.func @transform_10(%arg0: i32, %arg1: i32) -> (i32, i32, i32) {
    %c0_i32 = arith.constant 0 : i32
    %c0_i32_0 = arith.constant 0 : i32
    return %arg0, %arg1, %c0_i32 : i32, i32, i32
  }
}

module attributes {stable_mosaic.version = 14 : i64} {
  func.func @_edge_body(%arg0: i32, %arg1: memref<2048x9xf32, #tpu.memory_space<vmem>>, %arg2: memref<1x1xf32, #tpu.memory_space<vmem>>, %arg3: memref<33x32xf32, #tpu.memory_space<vmem>>, %arg4: memref<1x32xf32, #tpu.memory_space<vmem>>, %arg5: memref<1x1xf32, #tpu.memory_space<vmem>>, %arg6: memref<1x32xf32, #tpu.memory_space<vmem>>, %arg7: memref<1x32xf32, #tpu.memory_space<vmem>>, %arg8: memref<2048x35xf32, #tpu.memory_space<vmem>>) attributes {dimension_semantics = [#tpu.dimension_semantics<arbitrary>], iteration_bounds = array<i64: 120>, scalar_prefetch = 0 : i64, scratch_operands = 0 : i64, tpu.core_type = #tpu.core_type<tc>, window_params = [{transform_indices = @transform_0, window_bounds = array<i64: 2048, 9>}, {pipeline_mode = #tpu.pipeline_mode<synchronous>, transform_indices = @transform_1, window_bounds = array<i64: 1, 1>}, {pipeline_mode = #tpu.pipeline_mode<synchronous>, transform_indices = @transform_2, window_bounds = array<i64: 33, 32>}, {pipeline_mode = #tpu.pipeline_mode<synchronous>, transform_indices = @transform_3, window_bounds = array<i64: 1, 32>}, {pipeline_mode = #tpu.pipeline_mode<synchronous>, transform_indices = @transform_4, window_bounds = array<i64: 1, 1>}, {pipeline_mode = #tpu.pipeline_mode<synchronous>, transform_indices = @transform_5, window_bounds = array<i64: 1, 32>}, {pipeline_mode = #tpu.pipeline_mode<synchronous>, transform_indices = @transform_6, window_bounds = array<i64: 1, 32>}, {transform_indices = @transform_7, window_bounds = array<i64: 2048, 35>}]} {
    %get3A = arith.constant 0 : index
    %get3A_0 = arith.constant 0 : index
    %get3A_1 = vector.load %arg1[%get3A, %get3A_0] : memref<2048x9xf32, #tpu.memory_space<vmem>>, vector<2048x9xf32>
    %slice3A = vector.extract_strided_slice %get3A_1 {offsets = [0, 0], sizes = [2048, 1], strides = [1, 1]} : vector<2048x9xf32> to vector<2048x1xf32>
    %slice3A_2 = vector.extract_strided_slice %get3A_1 {offsets = [0, 1], sizes = [2048, 1], strides = [1, 1]} : vector<2048x9xf32> to vector<2048x1xf32>
    %slice3A_3 = vector.extract_strided_slice %get3A_1 {offsets = [0, 2], sizes = [2048, 1], strides = [1, 1]} : vector<2048x9xf32> to vector<2048x1xf32>
    %slice3A_4 = vector.extract_strided_slice %get3A_1 {offsets = [0, 3], sizes = [2048, 1], strides = [1, 1]} : vector<2048x9xf32> to vector<2048x1xf32>
    %slice3A_5 = vector.extract_strided_slice %get3A_1 {offsets = [0, 6], sizes = [2048, 1], strides = [1, 1]} : vector<2048x9xf32> to vector<2048x1xf32>
    %sub3A = arith.subf %slice3A_4, %slice3A_5 : vector<2048x1xf32>
    %slice3A_6 = vector.extract_strided_slice %get3A_1 {offsets = [0, 4], sizes = [2048, 1], strides = [1, 1]} : vector<2048x9xf32> to vector<2048x1xf32>
    %slice3A_7 = vector.extract_strided_slice %get3A_1 {offsets = [0, 7], sizes = [2048, 1], strides = [1, 1]} : vector<2048x9xf32> to vector<2048x1xf32>
    %sub3A_8 = arith.subf %slice3A_6, %slice3A_7 : vector<2048x1xf32>
    %slice3A_9 = vector.extract_strided_slice %get3A_1 {offsets = [0, 5], sizes = [2048, 1], strides = [1, 1]} : vector<2048x9xf32> to vector<2048x1xf32>
    %slice3A_10 = vector.extract_strided_slice %get3A_1 {offsets = [0, 8], sizes = [2048, 1], strides = [1, 1]} : vector<2048x9xf32> to vector<2048x1xf32>
    %sub3A_11 = arith.subf %slice3A_9, %slice3A_10 : vector<2048x1xf32>
    %mul3A = arith.mulf %sub3A, %sub3A : vector<2048x1xf32>
    %mul3A_12 = arith.mulf %sub3A_8, %sub3A_8 : vector<2048x1xf32>
    %add3A = arith.addf %mul3A, %mul3A_12 : vector<2048x1xf32>
    %mul3A_13 = arith.mulf %sub3A_11, %sub3A_11 : vector<2048x1xf32>
    %add3A_14 = arith.addf %add3A, %mul3A_13 : vector<2048x1xf32>
    %max3A = arith.constant 9.99999993E-9 : f32
    %max3A_15 = vector.broadcast %max3A : f32 to vector<2048x1xf32>
    %max3A_16 = arith.maximumf %add3A_14, %max3A_15 : vector<2048x1xf32>
    %sqrt3A = math.sqrt %max3A_16 : vector<2048x1xf32>
    %div3A = arith.constant 1.000000e+00 : f32
    %div3A_17 = vector.broadcast %div3A : f32 to vector<2048x1xf32>
    %div3A_18 = arith.divf %div3A_17, %sqrt3A : vector<2048x1xf32>
    %mul3A_19 = arith.mulf %sub3A, %div3A_18 : vector<2048x1xf32>
    %mul3A_20 = arith.mulf %sub3A_8, %div3A_18 : vector<2048x1xf32>
    %mul3A_21 = arith.mulf %sub3A_11, %div3A_18 : vector<2048x1xf32>
    %iota3A = tpu.iota {dimensions = array<i32: 1>} : vector<2048x16xi32>
    %convert_element_type3A = arith.sitofp %iota3A : vector<2048x16xi32> to vector<2048x16xf32>
    %mul3A_22 = arith.constant 1.33333337 : f32
    %mul3A_23 = vector.broadcast %mul3A_22 : f32 to vector<2048x16xf32>
    %mul3A_24 = arith.mulf %convert_element_type3A, %mul3A_23 : vector<2048x16xf32>
    %sub3A_25 = vector.broadcast %slice3A_3 : vector<2048x1xf32> to vector<2048x16xf32>
    %sub3A_26 = arith.subf %sub3A_25, %mul3A_24 : vector<2048x16xf32>
    %div3A_27 = arith.constant 1.250000e+00 : f32
    %div3A_28 = vector.broadcast %div3A_27 : f32 to vector<2048x16xf32>
    %div3A_29 = arith.divf %sub3A_26, %div3A_28 : vector<2048x16xf32>
    %square3A = arith.mulf %div3A_29, %div3A_29 : vector<2048x16xf32>
    %neg3A = arith.constant 0.000000e+00 : f32
    %neg3A_30 = vector.broadcast %neg3A : f32 to vector<2048x16xf32>
    %neg3A_31 = arith.subf %neg3A_30, %square3A : vector<2048x16xf32>
    %exp3A = math.exp %neg3A_31 : vector<2048x16xf32>
    %iota3A_32 = tpu.iota {dimensions = array<i32: 1>} : vector<2048x8xi32>
    %convert_element_type3A_33 = arith.sitofp %iota3A_32 : vector<2048x8xi32> to vector<2048x8xf32>
    %mul3A_34 = arith.constant -1.15129256 : f32
    %mul3A_35 = vector.broadcast %mul3A_34 : f32 to vector<2048x8xf32>
    %mul3A_36 = arith.mulf %convert_element_type3A_33, %mul3A_35 : vector<2048x8xf32>
    %exp3A_37 = math.exp %mul3A_36 : vector<2048x8xf32>
    %sub3A_38 = arith.subf %slice3A, %slice3A_2 : vector<2048x1xf32>
    %mul3A_39 = vector.broadcast %sub3A_38 : vector<2048x1xf32> to vector<2048x8xf32>
    %mul3A_40 = arith.mulf %mul3A_39, %exp3A_37 : vector<2048x8xf32>
    %cos3A = math.cos %mul3A_40 : vector<2048x8xf32>
    %sin3A = math.sin %mul3A_40 : vector<2048x8xf32>
    %get3A_41 = arith.constant 0 : index
    %get3A_42 = arith.constant 0 : index
    %get3A_43 = vector.load %arg2[%get3A_41, %get3A_42] : memref<1x1xf32, #tpu.memory_space<vmem>>, vector<1x1xf32>
    %get3A_44 = arith.constant 0 : index
    %get3A_45 = arith.constant 0 : index
    %get3A_46 = vector.load %arg5[%get3A_44, %get3A_45] : memref<1x1xf32, #tpu.memory_space<vmem>>, vector<1x1xf32>
    %mul3A_47 = vector.broadcast %get3A_43 : vector<1x1xf32> to vector<2048x1xf32>
    %mul3A_48 = arith.mulf %mul3A_19, %mul3A_47 : vector<2048x1xf32>
    %mul3A_49 = vector.broadcast %get3A_43 : vector<1x1xf32> to vector<2048x1xf32>
    %mul3A_50 = arith.mulf %mul3A_20, %mul3A_49 : vector<2048x1xf32>
    %mul3A_51 = vector.broadcast %get3A_43 : vector<1x1xf32> to vector<2048x1xf32>
    %mul3A_52 = arith.mulf %mul3A_21, %mul3A_51 : vector<2048x1xf32>
    %mul3A_53 = arith.mulf %mul3A_48, %mul3A_48 : vector<2048x1xf32>
    %mul3A_54 = arith.mulf %mul3A_50, %mul3A_50 : vector<2048x1xf32>
    %add3A_55 = arith.addf %mul3A_53, %mul3A_54 : vector<2048x1xf32>
    %mul3A_56 = arith.mulf %mul3A_52, %mul3A_52 : vector<2048x1xf32>
    %add3A_57 = arith.addf %add3A_55, %mul3A_56 : vector<2048x1xf32>
    %max3A_58 = arith.constant 9.99999993E-9 : f32
    %max3A_59 = vector.broadcast %max3A_58 : f32 to vector<2048x1xf32>
    %max3A_60 = arith.maximumf %add3A_57, %max3A_59 : vector<2048x1xf32>
    %sqrt3A_61 = math.sqrt %max3A_60 : vector<2048x1xf32>
    %concatenate3A = tpu.concatenate %exp3A, %cos3A, %sin3A, %sqrt3A_61 in 1 : vector<2048x16xf32>, vector<2048x8xf32>, vector<2048x8xf32>, vector<2048x1xf32> -> vector<2048x33xf32>
    %get3A_62 = arith.constant 0 : index
    %get3A_63 = arith.constant 0 : index
    %get3A_64 = vector.load %arg3[%get3A_62, %get3A_63] : memref<33x32xf32, #tpu.memory_space<vmem>>, vector<33x32xf32>
    %dot_general3A = arith.constant dense<0.000000e+00> : vector<2048x32xf32>
    %dot_general3A_65 = tpu.matmul %concatenate3A, %get3A_64, %dot_general3A {dimension_numbers = #tpu.dot_dimension_numbers<[1], [0], [0], [1], [0, 0, 1, 1], [], []>, transpose_lhs_hint = false} : vector<2048x33xf32>, vector<33x32xf32>, vector<2048x32xf32> -> vector<2048x32xf32>
    %get3A_66 = arith.constant 0 : index
    %get3A_67 = arith.constant 0 : index
    %get3A_68 = vector.load %arg4[%get3A_66, %get3A_67] : memref<1x32xf32, #tpu.memory_space<vmem>>, vector<1x32xf32>
    %add3A_69 = vector.broadcast %get3A_68 : vector<1x32xf32> to vector<2048x32xf32>
    %add3A_70 = arith.addf %dot_general3A_65, %add3A_69 : vector<2048x32xf32>
    %reduce_sum3A = arith.constant dense<0.000000e+00> : vector<2048xf32>
    %reduce_sum3A_71 = vector.multi_reduction <add>, %add3A_70, %reduce_sum3A [1] : vector<2048x32xf32> to vector<2048xf32>
    %broadcast_in_dim3A = vector.shape_cast %reduce_sum3A_71 : vector<2048xf32> to vector<2048x1xf32>
    %div3A_72 = arith.constant 3.200000e+01 : f32
    %div3A_73 = vector.broadcast %div3A_72 : f32 to vector<2048x1xf32>
    %div3A_74 = arith.divf %broadcast_in_dim3A, %div3A_73 : vector<2048x1xf32>
    %sub3A_75 = vector.broadcast %div3A_74 : vector<2048x1xf32> to vector<2048x32xf32>
    %sub3A_76 = arith.subf %add3A_70, %sub3A_75 : vector<2048x32xf32>
    %square3A_77 = arith.mulf %sub3A_76, %sub3A_76 : vector<2048x32xf32>
    %reduce_sum3A_78 = arith.constant dense<0.000000e+00> : vector<2048xf32>
    %reduce_sum3A_79 = vector.multi_reduction <add>, %square3A_77, %reduce_sum3A_78 [1] : vector<2048x32xf32> to vector<2048xf32>
    %broadcast_in_dim3A_80 = vector.shape_cast %reduce_sum3A_79 : vector<2048xf32> to vector<2048x1xf32>
    %div3A_81 = arith.constant 3.200000e+01 : f32
    %div3A_82 = vector.broadcast %div3A_81 : f32 to vector<2048x1xf32>
    %div3A_83 = arith.divf %broadcast_in_dim3A_80, %div3A_82 : vector<2048x1xf32>
    %get3A_84 = arith.constant 0 : index
    %get3A_85 = arith.constant 0 : index
    %get3A_86 = vector.load %arg6[%get3A_84, %get3A_85] : memref<1x32xf32, #tpu.memory_space<vmem>>, vector<1x32xf32>
    %sub3A_87 = vector.broadcast %div3A_74 : vector<2048x1xf32> to vector<2048x32xf32>
    %sub3A_88 = arith.subf %add3A_70, %sub3A_87 : vector<2048x32xf32>
    %mul3A_89 = vector.broadcast %get3A_86 : vector<1x32xf32> to vector<2048x32xf32>
    %mul3A_90 = arith.mulf %mul3A_89, %sub3A_88 : vector<2048x32xf32>
    %add3A_91 = arith.constant 1.000000e-03 : f32
    %add3A_92 = vector.broadcast %add3A_91 : f32 to vector<2048x1xf32>
    %add3A_93 = arith.addf %div3A_83, %add3A_92 : vector<2048x1xf32>
    %sqrt3A_94 = math.sqrt %add3A_93 : vector<2048x1xf32>
    %div3A_95 = vector.broadcast %sqrt3A_94 : vector<2048x1xf32> to vector<2048x32xf32>
    %div3A_96 = arith.divf %mul3A_90, %div3A_95 : vector<2048x32xf32>
    %get3A_97 = arith.constant 0 : index
    %get3A_98 = arith.constant 0 : index
    %get3A_99 = vector.load %arg7[%get3A_97, %get3A_98] : memref<1x32xf32, #tpu.memory_space<vmem>>, vector<1x32xf32>
    %add3A_100 = vector.broadcast %get3A_99 : vector<1x32xf32> to vector<2048x32xf32>
    %add3A_101 = arith.addf %div3A_96, %add3A_100 : vector<2048x32xf32>
    %mul3A_102 = vector.broadcast %get3A_46 : vector<1x1xf32> to vector<2048x1xf32>
    %mul3A_103 = arith.mulf %mul3A_48, %mul3A_102 : vector<2048x1xf32>
    %mul3A_104 = vector.broadcast %get3A_46 : vector<1x1xf32> to vector<2048x1xf32>
    %mul3A_105 = arith.mulf %mul3A_50, %mul3A_104 : vector<2048x1xf32>
    %mul3A_106 = vector.broadcast %get3A_46 : vector<1x1xf32> to vector<2048x1xf32>
    %mul3A_107 = arith.mulf %mul3A_52, %mul3A_106 : vector<2048x1xf32>
    %concatenate3A_108 = tpu.concatenate %mul3A_103, %mul3A_105, %mul3A_107, %add3A_101 in 1 : vector<2048x1xf32>, vector<2048x1xf32>, vector<2048x1xf32>, vector<2048x32xf32> -> vector<2048x35xf32>
    %swap3A = arith.constant 0 : index
    %swap3A_109 = arith.constant 0 : index
    %swap3A_110 = vector.load %arg8[%swap3A, %swap3A_109] : memref<2048x35xf32, #tpu.memory_space<vmem>>, vector<2048x35xf32>
    tpu.vector_store %arg8[%swap3A, %swap3A_109], %concatenate3A_108 {strides = array<i32>} : memref<2048x35xf32, #tpu.memory_space<vmem>>, vector<2048x35xf32>,
    return
  }
  func.func @transform_0(%arg0: i32) -> (i32, i32) {
    %c0_i32 = arith.constant 0 : i32
    %c0_i32_0 = arith.constant 0 : i32
    return %arg0, %c0_i32 : i32, i32
  }
  func.func @transform_1(%arg0: i32) -> (i32, i32) {
    %c0_i32 = arith.constant 0 : i32
    %c0_i32_0 = arith.constant 0 : i32
    %c0_i32_1 = arith.constant 0 : i32
    return %c0_i32, %c0_i32_0 : i32, i32
  }
  func.func @transform_2(%arg0: i32) -> (i32, i32) {
    %c0_i32 = arith.constant 0 : i32
    %c0_i32_0 = arith.constant 0 : i32
    %c0_i32_1 = arith.constant 0 : i32
    return %c0_i32, %c0_i32_0 : i32, i32
  }
  func.func @transform_3(%arg0: i32) -> (i32, i32) {
    %c0_i32 = arith.constant 0 : i32
    %c0_i32_0 = arith.constant 0 : i32
    %c0_i32_1 = arith.constant 0 : i32
    return %c0_i32, %c0_i32_0 : i32, i32
  }
  func.func @transform_4(%arg0: i32) -> (i32, i32) {
    %c0_i32 = arith.constant 0 : i32
    %c0_i32_0 = arith.constant 0 : i32
    %c0_i32_1 = arith.constant 0 : i32
    return %c0_i32, %c0_i32_0 : i32, i32
  }
  func.func @transform_5(%arg0: i32) -> (i32, i32) {
    %c0_i32 = arith.constant 0 : i32
    %c0_i32_0 = arith.constant 0 : i32
    %c0_i32_1 = arith.constant 0 : i32
    return %c0_i32, %c0_i32_0 : i32, i32
  }
  func.func @transform_6(%arg0: i32) -> (i32, i32) {
    %c0_i32 = arith.constant 0 : i32
    %c0_i32_0 = arith.constant 0 : i32
    %c0_i32_1 = arith.constant 0 : i32
    return %c0_i32, %c0_i32_0 : i32, i32
  }
  func.func @transform_7(%arg0: i32) -> (i32, i32) {
    %c0_i32 = arith.constant 0 : i32
    %c0_i32_0 = arith.constant 0 : i32
    return %arg0, %c0_i32 : i32, i32
  }
}

module attributes {stable_mosaic.version = 14 : i64} {
  func.func @_node_body(%arg0: i32, %arg1: memref<1024x23xf32, #tpu.memory_space<vmem>>, %arg2: memref<3x16xf32, #tpu.memory_space<vmem>>, %arg3: memref<22x100xf32, #tpu.memory_space<vmem>>, %arg4: memref<1x100xf32, #tpu.memory_space<vmem>>, %arg5: memref<16x16xf32, #tpu.memory_space<vmem>>, %arg6: memref<1x100xf32, #tpu.memory_space<vmem>>, %arg7: memref<1x100xf32, #tpu.memory_space<vmem>>, %arg8: memref<1024x148xf32, #tpu.memory_space<vmem>>) attributes {dimension_semantics = [#tpu.dimension_semantics<arbitrary>], iteration_bounds = array<i64: 8>, scalar_prefetch = 0 : i64, scratch_operands = 0 : i64, tpu.core_type = #tpu.core_type<tc>, window_params = [{transform_indices = @transform_0, window_bounds = array<i64: 1024, 23>}, {pipeline_mode = #tpu.pipeline_mode<synchronous>, transform_indices = @transform_1, window_bounds = array<i64: 3, 16>}, {pipeline_mode = #tpu.pipeline_mode<synchronous>, transform_indices = @transform_2, window_bounds = array<i64: 22, 100>}, {pipeline_mode = #tpu.pipeline_mode<synchronous>, transform_indices = @transform_3, window_bounds = array<i64: 1, 100>}, {pipeline_mode = #tpu.pipeline_mode<synchronous>, transform_indices = @transform_4, window_bounds = array<i64: 16, 16>}, {pipeline_mode = #tpu.pipeline_mode<synchronous>, transform_indices = @transform_5, window_bounds = array<i64: 1, 100>}, {pipeline_mode = #tpu.pipeline_mode<synchronous>, transform_indices = @transform_6, window_bounds = array<i64: 1, 100>}, {transform_indices = @transform_7, window_bounds = array<i64: 1024, 148>}]} {
    %get3A = arith.constant 0 : index
    %get3A_0 = arith.constant 0 : index
    %get3A_1 = vector.load %arg1[%get3A, %get3A_0] : memref<1024x23xf32, #tpu.memory_space<vmem>>, vector<1024x23xf32>
    %slice3A = vector.extract_strided_slice %get3A_1 {offsets = [0, 0], sizes = [1024, 1], strides = [1, 1]} : vector<1024x23xf32> to vector<1024x1xf32>
    %slice3A_2 = vector.extract_strided_slice %get3A_1 {offsets = [0, 1], sizes = [1024, 1], strides = [1, 1]} : vector<1024x23xf32> to vector<1024x1xf32>
    %slice3A_3 = vector.extract_strided_slice %get3A_1 {offsets = [0, 2], sizes = [1024, 1], strides = [1, 1]} : vector<1024x23xf32> to vector<1024x1xf32>
    %slice3A_4 = vector.extract_strided_slice %get3A_1 {offsets = [0, 3], sizes = [1024, 1], strides = [1, 1]} : vector<1024x23xf32> to vector<1024x1xf32>
    %slice3A_5 = vector.extract_strided_slice %get3A_1 {offsets = [0, 4], sizes = [1024, 1], strides = [1, 1]} : vector<1024x23xf32> to vector<1024x1xf32>
    %slice3A_6 = vector.extract_strided_slice %get3A_1 {offsets = [0, 5], sizes = [1024, 1], strides = [1, 1]} : vector<1024x23xf32> to vector<1024x1xf32>
    %slice3A_7 = vector.extract_strided_slice %get3A_1 {offsets = [0, 6], sizes = [1024, 1], strides = [1, 1]} : vector<1024x23xf32> to vector<1024x1xf32>
    %slice3A_8 = vector.extract_strided_slice %get3A_1 {offsets = [0, 7], sizes = [1024, 1], strides = [1, 1]} : vector<1024x23xf32> to vector<1024x1xf32>
    %slice3A_9 = vector.extract_strided_slice %get3A_1 {offsets = [0, 8], sizes = [1024, 1], strides = [1, 1]} : vector<1024x23xf32> to vector<1024x1xf32>
    %slice3A_10 = vector.extract_strided_slice %get3A_1 {offsets = [0, 9], sizes = [1024, 1], strides = [1, 1]} : vector<1024x23xf32> to vector<1024x1xf32>
    %slice3A_11 = vector.extract_strided_slice %get3A_1 {offsets = [0, 10], sizes = [1024, 1], strides = [1, 1]} : vector<1024x23xf32> to vector<1024x1xf32>
    %slice3A_12 = vector.extract_strided_slice %get3A_1 {offsets = [0, 11], sizes = [1024, 1], strides = [1, 1]} : vector<1024x23xf32> to vector<1024x1xf32>
    %slice3A_13 = vector.extract_strided_slice %get3A_1 {offsets = [0, 12], sizes = [1024, 1], strides = [1, 1]} : vector<1024x23xf32> to vector<1024x1xf32>
    %slice3A_14 = vector.extract_strided_slice %get3A_1 {offsets = [0, 13], sizes = [1024, 1], strides = [1, 1]} : vector<1024x23xf32> to vector<1024x1xf32>
    %slice3A_15 = vector.extract_strided_slice %get3A_1 {offsets = [0, 14], sizes = [1024, 1], strides = [1, 1]} : vector<1024x23xf32> to vector<1024x1xf32>
    %slice3A_16 = vector.extract_strided_slice %get3A_1 {offsets = [0, 15], sizes = [1024, 1], strides = [1, 1]} : vector<1024x23xf32> to vector<1024x1xf32>
    %slice3A_17 = vector.extract_strided_slice %get3A_1 {offsets = [0, 16], sizes = [1024, 1], strides = [1, 1]} : vector<1024x23xf32> to vector<1024x1xf32>
    %slice3A_18 = vector.extract_strided_slice %get3A_1 {offsets = [0, 17], sizes = [1024, 1], strides = [1, 1]} : vector<1024x23xf32> to vector<1024x1xf32>
    %slice3A_19 = vector.extract_strided_slice %get3A_1 {offsets = [0, 18], sizes = [1024, 1], strides = [1, 1]} : vector<1024x23xf32> to vector<1024x1xf32>
    %slice3A_20 = vector.extract_strided_slice %get3A_1 {offsets = [0, 19], sizes = [1024, 1], strides = [1, 1]} : vector<1024x23xf32> to vector<1024x1xf32>
    %slice3A_21 = vector.extract_strided_slice %get3A_1 {offsets = [0, 20], sizes = [1024, 1], strides = [1, 1]} : vector<1024x23xf32> to vector<1024x1xf32>
    %slice3A_22 = vector.extract_strided_slice %get3A_1 {offsets = [0, 21], sizes = [1024, 1], strides = [1, 1]} : vector<1024x23xf32> to vector<1024x1xf32>
    %slice3A_23 = vector.extract_strided_slice %get3A_1 {offsets = [0, 22], sizes = [1024, 1], strides = [1, 1]} : vector<1024x23xf32> to vector<1024x1xf32>
    %sub3A = arith.subf %slice3A_7, %slice3A_4 : vector<1024x1xf32>
    %sub3A_24 = arith.subf %slice3A_8, %slice3A_5 : vector<1024x1xf32>
    %sub3A_25 = arith.subf %slice3A_9, %slice3A_6 : vector<1024x1xf32>
    %mul3A = arith.mulf %sub3A, %sub3A : vector<1024x1xf32>
    %mul3A_26 = arith.mulf %sub3A_24, %sub3A_24 : vector<1024x1xf32>
    %add3A = arith.addf %mul3A, %mul3A_26 : vector<1024x1xf32>
    %mul3A_27 = arith.mulf %sub3A_25, %sub3A_25 : vector<1024x1xf32>
    %add3A_28 = arith.addf %add3A, %mul3A_27 : vector<1024x1xf32>
    %max3A = arith.constant 9.99999993E-9 : f32
    %max3A_29 = vector.broadcast %max3A : f32 to vector<1024x1xf32>
    %max3A_30 = arith.maximumf %add3A_28, %max3A_29 : vector<1024x1xf32>
    %sqrt3A = math.sqrt %max3A_30 : vector<1024x1xf32>
    %div3A = arith.constant 1.000000e+00 : f32
    %div3A_31 = vector.broadcast %div3A : f32 to vector<1024x1xf32>
    %div3A_32 = arith.divf %div3A_31, %sqrt3A : vector<1024x1xf32>
    %mul3A_33 = arith.mulf %sub3A, %div3A_32 : vector<1024x1xf32>
    %mul3A_34 = arith.mulf %sub3A_24, %div3A_32 : vector<1024x1xf32>
    %mul3A_35 = arith.mulf %sub3A_25, %div3A_32 : vector<1024x1xf32>
    %sub3A_36 = arith.subf %slice3A_10, %slice3A_7 : vector<1024x1xf32>
    %sub3A_37 = arith.subf %slice3A_11, %slice3A_8 : vector<1024x1xf32>
    %sub3A_38 = arith.subf %slice3A_12, %slice3A_9 : vector<1024x1xf32>
    %mul3A_39 = arith.mulf %sub3A_36, %sub3A_36 : vector<1024x1xf32>
    %mul3A_40 = arith.mulf %sub3A_37, %sub3A_37 : vector<1024x1xf32>
    %add3A_41 = arith.addf %mul3A_39, %mul3A_40 : vector<1024x1xf32>
    %mul3A_42 = arith.mulf %sub3A_38, %sub3A_38 : vector<1024x1xf32>
    %add3A_43 = arith.addf %add3A_41, %mul3A_42 : vector<1024x1xf32>
    %max3A_44 = arith.constant 9.99999993E-9 : f32
    %max3A_45 = vector.broadcast %max3A_44 : f32 to vector<1024x1xf32>
    %max3A_46 = arith.maximumf %add3A_43, %max3A_45 : vector<1024x1xf32>
    %sqrt3A_47 = math.sqrt %max3A_46 : vector<1024x1xf32>
    %div3A_48 = arith.constant 1.000000e+00 : f32
    %div3A_49 = vector.broadcast %div3A_48 : f32 to vector<1024x1xf32>
    %div3A_50 = arith.divf %div3A_49, %sqrt3A_47 : vector<1024x1xf32>
    %mul3A_51 = arith.mulf %sub3A_36, %div3A_50 : vector<1024x1xf32>
    %mul3A_52 = arith.mulf %sub3A_37, %div3A_50 : vector<1024x1xf32>
    %mul3A_53 = arith.mulf %sub3A_38, %div3A_50 : vector<1024x1xf32>
    %sub3A_54 = arith.subf %slice3A_13, %slice3A_10 : vector<1024x1xf32>
    %sub3A_55 = arith.subf %slice3A_14, %slice3A_11 : vector<1024x1xf32>
    %sub3A_56 = arith.subf %slice3A_15, %slice3A_12 : vector<1024x1xf32>
    %mul3A_57 = arith.mulf %sub3A_54, %sub3A_54 : vector<1024x1xf32>
    %mul3A_58 = arith.mulf %sub3A_55, %sub3A_55 : vector<1024x1xf32>
    %add3A_59 = arith.addf %mul3A_57, %mul3A_58 : vector<1024x1xf32>
    %mul3A_60 = arith.mulf %sub3A_56, %sub3A_56 : vector<1024x1xf32>
    %add3A_61 = arith.addf %add3A_59, %mul3A_60 : vector<1024x1xf32>
    %max3A_62 = arith.constant 9.99999993E-9 : f32
    %max3A_63 = vector.broadcast %max3A_62 : f32 to vector<1024x1xf32>
    %max3A_64 = arith.maximumf %add3A_61, %max3A_63 : vector<1024x1xf32>
    %sqrt3A_65 = math.sqrt %max3A_64 : vector<1024x1xf32>
    %div3A_66 = arith.constant 1.000000e+00 : f32
    %div3A_67 = vector.broadcast %div3A_66 : f32 to vector<1024x1xf32>
    %div3A_68 = arith.divf %div3A_67, %sqrt3A_65 : vector<1024x1xf32>
    %mul3A_69 = arith.mulf %sub3A_54, %div3A_68 : vector<1024x1xf32>
    %mul3A_70 = arith.mulf %sub3A_55, %div3A_68 : vector<1024x1xf32>
    %mul3A_71 = arith.mulf %sub3A_56, %div3A_68 : vector<1024x1xf32>
    %sub3A_72 = arith.subf %slice3A_16, %slice3A_13 : vector<1024x1xf32>
    %sub3A_73 = arith.subf %slice3A_17, %slice3A_14 : vector<1024x1xf32>
    %sub3A_74 = arith.subf %slice3A_18, %slice3A_15 : vector<1024x1xf32>
    %mul3A_75 = arith.mulf %sub3A_72, %sub3A_72 : vector<1024x1xf32>
    %mul3A_76 = arith.mulf %sub3A_73, %sub3A_73 : vector<1024x1xf32>
    %add3A_77 = arith.addf %mul3A_75, %mul3A_76 : vector<1024x1xf32>
    %mul3A_78 = arith.mulf %sub3A_74, %sub3A_74 : vector<1024x1xf32>
    %add3A_79 = arith.addf %add3A_77, %mul3A_78 : vector<1024x1xf32>
    %max3A_80 = arith.constant 9.99999993E-9 : f32
    %max3A_81 = vector.broadcast %max3A_80 : f32 to vector<1024x1xf32>
    %max3A_82 = arith.maximumf %add3A_79, %max3A_81 : vector<1024x1xf32>
    %sqrt3A_83 = math.sqrt %max3A_82 : vector<1024x1xf32>
    %div3A_84 = arith.constant 1.000000e+00 : f32
    %div3A_85 = vector.broadcast %div3A_84 : f32 to vector<1024x1xf32>
    %div3A_86 = arith.divf %div3A_85, %sqrt3A_83 : vector<1024x1xf32>
    %mul3A_87 = arith.mulf %sub3A_72, %div3A_86 : vector<1024x1xf32>
    %mul3A_88 = arith.mulf %sub3A_73, %div3A_86 : vector<1024x1xf32>
    %mul3A_89 = arith.mulf %sub3A_74, %div3A_86 : vector<1024x1xf32>
    %sub3A_90 = arith.subf %slice3A_19, %slice3A_16 : vector<1024x1xf32>
    %sub3A_91 = arith.subf %slice3A_20, %slice3A_17 : vector<1024x1xf32>
    %sub3A_92 = arith.subf %slice3A_21, %slice3A_18 : vector<1024x1xf32>
    %mul3A_93 = arith.mulf %sub3A_90, %sub3A_90 : vector<1024x1xf32>
    %mul3A_94 = arith.mulf %sub3A_91, %sub3A_91 : vector<1024x1xf32>
    %add3A_95 = arith.addf %mul3A_93, %mul3A_94 : vector<1024x1xf32>
    %mul3A_96 = arith.mulf %sub3A_92, %sub3A_92 : vector<1024x1xf32>
    %add3A_97 = arith.addf %add3A_95, %mul3A_96 : vector<1024x1xf32>
    %max3A_98 = arith.constant 9.99999993E-9 : f32
    %max3A_99 = vector.broadcast %max3A_98 : f32 to vector<1024x1xf32>
    %max3A_100 = arith.maximumf %add3A_97, %max3A_99 : vector<1024x1xf32>
    %sqrt3A_101 = math.sqrt %max3A_100 : vector<1024x1xf32>
    %div3A_102 = arith.constant 1.000000e+00 : f32
    %div3A_103 = vector.broadcast %div3A_102 : f32 to vector<1024x1xf32>
    %div3A_104 = arith.divf %div3A_103, %sqrt3A_101 : vector<1024x1xf32>
    %mul3A_105 = arith.mulf %sub3A_90, %div3A_104 : vector<1024x1xf32>
    %mul3A_106 = arith.mulf %sub3A_91, %div3A_104 : vector<1024x1xf32>
    %mul3A_107 = arith.mulf %sub3A_92, %div3A_104 : vector<1024x1xf32>
    %mul3A_108 = arith.mulf %mul3A_34, %mul3A_53 : vector<1024x1xf32>
    %mul3A_109 = arith.mulf %mul3A_35, %mul3A_52 : vector<1024x1xf32>
    %sub3A_110 = arith.subf %mul3A_108, %mul3A_109 : vector<1024x1xf32>
    %mul3A_111 = arith.mulf %mul3A_35, %mul3A_51 : vector<1024x1xf32>
    %mul3A_112 = arith.mulf %mul3A_33, %mul3A_53 : vector<1024x1xf32>
    %sub3A_113 = arith.subf %mul3A_111, %mul3A_112 : vector<1024x1xf32>
    %mul3A_114 = arith.mulf %mul3A_33, %mul3A_52 : vector<1024x1xf32>
    %mul3A_115 = arith.mulf %mul3A_34, %mul3A_51 : vector<1024x1xf32>
    %sub3A_116 = arith.subf %mul3A_114, %mul3A_115 : vector<1024x1xf32>
    %mul3A_117 = arith.mulf %sub3A_110, %sub3A_110 : vector<1024x1xf32>
    %mul3A_118 = arith.mulf %sub3A_113, %sub3A_113 : vector<1024x1xf32>
    %add3A_119 = arith.addf %mul3A_117, %mul3A_118 : vector<1024x1xf32>
    %mul3A_120 = arith.mulf %sub3A_116, %sub3A_116 : vector<1024x1xf32>
    %add3A_121 = arith.addf %add3A_119, %mul3A_120 : vector<1024x1xf32>
    %max3A_122 = arith.constant 9.99999993E-9 : f32
    %max3A_123 = vector.broadcast %max3A_122 : f32 to vector<1024x1xf32>
    %max3A_124 = arith.maximumf %add3A_121, %max3A_123 : vector<1024x1xf32>
    %sqrt3A_125 = math.sqrt %max3A_124 : vector<1024x1xf32>
    %div3A_126 = arith.constant 1.000000e+00 : f32
    %div3A_127 = vector.broadcast %div3A_126 : f32 to vector<1024x1xf32>
    %div3A_128 = arith.divf %div3A_127, %sqrt3A_125 : vector<1024x1xf32>
    %mul3A_129 = arith.mulf %sub3A_110, %div3A_128 : vector<1024x1xf32>
    %mul3A_130 = arith.mulf %sub3A_113, %div3A_128 : vector<1024x1xf32>
    %mul3A_131 = arith.mulf %sub3A_116, %div3A_128 : vector<1024x1xf32>
    %mul3A_132 = arith.mulf %mul3A_52, %mul3A_71 : vector<1024x1xf32>
    %mul3A_133 = arith.mulf %mul3A_53, %mul3A_70 : vector<1024x1xf32>
    %sub3A_134 = arith.subf %mul3A_132, %mul3A_133 : vector<1024x1xf32>
    %mul3A_135 = arith.mulf %mul3A_53, %mul3A_69 : vector<1024x1xf32>
    %mul3A_136 = arith.mulf %mul3A_51, %mul3A_71 : vector<1024x1xf32>
    %sub3A_137 = arith.subf %mul3A_135, %mul3A_136 : vector<1024x1xf32>
    %mul3A_138 = arith.mulf %mul3A_51, %mul3A_70 : vector<1024x1xf32>
    %mul3A_139 = arith.mulf %mul3A_52, %mul3A_69 : vector<1024x1xf32>
    %sub3A_140 = arith.subf %mul3A_138, %mul3A_139 : vector<1024x1xf32>
    %mul3A_141 = arith.mulf %sub3A_134, %sub3A_134 : vector<1024x1xf32>
    %mul3A_142 = arith.mulf %sub3A_137, %sub3A_137 : vector<1024x1xf32>
    %add3A_143 = arith.addf %mul3A_141, %mul3A_142 : vector<1024x1xf32>
    %mul3A_144 = arith.mulf %sub3A_140, %sub3A_140 : vector<1024x1xf32>
    %add3A_145 = arith.addf %add3A_143, %mul3A_144 : vector<1024x1xf32>
    %max3A_146 = arith.constant 9.99999993E-9 : f32
    %max3A_147 = vector.broadcast %max3A_146 : f32 to vector<1024x1xf32>
    %max3A_148 = arith.maximumf %add3A_145, %max3A_147 : vector<1024x1xf32>
    %sqrt3A_149 = math.sqrt %max3A_148 : vector<1024x1xf32>
    %div3A_150 = arith.constant 1.000000e+00 : f32
    %div3A_151 = vector.broadcast %div3A_150 : f32 to vector<1024x1xf32>
    %div3A_152 = arith.divf %div3A_151, %sqrt3A_149 : vector<1024x1xf32>
    %mul3A_153 = arith.mulf %sub3A_134, %div3A_152 : vector<1024x1xf32>
    %mul3A_154 = arith.mulf %sub3A_137, %div3A_152 : vector<1024x1xf32>
    %mul3A_155 = arith.mulf %sub3A_140, %div3A_152 : vector<1024x1xf32>
    %mul3A_156 = arith.mulf %mul3A_129, %mul3A_153 : vector<1024x1xf32>
    %mul3A_157 = arith.mulf %mul3A_130, %mul3A_154 : vector<1024x1xf32>
    %add3A_158 = arith.addf %mul3A_156, %mul3A_157 : vector<1024x1xf32>
    %mul3A_159 = arith.mulf %mul3A_131, %mul3A_155 : vector<1024x1xf32>
    %add3A_160 = arith.addf %add3A_158, %mul3A_159 : vector<1024x1xf32>
    %jit3A = arith.constant -0.99999988 : f32
    %jit3A_161 = arith.constant 0.99999988 : f32
    %max3A_162 = vector.broadcast %jit3A : f32 to vector<1024x1xf32>
    %max3A_163 = arith.maximumf %max3A_162, %add3A_160 : vector<1024x1xf32>
    %min3A = vector.broadcast %jit3A_161 : f32 to vector<1024x1xf32>
    %min3A_164 = arith.minimumf %min3A, %max3A_163 : vector<1024x1xf32>
    %mul3A_165 = arith.mulf %mul3A_33, %mul3A_153 : vector<1024x1xf32>
    %mul3A_166 = arith.mulf %mul3A_34, %mul3A_154 : vector<1024x1xf32>
    %add3A_167 = arith.addf %mul3A_165, %mul3A_166 : vector<1024x1xf32>
    %mul3A_168 = arith.mulf %mul3A_35, %mul3A_155 : vector<1024x1xf32>
    %add3A_169 = arith.addf %add3A_167, %mul3A_168 : vector<1024x1xf32>
    %sign3A = tpu.bitcast %add3A_169 : vector<1024x1xf32> -> vector<1024x1xi32>
    %sign3A_170 = arith.constant -2147483648 : i32
    %sign3A_171 = vector.broadcast %sign3A_170 : i32 to vector<1024x1xi32>
    %sign3A_172 = arith.andi %sign3A, %sign3A_171 : vector<1024x1xi32>
    %sign3A_173 = arith.constant 1065353216 : i32
    %sign3A_174 = vector.broadcast %sign3A_173 : i32 to vector<1024x1xi32>
    %sign3A_175 = arith.ori %sign3A_174, %sign3A_172 : vector<1024x1xi32>
    %sign3A_176 = tpu.bitcast %sign3A_175 : vector<1024x1xi32> -> vector<1024x1xf32>
    %sign3A_177 = math.absf %add3A_169 : vector<1024x1xf32>
    %sign3A_178 = arith.constant 0.000000e+00 : f32
    %sign3A_179 = vector.broadcast %sign3A_178 : f32 to vector<1024x1xf32>
    %sign3A_180 = arith.cmpf ogt, %sign3A_177, %sign3A_179 : vector<1024x1xf32>
    %sign3A_181 = arith.select %sign3A_180, %sign3A_176, %add3A_169 : vector<1024x1xi1>, vector<1024x1xf32>
    %mul3A_182 = arith.mulf %min3A_164, %min3A_164 : vector<1024x1xf32>
    %sub3A_183 = arith.constant 1.000000e+00 : f32
    %sub3A_184 = vector.broadcast %sub3A_183 : f32 to vector<1024x1xf32>
    %sub3A_185 = arith.subf %sub3A_184, %mul3A_182 : vector<1024x1xf32>
    %sqrt3A_186 = math.sqrt %sub3A_185 : vector<1024x1xf32>
    %mul3A_187 = arith.mulf %sign3A_181, %sqrt3A_186 : vector<1024x1xf32>
    %mul3A_188 = arith.mulf %mul3A_52, %mul3A_71 : vector<1024x1xf32>
    %mul3A_189 = arith.mulf %mul3A_53, %mul3A_70 : vector<1024x1xf32>
    %sub3A_190 = arith.subf %mul3A_188, %mul3A_189 : vector<1024x1xf32>
    %mul3A_191 = arith.mulf %mul3A_53, %mul3A_69 : vector<1024x1xf32>
    %mul3A_192 = arith.mulf %mul3A_51, %mul3A_71 : vector<1024x1xf32>
    %sub3A_193 = arith.subf %mul3A_191, %mul3A_192 : vector<1024x1xf32>
    %mul3A_194 = arith.mulf %mul3A_51, %mul3A_70 : vector<1024x1xf32>
    %mul3A_195 = arith.mulf %mul3A_52, %mul3A_69 : vector<1024x1xf32>
    %sub3A_196 = arith.subf %mul3A_194, %mul3A_195 : vector<1024x1xf32>
    %mul3A_197 = arith.mulf %sub3A_190, %sub3A_190 : vector<1024x1xf32>
    %mul3A_198 = arith.mulf %sub3A_193, %sub3A_193 : vector<1024x1xf32>
    %add3A_199 = arith.addf %mul3A_197, %mul3A_198 : vector<1024x1xf32>
    %mul3A_200 = arith.mulf %sub3A_196, %sub3A_196 : vector<1024x1xf32>
    %add3A_201 = arith.addf %add3A_199, %mul3A_200 : vector<1024x1xf32>
    %max3A_202 = arith.constant 9.99999993E-9 : f32
    %max3A_203 = vector.broadcast %max3A_202 : f32 to vector<1024x1xf32>
    %max3A_204 = arith.maximumf %add3A_201, %max3A_203 : vector<1024x1xf32>
    %sqrt3A_205 = math.sqrt %max3A_204 : vector<1024x1xf32>
    %div3A_206 = arith.constant 1.000000e+00 : f32
    %div3A_207 = vector.broadcast %div3A_206 : f32 to vector<1024x1xf32>
    %div3A_208 = arith.divf %div3A_207, %sqrt3A_205 : vector<1024x1xf32>
    %mul3A_209 = arith.mulf %sub3A_190, %div3A_208 : vector<1024x1xf32>
    %mul3A_210 = arith.mulf %sub3A_193, %div3A_208 : vector<1024x1xf32>
    %mul3A_211 = arith.mulf %sub3A_196, %div3A_208 : vector<1024x1xf32>
    %mul3A_212 = arith.mulf %mul3A_70, %mul3A_89 : vector<1024x1xf32>
    %mul3A_213 = arith.mulf %mul3A_71, %mul3A_88 : vector<1024x1xf32>
    %sub3A_214 = arith.subf %mul3A_212, %mul3A_213 : vector<1024x1xf32>
    %mul3A_215 = arith.mulf %mul3A_71, %mul3A_87 : vector<1024x1xf32>
    %mul3A_216 = arith.mulf %mul3A_69, %mul3A_89 : vector<1024x1xf32>
    %sub3A_217 = arith.subf %mul3A_215, %mul3A_216 : vector<1024x1xf32>
    %mul3A_218 = arith.mulf %mul3A_69, %mul3A_88 : vector<1024x1xf32>
    %mul3A_219 = arith.mulf %mul3A_70, %mul3A_87 : vector<1024x1xf32>
    %sub3A_220 = arith.subf %mul3A_218, %mul3A_219 : vector<1024x1xf32>
    %mul3A_221 = arith.mulf %sub3A_214, %sub3A_214 : vector<1024x1xf32>
    %mul3A_222 = arith.mulf %sub3A_217, %sub3A_217 : vector<1024x1xf32>
    %add3A_223 = arith.addf %mul3A_221, %mul3A_222 : vector<1024x1xf32>
    %mul3A_224 = arith.mulf %sub3A_220, %sub3A_220 : vector<1024x1xf32>
    %add3A_225 = arith.addf %add3A_223, %mul3A_224 : vector<1024x1xf32>
    %max3A_226 = arith.constant 9.99999993E-9 : f32
    %max3A_227 = vector.broadcast %max3A_226 : f32 to vector<1024x1xf32>
    %max3A_228 = arith.maximumf %add3A_225, %max3A_227 : vector<1024x1xf32>
    %sqrt3A_229 = math.sqrt %max3A_228 : vector<1024x1xf32>
    %div3A_230 = arith.constant 1.000000e+00 : f32
    %div3A_231 = vector.broadcast %div3A_230 : f32 to vector<1024x1xf32>
    %div3A_232 = arith.divf %div3A_231, %sqrt3A_229 : vector<1024x1xf32>
    %mul3A_233 = arith.mulf %sub3A_214, %div3A_232 : vector<1024x1xf32>
    %mul3A_234 = arith.mulf %sub3A_217, %div3A_232 : vector<1024x1xf32>
    %mul3A_235 = arith.mulf %sub3A_220, %div3A_232 : vector<1024x1xf32>
    %mul3A_236 = arith.mulf %mul3A_209, %mul3A_233 : vector<1024x1xf32>
    %mul3A_237 = arith.mulf %mul3A_210, %mul3A_234 : vector<1024x1xf32>
    %add3A_238 = arith.addf %mul3A_236, %mul3A_237 : vector<1024x1xf32>
    %mul3A_239 = arith.mulf %mul3A_211, %mul3A_235 : vector<1024x1xf32>
    %add3A_240 = arith.addf %add3A_238, %mul3A_239 : vector<1024x1xf32>
    %jit3A_241 = arith.constant -0.99999988 : f32
    %jit3A_242 = arith.constant 0.99999988 : f32
    %max3A_243 = vector.broadcast %jit3A_241 : f32 to vector<1024x1xf32>
    %max3A_244 = arith.maximumf %max3A_243, %add3A_240 : vector<1024x1xf32>
    %min3A_245 = vector.broadcast %jit3A_242 : f32 to vector<1024x1xf32>
    %min3A_246 = arith.minimumf %min3A_245, %max3A_244 : vector<1024x1xf32>
    %mul3A_247 = arith.mulf %mul3A_51, %mul3A_233 : vector<1024x1xf32>
    %mul3A_248 = arith.mulf %mul3A_52, %mul3A_234 : vector<1024x1xf32>
    %add3A_249 = arith.addf %mul3A_247, %mul3A_248 : vector<1024x1xf32>
    %mul3A_250 = arith.mulf %mul3A_53, %mul3A_235 : vector<1024x1xf32>
    %add3A_251 = arith.addf %add3A_249, %mul3A_250 : vector<1024x1xf32>
    %sign3A_252 = tpu.bitcast %add3A_251 : vector<1024x1xf32> -> vector<1024x1xi32>
    %sign3A_253 = arith.constant -2147483648 : i32
    %sign3A_254 = vector.broadcast %sign3A_253 : i32 to vector<1024x1xi32>
    %sign3A_255 = arith.andi %sign3A_252, %sign3A_254 : vector<1024x1xi32>
    %sign3A_256 = arith.constant 1065353216 : i32
    %sign3A_257 = vector.broadcast %sign3A_256 : i32 to vector<1024x1xi32>
    %sign3A_258 = arith.ori %sign3A_257, %sign3A_255 : vector<1024x1xi32>
    %sign3A_259 = tpu.bitcast %sign3A_258 : vector<1024x1xi32> -> vector<1024x1xf32>
    %sign3A_260 = math.absf %add3A_251 : vector<1024x1xf32>
    %sign3A_261 = arith.constant 0.000000e+00 : f32
    %sign3A_262 = vector.broadcast %sign3A_261 : f32 to vector<1024x1xf32>
    %sign3A_263 = arith.cmpf ogt, %sign3A_260, %sign3A_262 : vector<1024x1xf32>
    %sign3A_264 = arith.select %sign3A_263, %sign3A_259, %add3A_251 : vector<1024x1xi1>, vector<1024x1xf32>
    %mul3A_265 = arith.mulf %min3A_246, %min3A_246 : vector<1024x1xf32>
    %sub3A_266 = arith.constant 1.000000e+00 : f32
    %sub3A_267 = vector.broadcast %sub3A_266 : f32 to vector<1024x1xf32>
    %sub3A_268 = arith.subf %sub3A_267, %mul3A_265 : vector<1024x1xf32>
    %sqrt3A_269 = math.sqrt %sub3A_268 : vector<1024x1xf32>
    %mul3A_270 = arith.mulf %sign3A_264, %sqrt3A_269 : vector<1024x1xf32>
    %mul3A_271 = arith.mulf %mul3A_70, %mul3A_89 : vector<1024x1xf32>
    %mul3A_272 = arith.mulf %mul3A_71, %mul3A_88 : vector<1024x1xf32>
    %sub3A_273 = arith.subf %mul3A_271, %mul3A_272 : vector<1024x1xf32>
    %mul3A_274 = arith.mulf %mul3A_71, %mul3A_87 : vector<1024x1xf32>
    %mul3A_275 = arith.mulf %mul3A_69, %mul3A_89 : vector<1024x1xf32>
    %sub3A_276 = arith.subf %mul3A_274, %mul3A_275 : vector<1024x1xf32>
    %mul3A_277 = arith.mulf %mul3A_69, %mul3A_88 : vector<1024x1xf32>
    %mul3A_278 = arith.mulf %mul3A_70, %mul3A_87 : vector<1024x1xf32>
    %sub3A_279 = arith.subf %mul3A_277, %mul3A_278 : vector<1024x1xf32>
    %mul3A_280 = arith.mulf %sub3A_273, %sub3A_273 : vector<1024x1xf32>
    %mul3A_281 = arith.mulf %sub3A_276, %sub3A_276 : vector<1024x1xf32>
    %add3A_282 = arith.addf %mul3A_280, %mul3A_281 : vector<1024x1xf32>
    %mul3A_283 = arith.mulf %sub3A_279, %sub3A_279 : vector<1024x1xf32>
    %add3A_284 = arith.addf %add3A_282, %mul3A_283 : vector<1024x1xf32>
    %max3A_285 = arith.constant 9.99999993E-9 : f32
    %max3A_286 = vector.broadcast %max3A_285 : f32 to vector<1024x1xf32>
    %max3A_287 = arith.maximumf %add3A_284, %max3A_286 : vector<1024x1xf32>
    %sqrt3A_288 = math.sqrt %max3A_287 : vector<1024x1xf32>
    %div3A_289 = arith.constant 1.000000e+00 : f32
    %div3A_290 = vector.broadcast %div3A_289 : f32 to vector<1024x1xf32>
    %div3A_291 = arith.divf %div3A_290, %sqrt3A_288 : vector<1024x1xf32>
    %mul3A_292 = arith.mulf %sub3A_273, %div3A_291 : vector<1024x1xf32>
    %mul3A_293 = arith.mulf %sub3A_276, %div3A_291 : vector<1024x1xf32>
    %mul3A_294 = arith.mulf %sub3A_279, %div3A_291 : vector<1024x1xf32>
    %mul3A_295 = arith.mulf %mul3A_88, %mul3A_107 : vector<1024x1xf32>
    %mul3A_296 = arith.mulf %mul3A_89, %mul3A_106 : vector<1024x1xf32>
    %sub3A_297 = arith.subf %mul3A_295, %mul3A_296 : vector<1024x1xf32>
    %mul3A_298 = arith.mulf %mul3A_89, %mul3A_105 : vector<1024x1xf32>
    %mul3A_299 = arith.mulf %mul3A_87, %mul3A_107 : vector<1024x1xf32>
    %sub3A_300 = arith.subf %mul3A_298, %mul3A_299 : vector<1024x1xf32>
    %mul3A_301 = arith.mulf %mul3A_87, %mul3A_106 : vector<1024x1xf32>
    %mul3A_302 = arith.mulf %mul3A_88, %mul3A_105 : vector<1024x1xf32>
    %sub3A_303 = arith.subf %mul3A_301, %mul3A_302 : vector<1024x1xf32>
    %mul3A_304 = arith.mulf %sub3A_297, %sub3A_297 : vector<1024x1xf32>
    %mul3A_305 = arith.mulf %sub3A_300, %sub3A_300 : vector<1024x1xf32>
    %add3A_306 = arith.addf %mul3A_304, %mul3A_305 : vector<1024x1xf32>
    %mul3A_307 = arith.mulf %sub3A_303, %sub3A_303 : vector<1024x1xf32>
    %add3A_308 = arith.addf %add3A_306, %mul3A_307 : vector<1024x1xf32>
    %max3A_309 = arith.constant 9.99999993E-9 : f32
    %max3A_310 = vector.broadcast %max3A_309 : f32 to vector<1024x1xf32>
    %max3A_311 = arith.maximumf %add3A_308, %max3A_310 : vector<1024x1xf32>
    %sqrt3A_312 = math.sqrt %max3A_311 : vector<1024x1xf32>
    %div3A_313 = arith.constant 1.000000e+00 : f32
    %div3A_314 = vector.broadcast %div3A_313 : f32 to vector<1024x1xf32>
    %div3A_315 = arith.divf %div3A_314, %sqrt3A_312 : vector<1024x1xf32>
    %mul3A_316 = arith.mulf %sub3A_297, %div3A_315 : vector<1024x1xf32>
    %mul3A_317 = arith.mulf %sub3A_300, %div3A_315 : vector<1024x1xf32>
    %mul3A_318 = arith.mulf %sub3A_303, %div3A_315 : vector<1024x1xf32>
    %mul3A_319 = arith.mulf %mul3A_292, %mul3A_316 : vector<1024x1xf32>
    %mul3A_320 = arith.mulf %mul3A_293, %mul3A_317 : vector<1024x1xf32>
    %add3A_321 = arith.addf %mul3A_319, %mul3A_320 : vector<1024x1xf32>
    %mul3A_322 = arith.mulf %mul3A_294, %mul3A_318 : vector<1024x1xf32>
    %add3A_323 = arith.addf %add3A_321, %mul3A_322 : vector<1024x1xf32>
    %jit3A_324 = arith.constant -0.99999988 : f32
    %jit3A_325 = arith.constant 0.99999988 : f32
    %max3A_326 = vector.broadcast %jit3A_324 : f32 to vector<1024x1xf32>
    %max3A_327 = arith.maximumf %max3A_326, %add3A_323 : vector<1024x1xf32>
    %min3A_328 = vector.broadcast %jit3A_325 : f32 to vector<1024x1xf32>
    %min3A_329 = arith.minimumf %min3A_328, %max3A_327 : vector<1024x1xf32>
    %mul3A_330 = arith.mulf %mul3A_69, %mul3A_316 : vector<1024x1xf32>
    %mul3A_331 = arith.mulf %mul3A_70, %mul3A_317 : vector<1024x1xf32>
    %add3A_332 = arith.addf %mul3A_330, %mul3A_331 : vector<1024x1xf32>
    %mul3A_333 = arith.mulf %mul3A_71, %mul3A_318 : vector<1024x1xf32>
    %add3A_334 = arith.addf %add3A_332, %mul3A_333 : vector<1024x1xf32>
    %sign3A_335 = tpu.bitcast %add3A_334 : vector<1024x1xf32> -> vector<1024x1xi32>
    %sign3A_336 = arith.constant -2147483648 : i32
    %sign3A_337 = vector.broadcast %sign3A_336 : i32 to vector<1024x1xi32>
    %sign3A_338 = arith.andi %sign3A_335, %sign3A_337 : vector<1024x1xi32>
    %sign3A_339 = arith.constant 1065353216 : i32
    %sign3A_340 = vector.broadcast %sign3A_339 : i32 to vector<1024x1xi32>
    %sign3A_341 = arith.ori %sign3A_340, %sign3A_338 : vector<1024x1xi32>
    %sign3A_342 = tpu.bitcast %sign3A_341 : vector<1024x1xi32> -> vector<1024x1xf32>
    %sign3A_343 = math.absf %add3A_334 : vector<1024x1xf32>
    %sign3A_344 = arith.constant 0.000000e+00 : f32
    %sign3A_345 = vector.broadcast %sign3A_344 : f32 to vector<1024x1xf32>
    %sign3A_346 = arith.cmpf ogt, %sign3A_343, %sign3A_345 : vector<1024x1xf32>
    %sign3A_347 = arith.select %sign3A_346, %sign3A_342, %add3A_334 : vector<1024x1xi1>, vector<1024x1xf32>
    %mul3A_348 = arith.mulf %min3A_329, %min3A_329 : vector<1024x1xf32>
    %sub3A_349 = arith.constant 1.000000e+00 : f32
    %sub3A_350 = vector.broadcast %sub3A_349 : f32 to vector<1024x1xf32>
    %sub3A_351 = arith.subf %sub3A_350, %mul3A_348 : vector<1024x1xf32>
    %sqrt3A_352 = math.sqrt %sub3A_351 : vector<1024x1xf32>
    %mul3A_353 = arith.mulf %sign3A_347, %sqrt3A_352 : vector<1024x1xf32>
    %gt3A = arith.constant 5.000000e-01 : f32
    %gt3A_354 = vector.broadcast %gt3A : f32 to vector<1024x1xf32>
    %gt3A_355 = arith.cmpf ogt, %slice3A_22, %gt3A_354 : vector<1024x1xf32>
    %jit3A_356 = arith.constant 1.000000e+00 : f32
    %broadcast_in_dim3A = vector.broadcast %jit3A_356 : f32 to vector<1024x1xf32>
    %select_n3A = arith.select %gt3A_355, %broadcast_in_dim3A, %min3A_164 : vector<1024x1xi1>, vector<1024x1xf32>
    %gt3A_357 = arith.constant 5.000000e-01 : f32
    %gt3A_358 = vector.broadcast %gt3A_357 : f32 to vector<1024x1xf32>
    %gt3A_359 = arith.cmpf ogt, %slice3A_22, %gt3A_358 : vector<1024x1xf32>
    %jit3A_360 = arith.constant 0.000000e+00 : f32
    %broadcast_in_dim3A_361 = vector.broadcast %jit3A_360 : f32 to vector<1024x1xf32>
    %select_n3A_362 = arith.select %gt3A_359, %broadcast_in_dim3A_361, %mul3A_187 : vector<1024x1xi1>, vector<1024x1xf32>
    %gt3A_363 = arith.constant 5.000000e-01 : f32
    %gt3A_364 = vector.broadcast %gt3A_363 : f32 to vector<1024x1xf32>
    %gt3A_365 = arith.cmpf ogt, %slice3A_23, %gt3A_364 : vector<1024x1xf32>
    %jit3A_366 = arith.constant 1.000000e+00 : f32
    %broadcast_in_dim3A_367 = vector.broadcast %jit3A_366 : f32 to vector<1024x1xf32>
    %select_n3A_368 = arith.select %gt3A_365, %broadcast_in_dim3A_367, %min3A_246 : vector<1024x1xi1>, vector<1024x1xf32>
    %gt3A_369 = arith.constant 5.000000e-01 : f32
    %gt3A_370 = vector.broadcast %gt3A_369 : f32 to vector<1024x1xf32>
    %gt3A_371 = arith.cmpf ogt, %slice3A_23, %gt3A_370 : vector<1024x1xf32>
    %jit3A_372 = arith.constant 0.000000e+00 : f32
    %broadcast_in_dim3A_373 = vector.broadcast %jit3A_372 : f32 to vector<1024x1xf32>
    %select_n3A_374 = arith.select %gt3A_371, %broadcast_in_dim3A_373, %mul3A_270 : vector<1024x1xi1>, vector<1024x1xf32>
    %gt3A_375 = arith.constant 5.000000e-01 : f32
    %gt3A_376 = vector.broadcast %gt3A_375 : f32 to vector<1024x1xf32>
    %gt3A_377 = arith.cmpf ogt, %slice3A_23, %gt3A_376 : vector<1024x1xf32>
    %jit3A_378 = arith.constant 1.000000e+00 : f32
    %broadcast_in_dim3A_379 = vector.broadcast %jit3A_378 : f32 to vector<1024x1xf32>
    %select_n3A_380 = arith.select %gt3A_377, %broadcast_in_dim3A_379, %min3A_329 : vector<1024x1xi1>, vector<1024x1xf32>
    %gt3A_381 = arith.constant 5.000000e-01 : f32
    %gt3A_382 = vector.broadcast %gt3A_381 : f32 to vector<1024x1xf32>
    %gt3A_383 = arith.cmpf ogt, %slice3A_23, %gt3A_382 : vector<1024x1xf32>
    %jit3A_384 = arith.constant 0.000000e+00 : f32
    %broadcast_in_dim3A_385 = vector.broadcast %jit3A_384 : f32 to vector<1024x1xf32>
    %select_n3A_386 = arith.select %gt3A_383, %broadcast_in_dim3A_385, %mul3A_353 : vector<1024x1xi1>, vector<1024x1xf32>
    %sub3A_387 = arith.subf %slice3A_19, %slice3A_10 : vector<1024x1xf32>
    %sub3A_388 = arith.subf %slice3A_20, %slice3A_11 : vector<1024x1xf32>
    %sub3A_389 = arith.subf %slice3A_21, %slice3A_12 : vector<1024x1xf32>
    %mul3A_390 = arith.mulf %sub3A_387, %sub3A_387 : vector<1024x1xf32>
    %mul3A_391 = arith.mulf %sub3A_388, %sub3A_388 : vector<1024x1xf32>
    %add3A_392 = arith.addf %mul3A_390, %mul3A_391 : vector<1024x1xf32>
    %mul3A_393 = arith.mulf %sub3A_389, %sub3A_389 : vector<1024x1xf32>
    %add3A_394 = arith.addf %add3A_392, %mul3A_393 : vector<1024x1xf32>
    %max3A_395 = arith.constant 9.99999993E-9 : f32
    %max3A_396 = vector.broadcast %max3A_395 : f32 to vector<1024x1xf32>
    %max3A_397 = arith.maximumf %add3A_394, %max3A_396 : vector<1024x1xf32>
    %sqrt3A_398 = math.sqrt %max3A_397 : vector<1024x1xf32>
    %div3A_399 = arith.constant 1.000000e+00 : f32
    %div3A_400 = vector.broadcast %div3A_399 : f32 to vector<1024x1xf32>
    %div3A_401 = arith.divf %div3A_400, %sqrt3A_398 : vector<1024x1xf32>
    %mul3A_402 = arith.mulf %sub3A_387, %div3A_401 : vector<1024x1xf32>
    %mul3A_403 = arith.mulf %sub3A_388, %div3A_401 : vector<1024x1xf32>
    %mul3A_404 = arith.mulf %sub3A_389, %div3A_401 : vector<1024x1xf32>
    %sub3A_405 = arith.subf %slice3A, %slice3A_10 : vector<1024x1xf32>
    %sub3A_406 = arith.subf %slice3A_2, %slice3A_11 : vector<1024x1xf32>
    %sub3A_407 = arith.subf %slice3A_3, %slice3A_12 : vector<1024x1xf32>
    %mul3A_408 = arith.mulf %sub3A_405, %sub3A_405 : vector<1024x1xf32>
    %mul3A_409 = arith.mulf %sub3A_406, %sub3A_406 : vector<1024x1xf32>
    %add3A_410 = arith.addf %mul3A_408, %mul3A_409 : vector<1024x1xf32>
    %mul3A_411 = arith.mulf %sub3A_407, %sub3A_407 : vector<1024x1xf32>
    %add3A_412 = arith.addf %add3A_410, %mul3A_411 : vector<1024x1xf32>
    %max3A_413 = arith.constant 9.99999993E-9 : f32
    %max3A_414 = vector.broadcast %max3A_413 : f32 to vector<1024x1xf32>
    %max3A_415 = arith.maximumf %add3A_412, %max3A_414 : vector<1024x1xf32>
    %sqrt3A_416 = math.sqrt %max3A_415 : vector<1024x1xf32>
    %div3A_417 = arith.constant 1.000000e+00 : f32
    %div3A_418 = vector.broadcast %div3A_417 : f32 to vector<1024x1xf32>
    %div3A_419 = arith.divf %div3A_418, %sqrt3A_416 : vector<1024x1xf32>
    %mul3A_420 = arith.mulf %sub3A_405, %div3A_419 : vector<1024x1xf32>
    %mul3A_421 = arith.mulf %sub3A_406, %div3A_419 : vector<1024x1xf32>
    %mul3A_422 = arith.mulf %sub3A_407, %div3A_419 : vector<1024x1xf32>
    %sub3A_423 = arith.constant 1.000000e+00 : f32
    %sub3A_424 = vector.broadcast %sub3A_423 : f32 to vector<1024x1xf32>
    %sub3A_425 = arith.subf %sub3A_424, %slice3A_23 : vector<1024x1xf32>
    %sub3A_426 = arith.constant 1.000000e+00 : f32
    %sub3A_427 = vector.broadcast %sub3A_426 : f32 to vector<1024x1xf32>
    %sub3A_428 = arith.subf %sub3A_427, %slice3A_22 : vector<1024x1xf32>
    %mul3A_429 = arith.mulf %mul3A_402, %sub3A_425 : vector<1024x1xf32>
    %mul3A_430 = arith.mulf %mul3A_403, %sub3A_425 : vector<1024x1xf32>
    %mul3A_431 = arith.mulf %mul3A_404, %sub3A_425 : vector<1024x1xf32>
    %mul3A_432 = arith.mulf %mul3A_420, %sub3A_428 : vector<1024x1xf32>
    %mul3A_433 = arith.mulf %mul3A_421, %sub3A_428 : vector<1024x1xf32>
    %mul3A_434 = arith.mulf %mul3A_422, %sub3A_428 : vector<1024x1xf32>
    %sub3A_435 = arith.subf %slice3A_13, %slice3A_10 : vector<1024x1xf32>
    %sub3A_436 = arith.subf %slice3A_14, %slice3A_11 : vector<1024x1xf32>
    %sub3A_437 = arith.subf %slice3A_15, %slice3A_12 : vector<1024x1xf32>
    %mul3A_438 = arith.mulf %sub3A_435, %sub3A_435 : vector<1024x1xf32>
    %mul3A_439 = arith.mulf %sub3A_436, %sub3A_436 : vector<1024x1xf32>
    %add3A_440 = arith.addf %mul3A_438, %mul3A_439 : vector<1024x1xf32>
    %mul3A_441 = arith.mulf %sub3A_437, %sub3A_437 : vector<1024x1xf32>
    %add3A_442 = arith.addf %add3A_440, %mul3A_441 : vector<1024x1xf32>
    %max3A_443 = arith.constant 9.99999993E-9 : f32
    %max3A_444 = vector.broadcast %max3A_443 : f32 to vector<1024x1xf32>
    %max3A_445 = arith.maximumf %add3A_442, %max3A_444 : vector<1024x1xf32>
    %sqrt3A_446 = math.sqrt %max3A_445 : vector<1024x1xf32>
    %div3A_447 = arith.constant 1.000000e+00 : f32
    %div3A_448 = vector.broadcast %div3A_447 : f32 to vector<1024x1xf32>
    %div3A_449 = arith.divf %div3A_448, %sqrt3A_446 : vector<1024x1xf32>
    %mul3A_450 = arith.mulf %sub3A_435, %div3A_449 : vector<1024x1xf32>
    %mul3A_451 = arith.mulf %sub3A_436, %div3A_449 : vector<1024x1xf32>
    %mul3A_452 = arith.mulf %sub3A_437, %div3A_449 : vector<1024x1xf32>
    %sub3A_453 = arith.subf %slice3A_7, %slice3A_10 : vector<1024x1xf32>
    %sub3A_454 = arith.subf %slice3A_8, %slice3A_11 : vector<1024x1xf32>
    %sub3A_455 = arith.subf %slice3A_9, %slice3A_12 : vector<1024x1xf32>
    %mul3A_456 = arith.mulf %sub3A_453, %sub3A_453 : vector<1024x1xf32>
    %mul3A_457 = arith.mulf %sub3A_454, %sub3A_454 : vector<1024x1xf32>
    %add3A_458 = arith.addf %mul3A_456, %mul3A_457 : vector<1024x1xf32>
    %mul3A_459 = arith.mulf %sub3A_455, %sub3A_455 : vector<1024x1xf32>
    %add3A_460 = arith.addf %add3A_458, %mul3A_459 : vector<1024x1xf32>
    %max3A_461 = arith.constant 9.99999993E-9 : f32
    %max3A_462 = vector.broadcast %max3A_461 : f32 to vector<1024x1xf32>
    %max3A_463 = arith.maximumf %add3A_460, %max3A_462 : vector<1024x1xf32>
    %sqrt3A_464 = math.sqrt %max3A_463 : vector<1024x1xf32>
    %div3A_465 = arith.constant 1.000000e+00 : f32
    %div3A_466 = vector.broadcast %div3A_465 : f32 to vector<1024x1xf32>
    %div3A_467 = arith.divf %div3A_466, %sqrt3A_464 : vector<1024x1xf32>
    %mul3A_468 = arith.mulf %sub3A_453, %div3A_467 : vector<1024x1xf32>
    %mul3A_469 = arith.mulf %sub3A_454, %div3A_467 : vector<1024x1xf32>
    %mul3A_470 = arith.mulf %sub3A_455, %div3A_467 : vector<1024x1xf32>
    %add3A_471 = arith.addf %mul3A_450, %mul3A_468 : vector<1024x1xf32>
    %add3A_472 = arith.addf %mul3A_451, %mul3A_469 : vector<1024x1xf32>
    %add3A_473 = arith.addf %mul3A_452, %mul3A_470 : vector<1024x1xf32>
    %mul3A_474 = arith.mulf %add3A_471, %add3A_471 : vector<1024x1xf32>
    %mul3A_475 = arith.mulf %add3A_472, %add3A_472 : vector<1024x1xf32>
    %add3A_476 = arith.addf %mul3A_474, %mul3A_475 : vector<1024x1xf32>
    %mul3A_477 = arith.mulf %add3A_473, %add3A_473 : vector<1024x1xf32>
    %add3A_478 = arith.addf %add3A_476, %mul3A_477 : vector<1024x1xf32>
    %max3A_479 = arith.constant 9.99999993E-9 : f32
    %max3A_480 = vector.broadcast %max3A_479 : f32 to vector<1024x1xf32>
    %max3A_481 = arith.maximumf %add3A_478, %max3A_480 : vector<1024x1xf32>
    %sqrt3A_482 = math.sqrt %max3A_481 : vector<1024x1xf32>
    %div3A_483 = arith.constant 1.000000e+00 : f32
    %div3A_484 = vector.broadcast %div3A_483 : f32 to vector<1024x1xf32>
    %div3A_485 = arith.divf %div3A_484, %sqrt3A_482 : vector<1024x1xf32>
    %mul3A_486 = arith.mulf %add3A_471, %div3A_485 : vector<1024x1xf32>
    %mul3A_487 = arith.mulf %add3A_472, %div3A_485 : vector<1024x1xf32>
    %mul3A_488 = arith.mulf %add3A_473, %div3A_485 : vector<1024x1xf32>
    %mul3A_489 = arith.mulf %mul3A_451, %mul3A_470 : vector<1024x1xf32>
    %mul3A_490 = arith.mulf %mul3A_452, %mul3A_469 : vector<1024x1xf32>
    %sub3A_491 = arith.subf %mul3A_489, %mul3A_490 : vector<1024x1xf32>
    %mul3A_492 = arith.mulf %mul3A_452, %mul3A_468 : vector<1024x1xf32>
    %mul3A_493 = arith.mulf %mul3A_450, %mul3A_470 : vector<1024x1xf32>
    %sub3A_494 = arith.subf %mul3A_492, %mul3A_493 : vector<1024x1xf32>
    %mul3A_495 = arith.mulf %mul3A_450, %mul3A_469 : vector<1024x1xf32>
    %mul3A_496 = arith.mulf %mul3A_451, %mul3A_468 : vector<1024x1xf32>
    %sub3A_497 = arith.subf %mul3A_495, %mul3A_496 : vector<1024x1xf32>
    %mul3A_498 = arith.mulf %sub3A_491, %sub3A_491 : vector<1024x1xf32>
    %mul3A_499 = arith.mulf %sub3A_494, %sub3A_494 : vector<1024x1xf32>
    %add3A_500 = arith.addf %mul3A_498, %mul3A_499 : vector<1024x1xf32>
    %mul3A_501 = arith.mulf %sub3A_497, %sub3A_497 : vector<1024x1xf32>
    %add3A_502 = arith.addf %add3A_500, %mul3A_501 : vector<1024x1xf32>
    %max3A_503 = arith.constant 9.99999993E-9 : f32
    %max3A_504 = vector.broadcast %max3A_503 : f32 to vector<1024x1xf32>
    %max3A_505 = arith.maximumf %add3A_502, %max3A_504 : vector<1024x1xf32>
    %sqrt3A_506 = math.sqrt %max3A_505 : vector<1024x1xf32>
    %div3A_507 = arith.constant 1.000000e+00 : f32
    %div3A_508 = vector.broadcast %div3A_507 : f32 to vector<1024x1xf32>
    %div3A_509 = arith.divf %div3A_508, %sqrt3A_506 : vector<1024x1xf32>
    %mul3A_510 = arith.mulf %sub3A_491, %div3A_509 : vector<1024x1xf32>
    %mul3A_511 = arith.mulf %sub3A_494, %div3A_509 : vector<1024x1xf32>
    %mul3A_512 = arith.mulf %sub3A_497, %div3A_509 : vector<1024x1xf32>
    %mul3A_513 = arith.constant -0.577350259 : f32
    %mul3A_514 = vector.broadcast %mul3A_513 : f32 to vector<1024x1xf32>
    %mul3A_515 = arith.mulf %mul3A_486, %mul3A_514 : vector<1024x1xf32>
    %mul3A_516 = arith.constant -0.816496611 : f32
    %mul3A_517 = vector.broadcast %mul3A_516 : f32 to vector<1024x1xf32>
    %mul3A_518 = arith.mulf %mul3A_510, %mul3A_517 : vector<1024x1xf32>
    %add3A_519 = arith.addf %mul3A_515, %mul3A_518 : vector<1024x1xf32>
    %mul3A_520 = arith.constant -0.577350259 : f32
    %mul3A_521 = vector.broadcast %mul3A_520 : f32 to vector<1024x1xf32>
    %mul3A_522 = arith.mulf %mul3A_487, %mul3A_521 : vector<1024x1xf32>
    %mul3A_523 = arith.constant -0.816496611 : f32
    %mul3A_524 = vector.broadcast %mul3A_523 : f32 to vector<1024x1xf32>
    %mul3A_525 = arith.mulf %mul3A_511, %mul3A_524 : vector<1024x1xf32>
    %add3A_526 = arith.addf %mul3A_522, %mul3A_525 : vector<1024x1xf32>
    %mul3A_527 = arith.constant -0.577350259 : f32
    %mul3A_528 = vector.broadcast %mul3A_527 : f32 to vector<1024x1xf32>
    %mul3A_529 = arith.mulf %mul3A_488, %mul3A_528 : vector<1024x1xf32>
    %mul3A_530 = arith.constant -0.816496611 : f32
    %mul3A_531 = vector.broadcast %mul3A_530 : f32 to vector<1024x1xf32>
    %mul3A_532 = arith.mulf %mul3A_512, %mul3A_531 : vector<1024x1xf32>
    %add3A_533 = arith.addf %mul3A_529, %mul3A_532 : vector<1024x1xf32>
    %get3A_534 = arith.constant 0 : index
    %get3A_535 = arith.constant 0 : index
    %get3A_536 = vector.load %arg2[%get3A_534, %get3A_535] : memref<3x16xf32, #tpu.memory_space<vmem>>, vector<1x16xf32>
    %mul3A_537 = vector.broadcast %add3A_519 : vector<1024x1xf32> to vector<1024x16xf32>
    %mul3A_538 = vector.broadcast %get3A_536 : vector<1x16xf32> to vector<1024x16xf32>
    %mul3A_539 = arith.mulf %mul3A_537, %mul3A_538 : vector<1024x16xf32>
    %get3A_540 = arith.constant 1 : index
    %get3A_541 = arith.constant 0 : index
    %get3A_542 = vector.load %arg2[%get3A_540, %get3A_541] : memref<3x16xf32, #tpu.memory_space<vmem>>, vector<1x16xf32>
    %mul3A_543 = vector.broadcast %mul3A_429 : vector<1024x1xf32> to vector<1024x16xf32>
    %mul3A_544 = vector.broadcast %get3A_542 : vector<1x16xf32> to vector<1024x16xf32>
    %mul3A_545 = arith.mulf %mul3A_543, %mul3A_544 : vector<1024x16xf32>
    %add3A_546 = arith.addf %mul3A_539, %mul3A_545 : vector<1024x16xf32>
    %get3A_547 = arith.constant 2 : index
    %get3A_548 = arith.constant 0 : index
    %get3A_549 = vector.load %arg2[%get3A_547, %get3A_548] : memref<3x16xf32, #tpu.memory_space<vmem>>, vector<1x16xf32>
    %mul3A_550 = vector.broadcast %mul3A_432 : vector<1024x1xf32> to vector<1024x16xf32>
    %mul3A_551 = vector.broadcast %get3A_549 : vector<1x16xf32> to vector<1024x16xf32>
    %mul3A_552 = arith.mulf %mul3A_550, %mul3A_551 : vector<1024x16xf32>
    %add3A_553 = arith.addf %add3A_546, %mul3A_552 : vector<1024x16xf32>
    %get3A_554 = arith.constant 0 : index
    %get3A_555 = arith.constant 0 : index
    %get3A_556 = vector.load %arg2[%get3A_554, %get3A_555] : memref<3x16xf32, #tpu.memory_space<vmem>>, vector<1x16xf32>
    %mul3A_557 = vector.broadcast %add3A_526 : vector<1024x1xf32> to vector<1024x16xf32>
    %mul3A_558 = vector.broadcast %get3A_556 : vector<1x16xf32> to vector<1024x16xf32>
    %mul3A_559 = arith.mulf %mul3A_557, %mul3A_558 : vector<1024x16xf32>
    %get3A_560 = arith.constant 1 : index
    %get3A_561 = arith.constant 0 : index
    %get3A_562 = vector.load %arg2[%get3A_560, %get3A_561] : memref<3x16xf32, #tpu.memory_space<vmem>>, vector<1x16xf32>
    %mul3A_563 = vector.broadcast %mul3A_430 : vector<1024x1xf32> to vector<1024x16xf32>
    %mul3A_564 = vector.broadcast %get3A_562 : vector<1x16xf32> to vector<1024x16xf32>
    %mul3A_565 = arith.mulf %mul3A_563, %mul3A_564 : vector<1024x16xf32>
    %add3A_566 = arith.addf %mul3A_559, %mul3A_565 : vector<1024x16xf32>
    %get3A_567 = arith.constant 2 : index
    %get3A_568 = arith.constant 0 : index
    %get3A_569 = vector.load %arg2[%get3A_567, %get3A_568] : memref<3x16xf32, #tpu.memory_space<vmem>>, vector<1x16xf32>
    %mul3A_570 = vector.broadcast %mul3A_433 : vector<1024x1xf32> to vector<1024x16xf32>
    %mul3A_571 = vector.broadcast %get3A_569 : vector<1x16xf32> to vector<1024x16xf32>
    %mul3A_572 = arith.mulf %mul3A_570, %mul3A_571 : vector<1024x16xf32>
    %add3A_573 = arith.addf %add3A_566, %mul3A_572 : vector<1024x16xf32>
    %get3A_574 = arith.constant 0 : index
    %get3A_575 = arith.constant 0 : index
    %get3A_576 = vector.load %arg2[%get3A_574, %get3A_575] : memref<3x16xf32, #tpu.memory_space<vmem>>, vector<1x16xf32>
    %mul3A_577 = vector.broadcast %add3A_533 : vector<1024x1xf32> to vector<1024x16xf32>
    %mul3A_578 = vector.broadcast %get3A_576 : vector<1x16xf32> to vector<1024x16xf32>
    %mul3A_579 = arith.mulf %mul3A_577, %mul3A_578 : vector<1024x16xf32>
    %get3A_580 = arith.constant 1 : index
    %get3A_581 = arith.constant 0 : index
    %get3A_582 = vector.load %arg2[%get3A_580, %get3A_581] : memref<3x16xf32, #tpu.memory_space<vmem>>, vector<1x16xf32>
    %mul3A_583 = vector.broadcast %mul3A_431 : vector<1024x1xf32> to vector<1024x16xf32>
    %mul3A_584 = vector.broadcast %get3A_582 : vector<1x16xf32> to vector<1024x16xf32>
    %mul3A_585 = arith.mulf %mul3A_583, %mul3A_584 : vector<1024x16xf32>
    %add3A_586 = arith.addf %mul3A_579, %mul3A_585 : vector<1024x16xf32>
    %get3A_587 = arith.constant 2 : index
    %get3A_588 = arith.constant 0 : index
    %get3A_589 = vector.load %arg2[%get3A_587, %get3A_588] : memref<3x16xf32, #tpu.memory_space<vmem>>, vector<1x16xf32>
    %mul3A_590 = vector.broadcast %mul3A_434 : vector<1024x1xf32> to vector<1024x16xf32>
    %mul3A_591 = vector.broadcast %get3A_589 : vector<1x16xf32> to vector<1024x16xf32>
    %mul3A_592 = arith.mulf %mul3A_590, %mul3A_591 : vector<1024x16xf32>
    %add3A_593 = arith.addf %add3A_586, %mul3A_592 : vector<1024x16xf32>
    %mul3A_594 = arith.mulf %add3A_553, %add3A_553 : vector<1024x16xf32>
    %mul3A_595 = arith.mulf %add3A_573, %add3A_573 : vector<1024x16xf32>
    %add3A_596 = arith.addf %mul3A_594, %mul3A_595 : vector<1024x16xf32>
    %mul3A_597 = arith.mulf %add3A_593, %add3A_593 : vector<1024x16xf32>
    %add3A_598 = arith.addf %add3A_596, %mul3A_597 : vector<1024x16xf32>
    %max3A_599 = arith.constant 9.99999993E-9 : f32
    %max3A_600 = vector.broadcast %max3A_599 : f32 to vector<1024x16xf32>
    %max3A_601 = arith.maximumf %add3A_598, %max3A_600 : vector<1024x16xf32>
    %sqrt3A_602 = math.sqrt %max3A_601 : vector<1024x16xf32>
    %concatenate3A = tpu.concatenate %select_n3A, %select_n3A_368, %select_n3A_380, %select_n3A_362, %select_n3A_374, %select_n3A_386, %sqrt3A_602 in 1 : vector<1024x1xf32>, vector<1024x1xf32>, vector<1024x1xf32>, vector<1024x1xf32>, vector<1024x1xf32>, vector<1024x1xf32>, vector<1024x16xf32> -> vector<1024x22xf32>
    %get3A_603 = arith.constant 0 : index
    %get3A_604 = arith.constant 0 : index
    %get3A_605 = vector.load %arg3[%get3A_603, %get3A_604] : memref<22x100xf32, #tpu.memory_space<vmem>>, vector<22x100xf32>
    %dot_general3A = arith.constant dense<0.000000e+00> : vector<1024x100xf32>
    %dot_general3A_606 = tpu.matmul %concatenate3A, %get3A_605, %dot_general3A {dimension_numbers = #tpu.dot_dimension_numbers<[1], [0], [0], [1], [0, 0, 1, 1], [], []>, transpose_lhs_hint = false} : vector<1024x22xf32>, vector<22x100xf32>, vector<1024x100xf32> -> vector<1024x100xf32>
    %get3A_607 = arith.constant 0 : index
    %get3A_608 = arith.constant 0 : index
    %get3A_609 = vector.load %arg4[%get3A_607, %get3A_608] : memref<1x100xf32, #tpu.memory_space<vmem>>, vector<1x100xf32>
    %add3A_610 = vector.broadcast %get3A_609 : vector<1x100xf32> to vector<1024x100xf32>
    %add3A_611 = arith.addf %dot_general3A_606, %add3A_610 : vector<1024x100xf32>
    %reduce_sum3A = arith.constant dense<0.000000e+00> : vector<1024xf32>
    %reduce_sum3A_612 = vector.multi_reduction <add>, %add3A_611, %reduce_sum3A [1] : vector<1024x100xf32> to vector<1024xf32>
    %broadcast_in_dim3A_613 = vector.shape_cast %reduce_sum3A_612 : vector<1024xf32> to vector<1024x1xf32>
    %div3A_614 = arith.constant 1.000000e+02 : f32
    %div3A_615 = vector.broadcast %div3A_614 : f32 to vector<1024x1xf32>
    %div3A_616 = arith.divf %broadcast_in_dim3A_613, %div3A_615 : vector<1024x1xf32>
    %sub3A_617 = vector.broadcast %div3A_616 : vector<1024x1xf32> to vector<1024x100xf32>
    %sub3A_618 = arith.subf %add3A_611, %sub3A_617 : vector<1024x100xf32>
    %square3A = arith.mulf %sub3A_618, %sub3A_618 : vector<1024x100xf32>
    %reduce_sum3A_619 = arith.constant dense<0.000000e+00> : vector<1024xf32>
    %reduce_sum3A_620 = vector.multi_reduction <add>, %square3A, %reduce_sum3A_619 [1] : vector<1024x100xf32> to vector<1024xf32>
    %broadcast_in_dim3A_621 = vector.shape_cast %reduce_sum3A_620 : vector<1024xf32> to vector<1024x1xf32>
    %div3A_622 = arith.constant 1.000000e+02 : f32
    %div3A_623 = vector.broadcast %div3A_622 : f32 to vector<1024x1xf32>
    %div3A_624 = arith.divf %broadcast_in_dim3A_621, %div3A_623 : vector<1024x1xf32>
    %get3A_625 = arith.constant 0 : index
    %get3A_626 = arith.constant 0 : index
    %get3A_627 = vector.load %arg6[%get3A_625, %get3A_626] : memref<1x100xf32, #tpu.memory_space<vmem>>, vector<1x100xf32>
    %sub3A_628 = vector.broadcast %div3A_616 : vector<1024x1xf32> to vector<1024x100xf32>
    %sub3A_629 = arith.subf %add3A_611, %sub3A_628 : vector<1024x100xf32>
    %mul3A_630 = vector.broadcast %get3A_627 : vector<1x100xf32> to vector<1024x100xf32>
    %mul3A_631 = arith.mulf %mul3A_630, %sub3A_629 : vector<1024x100xf32>
    %add3A_632 = arith.constant 1.000000e-03 : f32
    %add3A_633 = vector.broadcast %add3A_632 : f32 to vector<1024x1xf32>
    %add3A_634 = arith.addf %div3A_624, %add3A_633 : vector<1024x1xf32>
    %sqrt3A_635 = math.sqrt %add3A_634 : vector<1024x1xf32>
    %div3A_636 = vector.broadcast %sqrt3A_635 : vector<1024x1xf32> to vector<1024x100xf32>
    %div3A_637 = arith.divf %mul3A_631, %div3A_636 : vector<1024x100xf32>
    %get3A_638 = arith.constant 0 : index
    %get3A_639 = arith.constant 0 : index
    %get3A_640 = vector.load %arg7[%get3A_638, %get3A_639] : memref<1x100xf32, #tpu.memory_space<vmem>>, vector<1x100xf32>
    %add3A_641 = vector.broadcast %get3A_640 : vector<1x100xf32> to vector<1024x100xf32>
    %add3A_642 = arith.addf %div3A_637, %add3A_641 : vector<1024x100xf32>
    %get3A_643 = arith.constant 0 : index
    %get3A_644 = arith.constant 0 : index
    %get3A_645 = vector.load %arg5[%get3A_643, %get3A_644] : memref<16x16xf32, #tpu.memory_space<vmem>>, vector<16x16xf32>
    %dot_general3A_646 = arith.constant dense<0.000000e+00> : vector<1024x16xf32>
    %dot_general3A_647 = tpu.matmul %add3A_553, %get3A_645, %dot_general3A_646 {dimension_numbers = #tpu.dot_dimension_numbers<[1], [0], [0], [1], [0, 0, 1, 1], [], []>, transpose_lhs_hint = false} : vector<1024x16xf32>, vector<16x16xf32>, vector<1024x16xf32> -> vector<1024x16xf32>
    %get3A_648 = arith.constant 0 : index
    %get3A_649 = arith.constant 0 : index
    %get3A_650 = vector.load %arg5[%get3A_648, %get3A_649] : memref<16x16xf32, #tpu.memory_space<vmem>>, vector<16x16xf32>
    %dot_general3A_651 = arith.constant dense<0.000000e+00> : vector<1024x16xf32>
    %dot_general3A_652 = tpu.matmul %add3A_573, %get3A_650, %dot_general3A_651 {dimension_numbers = #tpu.dot_dimension_numbers<[1], [0], [0], [1], [0, 0, 1, 1], [], []>, transpose_lhs_hint = false} : vector<1024x16xf32>, vector<16x16xf32>, vector<1024x16xf32> -> vector<1024x16xf32>
    %get3A_653 = arith.constant 0 : index
    %get3A_654 = arith.constant 0 : index
    %get3A_655 = vector.load %arg5[%get3A_653, %get3A_654] : memref<16x16xf32, #tpu.memory_space<vmem>>, vector<16x16xf32>
    %dot_general3A_656 = arith.constant dense<0.000000e+00> : vector<1024x16xf32>
    %dot_general3A_657 = tpu.matmul %add3A_593, %get3A_655, %dot_general3A_656 {dimension_numbers = #tpu.dot_dimension_numbers<[1], [0], [0], [1], [0, 0, 1, 1], [], []>, transpose_lhs_hint = false} : vector<1024x16xf32>, vector<16x16xf32>, vector<1024x16xf32> -> vector<1024x16xf32>
    %concatenate3A_658 = tpu.concatenate %dot_general3A_647, %dot_general3A_652, %dot_general3A_657, %add3A_642 in 1 : vector<1024x16xf32>, vector<1024x16xf32>, vector<1024x16xf32>, vector<1024x100xf32> -> vector<1024x148xf32>
    %swap3A = arith.constant 0 : index
    %swap3A_659 = arith.constant 0 : index
    %swap3A_660 = vector.load %arg8[%swap3A, %swap3A_659] : memref<1024x148xf32, #tpu.memory_space<vmem>>, vector<1024x148xf32>
    tpu.vector_store %arg8[%swap3A, %swap3A_659], %concatenate3A_658 {strides = array<i32>} : memref<1024x148xf32, #tpu.memory_space<vmem>>, vector<1024x148xf32>,
    return
  }
  func.func @transform_0(%arg0: i32) -> (i32, i32) {
    %c0_i32 = arith.constant 0 : i32
    %c0_i32_0 = arith.constant 0 : i32
    return %arg0, %c0_i32 : i32, i32
  }
  func.func @transform_1(%arg0: i32) -> (i32, i32) {
    %c0_i32 = arith.constant 0 : i32
    %c0_i32_0 = arith.constant 0 : i32
    %c0_i32_1 = arith.constant 0 : i32
    return %c0_i32, %c0_i32_0 : i32, i32
  }
  func.func @transform_2(%arg0: i32) -> (i32, i32) {
    %c0_i32 = arith.constant 0 : i32
    %c0_i32_0 = arith.constant 0 : i32
    %c0_i32_1 = arith.constant 0 : i32
    return %c0_i32, %c0_i32_0 : i32, i32
  }
  func.func @transform_3(%arg0: i32) -> (i32, i32) {
    %c0_i32 = arith.constant 0 : i32
    %c0_i32_0 = arith.constant 0 : i32
    %c0_i32_1 = arith.constant 0 : i32
    return %c0_i32, %c0_i32_0 : i32, i32
  }
  func.func @transform_4(%arg0: i32) -> (i32, i32) {
    %c0_i32 = arith.constant 0 : i32
    %c0_i32_0 = arith.constant 0 : i32
    %c0_i32_1 = arith.constant 0 : i32
    return %c0_i32, %c0_i32_0 : i32, i32
  }
  func.func @transform_5(%arg0: i32) -> (i32, i32) {
    %c0_i32 = arith.constant 0 : i32
    %c0_i32_0 = arith.constant 0 : i32
    %c0_i32_1 = arith.constant 0 : i32
    return %c0_i32, %c0_i32_0 : i32, i32
  }
  func.func @transform_6(%arg0: i32) -> (i32, i32) {
    %c0_i32 = arith.constant 0 : i32
    %c0_i32_0 = arith.constant 0 : i32
    %c0_i32_1 = arith.constant 0 : i32
    return %c0_i32, %c0_i32_0 : i32, i32
  }
  func.func @transform_7(%arg0: i32) -> (i32, i32) {
    %c0_i32 = arith.constant 0 : i32
    %c0_i32_0 = arith.constant 0 : i32
    return %arg0, %c0_i32 : i32, i32
  }
}

</mosaic_0001>

<sc_bundles>
// kernel: sparse-core-data-format-call.cloned.1.call-start
scs
called_computation_lowered:
.L_overlay_start_0:
0x0: {  	s2 =	sld [smem:$0x3FD9]  }
0x1: {  	s3 =	sld [smem:$0x3FFE];
	_ =	sdelay $0x1  }
0x2: {  	s1 =	srdreg.scid  }
0x3: {  	s0 =	sand.u32 $0x1, s1  }
0x4: {  	s15 =	sshll.u32 s0, $0xA;
	s2 =	sadd.s32 s3, s2  }
0x5: {  	s2 =	sadd.s32 s2, s15  }
0x6: {  	[smem:$0x3FBB] =	sst s2  }
0x7: {  	_ = 	snop  }
0x8: {  	s2 =	sld [smem:$0x3FD0];
	_ =	sdelay $0x2  }
0x9: {  	s16 =	simm.s32 $0xA;
	s4 =	simm.s32 $0x10  }
0xa: {  	[smem:s4], [sflag:s16] =	dma.local [hbm:s2], $0x1  }
0xb: {  	_ =	swait.eq [sflag:s16], $0x1  }
0xc: {  	[sflag:s16] =	ssyncset.done $0x0  }
0xd: {  	[sflag:s16] =	ssyncadd.s32 $0xFFFFFFFF  }
0xe: {  	s17 =	sld [smem:$0x11];
	(tm) =	ssettm $0x1  }
0xf: {  	s18 =	sld [smem:$0x3FFB];
	_ =	sdelay $0x3  }
0x10: {  	_ =	strace s18  }
0x11: {  	s3 =	sld [smem:$0x3FFC];
	_ =	sdelay $0x3  }
0x12: {  	_ =	strace s3  }
0x13: {  	s3 =	sld [smem:$0x3FFD];
	_ =	sdelay $0x3  }
0x14: {  	_ =	strace s3  }
0x15: {  	_ =	strace $0x8FFFFFFF  }
0x16: {  	s19 =	sld [smem:$0x3FDB];
	_ =	sdelay $0x1  }
0x17: {  	s20 =	simm.s32 $_scs_section_size  }
0x18: {  	s5 =	simm.s32 $_size__tile_overlayer_lowered;
	s6 =	simm.s32 $_tile_overlayer_lowered  }
0x19: {  	s23 =	simm.s32 $0x1BFF;
	s22 =	sshll.u32 s6, $0x1;
	s3 =	sadd.s32 s20, s19  }
0x1a: {  	s7 =	simm.s32 $0x0;
	s21 =	sshll.u32 s5, $0x1;
	s5 =	sadd.s32 s22, s3  }
0x1b: {  	[timem:s7], [sflag:s23] =	dma.local [hbm:s5], s21  }
0x1c: {  	_ =	swait.ge [sflag:s23], s21  }
0x1d: {  	s4 =	ssub.s32 $0x0, s21;
	[sflag:s23] =	ssyncset.done $0x0  }
0x1e: {  	[sflag:s23] =	ssyncadd.s32 s4;
	_ =	sdelay $0x1  }
0x1f: {  	s24 =	simm.s32 $0x1B8B  }
0x20: {  	_ =	swait.ge [sflag:s24], $0x1  }
0x21: {  	[sflag:s24] =	ssyncset.done $0x0  }
0x22: {  	s26 =	simm.s32 $0x1B8E;
	s25 =	sld [smem:$0x3FFE];
	[sflag:s24] =	ssyncadd.s32 $0xFFFFFFFF  }
0x23: {  	s27 =	simm.s32 $execute0_lowered;
	[smem:$0x3FD2] =	sst s26  }
0x24: {  	s5 =	sshll.u32 s27, $0x1;
	_ =	strace $0x80000046;
	[dreg:$0x1] =	wrdreg $0xFFFFFFFF  }
0x25: {  	s28 =	simm.s32 $_size_execute0_lowered;
	s3 =	sadd.s32 s3, s5;
	[dreg:$0x0] =	wrdreg $0x0  }
0x26: {  	s5 =	sshll.u32 s28, $0x1;
	[dreg:$0x2] =	wrdreg s3  }
0x27: {  	[dreg:$0x3] =	wrdreg s5  }
0x28: {  	[dreg:$0x4] =	wrdreg $0xC0  }
0x29: {  	_ =	task [dreg:s7], $0x5FFFF  }
0x2a: {  	[dreg:$0x1] =	wrdreg $0xFFFFFFFF  }
0x2b: {  	[dreg:$0x0] =	wrdreg $0x60  }
0x2c: {  	[dreg:$0x2] =	wrdreg s25  }
0x2d: {  	[dreg:$0x3] =	wrdreg s17  }
0x2e: {  	[dreg:$0x4] =	wrdreg $0x9  }
0x2f: {  	_ =	task.clear_ibuf [dreg:s7], $0x5FFFF;
	_ =	strace $0x90000046  }
0x30: {  	s29 =	simm.s32 $0x9;
	_ =	strace $0x80000048  }
0x31: {  	_ =	swait.ge [sflag:s29], $0x1  }
0x32: {  	[sflag:s29] =	ssyncadd.s32 $0xFFFFFFFF  }
0x33: {  	_ =	strace $0x90000048  }
0x34: {  	_ =	sfence  }
0x35: {  	s30 =	sld [smem:$0x0];
	_ =	sdelay $0x2  }
0x36: {  	s31 =	sshll.u32 s1, $0xD;
	s1 =	sshrl.u32 s1, $0x2  }
0x37: {  	s3 =	sand.u32 $0x4000, s31;
	s1 =	sadd.s32 s1, s30  }
0x38: {  	s0 =	sor.u32 s3, s0;
	s1 =	sshll.u32 s1, $0x11  }
0x39: {  	s0 =	sor.u32 s1, s0  }
0x3a: {  	s0 =	sadd.s32 $0x8F2B, s0  }
0x3b: {  	[sflag:s0] =	ssyncadd.remote.s32 $0x1  }
0x3c: {  	_ =	sfence.sel $0xFFFF  }
0x3d: {  	[dreg:$0x0] =	wrdreg $0xFFFFFFFF;
	(pc) =	sbr.abs _section_cstart, $3  }
0x3e: {  	[dreg:$0x1] =	wrdreg $0xFFFFFFFF  }
0x3f: {  	_ =	task.clear_ibuf [dreg:s7], $0x2FFFF;
	_ =	strace $0x9FFFFFFF  }
0x40: {  	(tm) =	ssettm $0x7FFFFFFF  }
0x41: {  	_ =	shalt  }
tec
execute0_lowered:
.L_overlay_start_1:
0x0: {  	(tag) =	ssettag $0x1  }
0x1: {  	s0 =	stileid.u32  }
0x2: {  	s1 =	srdreg.scid;
	s8 =	rddreg [dreg:$0x0]  }
0x3: {  	s6 =	simm.s32 $0x1;
	s7 =	simm.s32 $0x1;
	s9 =	simm.s32 $0x2  }
0x4: {  	s2 =	sshll.u32 s0, $0x1;
	s3 =	sshll.u32 s0, $0x5;
	s4 =	sshll.u32 s1, $0x9  }
0x5: {  	s20 =	simm.s32 $0x0;
	s1 =	sand.u32 $0x6, s2;
	s28 =	sor.u32 s3, s4  }
0x6: {  	s10 =	simm.s32 $0x2000;
	s2 =	sand.u32 $0x380, s28;
	s29 =	ssub.s32 $0x8, s1  }
0x7: {  	s18 =	simm.s32 $0x0;
	s30 =	sand.u32 $0x6, s29;
	s5 =	ssub.s32 $0x400, s2  }
0x8: {  	s19 =	simm.s32 $0x0;
	p0 =	sne.s32 s30, $0x0;
	s31 =	sand.u32 $0x380, s5  }
0x9: {  	s11 =	simm.s32 $0x0;
	s6 =	simm.s32 @!p0 $0x0;
	p0 =	sne.s32 s31, $0x0  }
0xa: {  	s3 =	sshrl.u32 s29, $0x3;
	s5 =	sshrl.u32 s5, $0xA;
	s7 =	simm.s32 @!p0 $0x0  }
0xb: {  	s12 =	simm.s32 $0x0;
	s6 =	sadd.s32 s6, s3;
	s5 =	sadd.s32 s7, s5  }
0xc: {  	s13 =	simm.s32 $0x0;
	s14 =	simm.s32 $0x0;
	s6 =	smul.u32 s5, s6  }
.Ltmp0:
0xd: {  	s17 =	simm.s32 $0x0;
	s4 =	rddreg [dreg:$0x1];
	(pc) =	sbr.rel .LBB1_1-.Ltmp0, $4  }
0xe: {  	s16 =	smov.u32 s1;
	s15 =	smov.u32 s2;
	s3 =	rddreg [dreg:$0x2]  }
0xf: {  	_ =	strace $0x80000047;
	s5 =	simm.s32 $0x1;
	s6 =	smul.u32 $0x1E, s6  }
0x10: {  	p0 =	por $0x0, $0x0;
	s7 =	sadd.s32 $0x787200, s8;
	[sflag:s5] =	ssyncpa.u1 $0x0  }
0x11: {  	s8 =	sadd.s32 $0x807200, s8;
	[sflag:s9] =	ssyncpa.u1 $0x0;
	s9 =	sor.u32 $0x1, s6  }
.LBB1_7:
0x12: {  	p1 =	slt.u32 s17, $0x2  }
0x13: {  	s21 =	smov.u32 s20;
	p2 =	sgt.s32 @!p1 s20, $0x1D;
	s22 =	sshra.s32 @!p1 s20, $0x1F  }
0x14: {  	s23 =	sshra.s32 @!p1 s18, $0x1F;
	p2 =	por !p2, p1;
	s20 =	sand.u32 @!p1 s22, s20  }
0x15: {  	s22 =	sshra.s32 @!p1 s19, $0x1F;
	s21 =	simm.s32 @p2 $0x1D;
	p2 =	sgt.s32 @!p1 s19, $0x6  }
0x16: {  	s20 =	ssub.s32 @!p1 s21, s20;
	p2 =	por !p2, p1;
	s21 =	smov.u32 s19  }
0x17: {  	s19 =	sand.u32 @!p1 s22, s19;
	s21 =	simm.s32 @p2 $0x6;
	p2 =	sgt.s32 @!p1 s18, $0x380  }
0x18: {  	s22 =	smov.u32 s18;
	s18 =	sand.u32 @!p1 s23, s18;
	p2 =	por !p2, p1  }
0x19: {  	s19 =	ssub.s32 @!p1 s21, s19;
	s21 =	sadd.s32 @!p1 $0xFFFFFFE3, s20;
	s22 =	simm.s32 @p2 $0x380  }
0x1a: {  	s20 =	ssub.s32 @!p1 $0x1E, s20;
	s18 =	ssub.s32 @!p1 s22, s18;
	s22 =	sadd.s32 @!p1 $0xFFFFFFFA, s19  }
0x1b: {  	s20 =	smul.u32 @!p1 $0x23, s20;
	p2 =	sgt.s32 @!p1 s22, $0x1;
	s22 =	sadd.s32 @!p1 $0xFFFFFC80, s18  }
0x1c: {  	s19 =	ssub.s32 @!p1 $0x8, s19;
	p2 =	por !p2, p1;
	p3 =	sgt.s32 @!p1 s22, $0x7F  }
0x1d: {  	s18 =	ssub.s32 @!p1 $0x400, s18;
	s19 =	simm.s32 @!p2 $0x0;
	p2 =	por !p3, p1  }
0x1e: {  	s22 =	smov.u32 s15;
	p3 =	sgt.s32 @!p1 s21, $0x0;
	s18 =	simm.s32 @!p2 $0x0  }
0x1f: {  	s21 =	sadd.s32 $0x1, s14;
	p2 =	por !p3, p1;
	s18 =	smul.u32 @!p1 s19, s18  }
0x20: {  	s20 =	simm.s32 @!p2 $0x0;
	p2 =	sgt.s32 s21, $0x1D;
	s19 =	sadd.s32 $0x400, s15  }
0x21: {  	p0 =	por !p0, !p0;
	s22 =	smov.u32 @p2 s19  }
0x22: {  	s23 =	smov.u32 s16;
	s19 =	sadd.s32 $0x8, s16;
	p3 =	sgt.s32 s22, $0x3FF  }
0x23: {  	s24 =	simm.s32 @!p1 $0x2;
	s21 =	simm.s32 @p2 $0x0;
	s23 =	smov.u32 @p3 s19  }
0x24: {  	s18 =	smul.u32 @!p1 s20, s18;
	s20 =	smov.u32 s11;
	p2 =	sgt.s32 s23, $0x7  }
0x25: {  	s11 =	smov.u32 s14;
	s23 =	smov.u32 @p2 s1;
	p2 =	sne.s32 s17, s9  }
.Ltmp1:
0x26: {  	s14 =	smov.u32 s21;
	s22 =	smov.u32 @p3 s2;
	(pc) =	sbr.rel @!p2 .LBB1_8-.Ltmp1, $4  }
0x27: {  	s19 =	smov.u32 s13;
	s13 =	smov.u32 s16;
	s18 =	sand.u32 @!p1 $0x3FFFFFFF, s18  }
0x28: {  	_ =	swait.ge @!p1 [sflag:s24], s18;
	s25 =	ssub.s32 @!p1 $0x0, s18;
	s18 =	smov.u32 s12  }
0x29: {  	s17 =	sadd.s32 $0x1, s17;
	s12 =	smov.u32 s15;
	[sflag:s24] =	ssyncset.done @!p1 $0x0  }
0x2a: {  	s15 =	smov.u32 s22;
	s16 =	smov.u32 s23;
	[sflag:s24] =	ssyncadd.s32 @!p1 s25  }
.LBB1_1:
0x2b: {  	p1 =	sge.u32 s17, s6  }
0x2c: {  	s21 =	sxor.u32 @!p1 $0xFFFFFFFF, s17;
	s22 =	sshll.u32 @!p1 s16, $0x13  }
0x2d: {  	s23 =	sshll.u32 @!p1 s15, $0x9;
	s25 =	sshll.u32 @!p1 s14, $0x4;
	s26 =	simm.s32 @!p1 $0x40  }
0x2e: {  	s27 =	simm.s32 @!p1 $0x1000;
	s21 =	sshll.u32 @!p1 s21, $0xE;
	s24 =	sadd.s32 @!p1 s22, s23  }
0x2f: {  	s25 =	sand.u32 @!p1 $0x1F0, s25;
	s22 =	sadd.s32 @!p1 s22, s8;
	s24 =	sadd.s32 @!p1 s7, s24  }
0x30: {  	s21 =	sand.u32 @!p1 $0x4000, s21;
	s22 =	sadd.s32 @!p1 s23, s22;
	s24 =	sadd.s32 @!p1 s25, s24  }
0x31: {  	[tilespmem:s21], [sflag:$0x1] =	stream.strided.gather @!p1 [hbm4b:s24+s26], $0x2000, s27, s26, $0x38;
	[tilespmem:$0x10100] =	vst v63  }
0x32: {  	s31 =	sadd.s32 $0xFFFFFFFF, s17;
	s22 =	sadd.s32 @!p1 s25, s22;
	s21 =	sor.u32 @!p1 $0x2000, s21  }
0x33: {  	[tilespmem:s21], [sflag:$0x1] =	stream.strided.gather @!p1 [hbm4b:s22+s26], $0x2000, s27, s26, $0x38;
	[tilespmem:$0x10100] =	vst v63  }
0x34: {  	p1 =	sge.u32 s31, s6  }
.Ltmp2:
0x35: {  	_ = 	snop;
	(pc) =	sbr.rel @p1 .LBB1_7-.Ltmp2, $1  }
0x36: {  	_ =	sdelay $0x3  }
0x37: {  	s21 =	simm.s32 $0x1;
	s23 =	sand.u32 $0x1, s17  }
0x38: {  	_ =	swait.ge [sflag:s5], $0x4000;
	s21 =	simm.s32 @!p0 $0x0;
	s23 =	smul.u32 $0x10200, s23  }
0x39: {  	p2 =	por $0x1, $0x1;
	[sflag:s5] =	ssyncset.done $0x0;
	s22 =	smul.u32 $0x10200, s21  }
0x3a: {  	s24 =	sshll.u32 s21, $0x10;
	[sflag:s5] =	ssyncadd.s32 $0xFFFFC000;
	s30 =	sshrl.u32 s23, $0x2  }
0x3b: {  	s31 =	sshrl.u32 s24, $0x2;
	s24 =	simm.s32 $0x0;
	s22 =	sshrl.u32 s22, $0x2  }
0x3c: {  	s21 =	sor.u32 $0x8000, s30;
	s23 =	sadd.s32 $0x20, s31;
	s22 =	sor.u32 $0x8000, s22  }
.LBB1_3:
0x3d: {  	s25 =	sshll.u32 s24, $0xD  }
0x3e: {  	s25 =	sand.u32 $0x3FFFE000, s25  }
0x3f: {  	s27 =	sadd.s32 s25, s23  }
0x40: {  	s31 =	smul.u32 $0x204, s24;
	v3 =	vld [tilespmem:s27+$0x10]  }
0x41: {  	v1 =	vld [tilespmem:s27+$0xFFFFFFF0]  }
0x42: {  	s24 =	sshra.s32 s31, $0x2;
	v0 =	vld [tilespmem:s27+$0x0]  }
0x43: {  	s24 =	sadd.s32 s24, s22;
	v2 =	vld [tilespmem:s27+$0xFFFFFFE0]  }
0x44: {  	s25 =	sadd.s32 $0x0, s24  }
0x45: {  	p1 =	por p2, p2;
	s26 =	simm.s32 $0x4;
	s27 =	sadd.s32 $0x40, s27;
	[tilespmem:s25+$0x3060 ss:$0x102] =	vst.msk $0xffff, v3  }
.LBB1_4:
0x46: {  	v3 =	vld [tilespmem:s27+$0x10];
	p2 =	sne.s32 s26, $0x1FC;
	[tilespmem:s25+$0x1020 ss:$0x102] =	vst.msk $0xffff, v1;
	s28 =	smov.u32 s26;
	s26 =	sadd.s32 $0x4, s26  }
.Ltmp3:
0x47: {  	v1 =	vld [tilespmem:s27+$0xFFFFFFF0];
	[tilespmem:s25+$0x2040 ss:$0x102] =	vst.msk $0xffff, v0;
	(pc) =	sbr.rel @p2 .LBB1_4-.Ltmp3, $4  }
0x48: {  	v0 =	vld [tilespmem:s27+$0x0];
	[tilespmem:s25+$0x0 ss:$0x102] =	vst.msk $0xffff, v2  }
0x49: {  	s25 =	sshra.s32 s28, $0x2;
	v2 =	vld [tilespmem:s27+$0xFFFFFFE0]  }
0x4a: {  	s25 =	sadd.s32 s25, s24  }
0x4b: {  	s27 =	sadd.s32 $0x40, s27;
	[tilespmem:s25+$0x3060 ss:$0x102] =	vst.msk $0xffff, v3  }
.Ltmp4:
0x4c: {  	(pc) =	sbr.rel @p1 .LBB1_3-.Ltmp4, $4  }
0x4d: {  	_ = 	snop  }
0x4e: {  	[tilespmem:s25+$0x1020 ss:$0x102] =	vst.msk $0xffff, v1  }
0x4f: {  	[tilespmem:s25+$0x2040 ss:$0x102] =	vst.msk $0xffff, v0  }
0x50: {  	s24 =	simm.s32 $0x1;
	p2 =	por $0x0, $0x0;
	[tilespmem:s25+$0x0 ss:$0x102] =	vst.msk $0xffff, v2  }
0x51: {  	p1 =	sgt.s32 s13, $0x6;
	s22 =	smov.u32 s13;
	s23 =	sshra.s32 s13, $0x1F  }
0x52: {  	s24 =	smov.u32 s11;
	s25 =	sand.u32 $0x78, s12;
	s26 =	smov.u32 s12  }
0x53: {  	s27 =	sshra.s32 s12, $0x1F;
	s28 =	sshll.u32 s13, $0x7;
	s29 =	sshra.s32 s11, $0x1F  }
0x54: {  	s22 =	simm.s32 @!p1 $0x6;
	p1 =	sgt.s32 s11, $0x1D;
	s23 =	sand.u32 s23, s13  }
0x55: {  	s31 =	sand.u32 s27, s12;
	s27 =	sand.u32 $0x380, s28;
	s22 =	ssub.s32 s22, s23  }
0x56: {  	s24 =	simm.s32 @!p1 $0x1D;
	p1 =	sgt.s32 s12, $0x380;
	s23 =	sadd.s32 $0xFFFFFFFA, s22  }
0x57: {  	s26 =	simm.s32 @!p1 $0x380;
	s22 =	ssub.s32 $0x8, s22;
	p1 =	sgt.s32 s23, $0x1  }
0x58: {  	s23 =	ssub.s32 s26, s31;
	s26 =	sand.u32 s29, s11;
	s29 =	smul.u32 $0x8C00, s11  }
0x59: {  	s24 =	ssub.s32 s24, s26;
	s22 =	simm.s32 @p1 $0x0;
	s30 =	sadd.s32 $0xFFFFFC80, s23  }
0x5a: {  	s23 =	ssub.s32 $0x400, s23;
	p1 =	sgt.s32 s30, $0x7F;
	s31 =	ssub.s32 $0x1E, s24  }
0x5b: {  	s24 =	sadd.s32 $0xFFFFFFE3, s24;
	s26 =	smul.u32 $0x23, s31;
	s23 =	simm.s32 @p1 $0x0  }
0x5c: {  	s28 =	sand.u32 $0x380, s12;
	p1 =	sgt.s32 s24, $0x0;
	s22 =	smul.u32 s22, s23  }
.Ltmp5:
0x5d: {  	s25 =	sor.u32 s25, s27;
	s26 =	simm.s32 @p1 $0x0;
	(pc) =	sbr.rel .LBB1_7-.Ltmp5, $4  }
0x5e: {  	s30 =	sand.u32 $0x7, s12;
	s23 =	sadd.s32 s4, s28;
	s22 =	smul.u32 s26, s22  }
0x5f: {  	s25 =	sshrl.u32 s25, $0x3;
	s31 =	sshll.u32 s30, $0x12;
	s23 =	sadd.s32 s29, s23  }
0x60: {  	s24 =	sor.u32 $0x100, s31;
	s23 =	sadd.s32 s25, s23;
	s22 =	sand.u32 $0x3FFFFFFF, s22  }
0x61: {  	[hbm4b:s23+s24] =	stream.strided.scatter [tilespmem:s21], [sflag:$0x2], s22, s10, s24, $0x20;
	[tilespmem:$0x10100] =	vst v63  }
.LBB1_8:
0x62: {  	_ =	sfence.sel $0x180000  }
0x63: {  	s1 =	simm.s32 $0x1;
	[bflag:$0x0] =	sbarrier.arrive $0xFFFF  }
0x64: {  	s31 =	simm.s32 $0x2;
	[sflag:s1] =	ssyncpa.u1 $0x1  }
0x65: {  	[sflag:s31] =	ssyncpa.u1 $0x1  }
0x66: {  	p0 =	sne.s32 s0, $0x0;
	_ =	strace $0x90000047  }
0x67: {  	s0 =	sadd.s32 @!p0 $0x100000, s3;
	[bflag:$0x2] =	sbarrier.arrive $0xFFFF  }
0x68: {  	[sflag:s0] =	ssyncadd.tile.s32 @!p0 $0x1;
	_ =	shalt  }
.Lfunc_end1:
_tile_overlayer_lowered:
.L_overlay_start_2:
0x69: {  	(tag) =	ssettag $0x2  }
0x6a: {  	s0 =	rddreg [dreg:$0x0];
	s2 =	stileid.u32  }
0x6b: {  	s1 =	rddreg [dreg:$0x1];
	p0 =	sne.s32 s2, $0x0  }
0x6c: {  	s3 =	rddreg [dreg:$0x2];
	[bflag:$0x3] =	sbarrier.arrive $0xFFFF;
	s2 =	simm.s32 @!p0 $0x1C01  }
0x6d: {  	[timem:s3], [sflag:s2] =	dma.local @!p0 [hbm:s0], s1  }
0x6e: {  	s0 =	simm.s32 @!p0 $0x1  }
0x6f: {  	_ =	swait.ge @!p0 [sflag:s0], s1  }
0x70: {  	s1 =	ssub.s32 @!p0 $0x0, s1;
	[sflag:s0] =	ssyncset.done @!p0 $0x0  }
0x71: {  	[sflag:s0] =	ssyncadd.s32 @!p0 s1  }
0x72: {  	[bflag:$0x3] =	sbarrier.arrive $0xFFFF  }
0x73: {  	_ =	shalt  }

</sc_bundles>
